<compile_context>
chip_gen: v7x
topology: tpu7x:2x2x1
jax: 0.10.2.dev20260603
libtpu: 0.0.44.dev20260713+nightly
codegen_flags: <defaults>
</compile_context>

<pallas_src>
import functools

import jax
import jax.numpy as jnp
from jax import lax
from jax.experimental import pallas as pl
from jax.experimental.pallas import tpu as pltpu
from jax.experimental.pallas import tpu_sc as plsc

KMAX = 10
KMIN = 10

NUM_CORES = 2
NUM_SUBCORES = 16
LANES = 16
TILE = 16
GROUP = 16


def _batcher(num):
    def oe_merge(lo, nn, r):
        step = r * 2
        if step < nn:
            yield from oe_merge(lo, nn, step)
            yield from oe_merge(lo + r, nn, step)
            for i in range(lo + r, lo + nn - r, step):
                yield (i, i + r)
        else:
            yield (lo, lo + r)

    def srt(lo, nn):
        if nn > 1:
            m = nn // 2
            yield from srt(lo, m)
            yield from srt(lo + m, m)
            yield from oe_merge(lo, nn, 1)

    return list(srt(0, num))


_SORT16 = _batcher(GROUP)


def _sort16_desc(v):
    v = list(v)
    for i, j in _SORT16:
        hi = jnp.maximum(v[i], v[j])
        lo = jnp.minimum(v[i], v[j])
        v[i], v[j] = hi, lo
    return v


def _pruned_merge16_ces():
    ces = []
    for d in (8, 4, 2, 1):
        for j in range(16):
            if (j % (2 * d)) < d:
                ces.append((j, j + d))
    needed = set(range(10))
    keep = []
    for i, j in reversed(ces):
        if i in needed or j in needed:
            keep.append((i, j))
            needed.add(i)
            needed.add(j)
    keep.reverse()
    return keep


_MERGE16 = _pruned_merge16_ces()


def _merge_top(T, A):
    D = list(T[:6]) + [jnp.maximum(T[6], A[9]), jnp.maximum(T[7], A[8]),
                       jnp.maximum(T[8], A[7]), jnp.maximum(T[9], A[6]),
                       A[5], A[4], A[3], A[2], A[1], A[0]]
    for i, j in _MERGE16:
        hi = jnp.maximum(D[i], D[j])
        lo = jnp.minimum(D[i], D[j])
        D[i], D[j] = hi, lo
    return D[:10]


def _merge_bot(B, A):
    D = list(B[:6]) + [jnp.minimum(B[6], A[6]), jnp.minimum(B[7], A[7]),
                       jnp.minimum(B[8], A[8]), jnp.minimum(B[9], A[9]),
                       A[10], A[11], A[12], A[13], A[14], A[15]]
    for i, j in _MERGE16:
        lo = jnp.minimum(D[i], D[j])
        hi = jnp.maximum(D[i], D[j])
        D[i], D[j] = lo, hi
    return D[:10]


def _make_sc_kernel(rows, n, num_cores=NUM_CORES):
    num_workers = num_cores * NUM_SUBCORES
    rows_per_w = rows // num_workers
    tiles = rows_per_w // TILE
    groups = n // GROUP

    mesh = plsc.VectorSubcoreMesh(
        core_axis_name="c", subcore_axis_name="s",
        num_cores=num_cores, num_subcores=NUM_SUBCORES)

    @functools.partial(
        pl.kernel,
        mesh=mesh,
        out_type=jax.ShapeDtypeStruct((rows,), jnp.float32),
        scratch_types=[
            pltpu.VMEM((TILE, n), jnp.float32),
            pltpu.VMEM((TILE, n), jnp.float32),
            pltpu.VMEM((rows_per_w,), jnp.float32),
            pltpu.SemaphoreType.DMA,
            pltpu.SemaphoreType.DMA,
        ],
        compiler_params=pltpu.CompilerParams(
            use_tc_tiling_on_sc=False, needs_layout_passes=False),
    )
    def k(x_hbm, out_hbm, buf_a, buf_b, out_v, sem_a, sem_b):
        wid = lax.axis_index("s") * NUM_CORES + lax.axis_index("c")
        row0 = wid * rows_per_w
        lanes = lax.iota(jnp.int32, LANES)
        rot = lanes * 17
        neg = jnp.full((LANES,), -jnp.inf, jnp.float32)
        pos = jnp.full((LANES,), jnp.inf, jnp.float32)

        SPLIT = (n - 255 - (GROUP - 1)) // GROUP

        def src(t):
            return x_hbm.at[pl.ds(row0 + t * TILE, TILE)]

        def process(buf_v, t):
            def consume(T, Bo, A):
                A = _sort16_desc(A)
                return _merge_top(T, A), _merge_bot(Bo, A)

            def group_body_a(g, carry):
                T = list(carry[:KMAX])
                Bo = list(carry[KMAX:2 * KMAX])
                iv = carry[2 * KMAX]
                A = [plsc.load_gather(buf_v, [lanes, iv + kk])
                     for kk in range(GROUP)]
                T, Bo = consume(T, Bo, A)
                return tuple(T) + tuple(Bo) + (iv + GROUP,)

            def group_body_b(g, carry):
                T = list(carry[:KMAX])
                Bo = list(carry[KMAX:2 * KMAX])
                iv = carry[2 * KMAX]
                A = [plsc.load_gather(buf_v, [lanes, (iv + kk) & (n - 1)])
                     for kk in range(GROUP)]
                T, Bo = consume(T, Bo, A)
                return tuple(T) + tuple(Bo) + (iv + GROUP,)

            init = (neg,) * KMAX + (pos,) * KMAX + (rot,)
            mid = lax.fori_loop(0, SPLIT, group_body_a, init)
            init_b = mid[:2 * KMAX] + (rot + SPLIT * GROUP,)
            fin = lax.fori_loop(SPLIT, groups, group_body_b, init_b)
            top_sum = fin[0]
            for j in range(1, KMAX):
                top_sum = top_sum + fin[j]
            bot_sum = fin[KMAX]
            for j in range(1, KMIN):
                bot_sum = bot_sum + fin[KMAX + j]
            res = (top_sum / KMAX + bot_sum / KMIN) * jnp.float32(0.5)
            out_v[pl.ds(t * TILE, TILE)] = res

        npairs = tiles // 2
        pltpu.async_copy(src(0), buf_a, sem_a)

        def pair_body(tp, _):
            t0 = 2 * tp
            pltpu.make_async_copy(src(t0), buf_a, sem_a).wait()
            pltpu.async_copy(src(t0 + 1), buf_b, sem_b)
            process(buf_a, t0)
            pltpu.make_async_copy(src(t0 + 1), buf_b, sem_b).wait()

            @pl.when(tp + 1 < npairs)
            def _prefetch_next():
                pltpu.async_copy(src(t0 + 2), buf_a, sem_a)

            process(buf_b, t0 + 1)
            return 0

        lax.fori_loop(0, npairs, pair_body, 0)
        pltpu.sync_copy(out_v, out_hbm.at[pl.ds(row0, rows_per_w)])

    return k


def kernel(input):
    B, C, H, W = input.shape
    n = H * W
    rows = B * C
    x = input.reshape(rows, n)
    out = _make_sc_kernel(rows, n)(x)
    return out.reshape(B, C)

# --- scband reference (transcript-rebuilt; emitter-appended) ---
"""Pipeline reference for scband-weldon-pool2d-30477087932836 (READ-ONLY COPY).

The authoritative reference and input builder live on the scoring server;
editing this copy changes nothing except your own understanding.
"""

import jax, jax.numpy as jnp
import numpy as np

KMAX = 10
KMIN = 10


def setup_inputs(seed: int = 0) -> dict:
    key = jax.random.key(seed)
    x = jax.random.normal(key, (32, 768, 32, 32), dtype=jnp.float32)
    return {"input": x}


def reference(input):
    # WeldonPool2d: average of top-kmax activations plus average of bottom-kmin
    # activations over the spatial dimension, per (batch, channel).
    B, C, H, W = input.shape
    n = H * W
    # get_number_of_instances with integer k in (0, n]: kmax=KMAX, kmin=KMIN
    x = input.reshape(B, C, n)
    # sort descending along spatial dim
    s = jnp.sort(x, axis=2)[:, :, ::-1]
    out = jnp.sum(s[:, :, :KMAX], axis=2) / KMAX
    # kmin > 0 branch
    out = (out + jnp.sum(s[:, :, n - KMIN:], axis=2) / KMIN) / 2.0
    return out

if __name__ == "__main__":
    import jax
    _d = setup_inputs()
    print(jax.jit(kernel)(*tuple(_d.values())))

</pallas_src>

<mosaic_0001>
#map = affine_map<(d0, d1) -> (0, 0)>
#map1 = affine_map<(d0, d1) -> (0)>
module attributes {stable_mosaic.version = 14 : i64} {
  func.func @k(%arg0: i32, %arg1: i32, %arg2: memref<24576x1024xf32, #tpu.memory_space<hbm>>, %arg3: memref<24576xf32, #tpu.memory_space<hbm>>, %arg4: memref<16x1024xf32, #tpu.memory_space<vmem>>, %arg5: memref<16x1024xf32, #tpu.memory_space<vmem>>, %arg6: memref<768xf32, #tpu.memory_space<vmem>>, %arg7: memref<!tpu.dma_semaphore, #tpu.memory_space<semaphore_mem>>, %arg8: memref<!tpu.dma_semaphore, #tpu.memory_space<semaphore_mem>>) attributes {dimension_semantics = [#tpu.dimension_semantics<core_parallel>, #tpu.dimension_semantics<subcore_parallel>], iteration_bounds = array<i64: 2, 16>, scalar_prefetch = 0 : i64, scratch_operands = 5 : i64, tpu.core_type = #tpu.core_type<sc_vector_subcore>, window_params = [{transform_indices = #map}, {transform_indices = #map1}]} {
    %mul3A = arith.constant 2 : i32
    %mul3A_0 = arith.muli %arg1, %mul3A : i32
    %add3A = arith.addi %mul3A_0, %arg0 : i32
    %mul3A_1 = arith.constant 768 : i32
    %mul3A_2 = arith.muli %add3A, %mul3A_1 : i32
    %iota3A = tpu.iota {dimensions = array<i32: 0>} : vector<16xi32>
    %mul3A_3 = arith.constant 17 : i32
    %mul3A_4 = vector.broadcast %mul3A_3 : i32 to vector<16xi32>
    %mul3A_5 = arith.muli %iota3A, %mul3A_4 : vector<16xi32>
    %broadcast_in_dim3A = arith.constant 0xFF800000 : f32
    %broadcast_in_dim3A_6 = vector.broadcast %broadcast_in_dim3A : f32 to vector<16xf32>
    %broadcast_in_dim3A_7 = arith.constant 0x7F800000 : f32
    %broadcast_in_dim3A_8 = vector.broadcast %broadcast_in_dim3A_7 : f32 to vector<16xf32>
    %add3A_9 = arith.constant 0 : i32
    %add3A_10 = arith.addi %mul3A_2, %add3A_9 : i32
    %dma_start3A = arith.constant 0 : i32
    %dma_start3A_11 = tpu.memref_slice %arg2[%add3A_10, %dma_start3A] : memref<24576x1024xf32, #tpu.memory_space<hbm>> -> memref<16x1024xf32, #tpu.memory_space<hbm>>
    %dma_start3A_12 = arith.constant 0 : i32
    %dma_start3A_13 = tpu.memref_slice %arg2[%add3A_10, %dma_start3A_12] : memref<24576x1024xf32, #tpu.memory_space<hbm>> -> memref<16x1024xf32, #tpu.memory_space<hbm>>
    tpu.enqueue_dma source(%dma_start3A_13 : memref<16x1024xf32, #tpu.memory_space<hbm>>) target(%arg4 : memref<16x1024xf32, #tpu.memory_space<vmem>>) target_semaphore(%arg7 : memref<!tpu.dma_semaphore, #tpu.memory_space<semaphore_mem>>)
    %scan3A = arith.constant 0 : i32
    %scan3A_14 = arith.constant 0 : i32
    %scan3A_15 = arith.constant 24 : i32
    %scan3A_16 = arith.addi %scan3A_14, %scan3A_15 : i32
    %scan3A_17 = arith.constant 1 : i32
    %scan3A_18 = scf.for %scan3A_20 = %scan3A_14 to %scan3A_16 step %scan3A_17 iter_args(%scan3A_21 = %scan3A) -> (i32)  : i32 {
      %mul3A_22 = arith.constant 2 : i32
      %mul3A_23 = arith.muli %mul3A_22, %scan3A_20 : i32
      %mul3A_24 = arith.constant 16 : i32
      %mul3A_25 = arith.muli %mul3A_23, %mul3A_24 : i32
      %add3A_26 = arith.addi %mul3A_2, %mul3A_25 : i32
      %dma_wait3A = arith.constant 0 : i32
      %dma_wait3A_27 = tpu.memref_slice %arg2[%add3A_26, %dma_wait3A] : memref<24576x1024xf32, #tpu.memory_space<hbm>> -> memref<16x1024xf32, #tpu.memory_space<hbm>>
      %dma_wait3A_28 = arith.constant 0 : i32
      %dma_wait3A_29 = tpu.memref_slice %arg2[%add3A_26, %dma_wait3A_28] : memref<24576x1024xf32, #tpu.memory_space<hbm>> -> memref<16x1024xf32, #tpu.memory_space<hbm>>
      tpu.wait_dma2 semaphore(%arg7 : memref<!tpu.dma_semaphore, #tpu.memory_space<semaphore_mem>>) src(%dma_wait3A_29 : memref<16x1024xf32, #tpu.memory_space<hbm>>) dst(%arg4 : memref<16x1024xf32, #tpu.memory_space<vmem>>)
      %add3A_30 = arith.constant 1 : i32
      %add3A_31 = arith.addi %mul3A_23, %add3A_30 : i32
      %mul3A_32 = arith.constant 16 : i32
      %mul3A_33 = arith.muli %add3A_31, %mul3A_32 : i32
      %add3A_34 = arith.addi %mul3A_2, %mul3A_33 : i32
      %dma_start3A_35 = arith.constant 0 : i32
      %dma_start3A_36 = tpu.memref_slice %arg2[%add3A_34, %dma_start3A_35] : memref<24576x1024xf32, #tpu.memory_space<hbm>> -> memref<16x1024xf32, #tpu.memory_space<hbm>>
      %dma_start3A_37 = arith.constant 0 : i32
      %dma_start3A_38 = tpu.memref_slice %arg2[%add3A_34, %dma_start3A_37] : memref<24576x1024xf32, #tpu.memory_space<hbm>> -> memref<16x1024xf32, #tpu.memory_space<hbm>>
      tpu.enqueue_dma source(%dma_start3A_38 : memref<16x1024xf32, #tpu.memory_space<hbm>>) target(%arg5 : memref<16x1024xf32, #tpu.memory_space<vmem>>) target_semaphore(%arg8 : memref<!tpu.dma_semaphore, #tpu.memory_space<semaphore_mem>>)
      %scan3A_39 = arith.constant 0 : i32
      %scan3A_40 = arith.constant 47 : i32
      %scan3A_41 = arith.addi %scan3A_39, %scan3A_40 : i32
      %scan3A_42 = arith.constant 1 : i32
      %scan3A_43:21 = scf.for %scan3A_147 = %scan3A_39 to %scan3A_41 step %scan3A_42 iter_args(%scan3A_148 = %broadcast_in_dim3A_6, %scan3A_149 = %broadcast_in_dim3A_6, %scan3A_150 = %broadcast_in_dim3A_6, %scan3A_151 = %broadcast_in_dim3A_6, %scan3A_152 = %broadcast_in_dim3A_6, %scan3A_153 = %broadcast_in_dim3A_6, %scan3A_154 = %broadcast_in_dim3A_6, %scan3A_155 = %broadcast_in_dim3A_6, %scan3A_156 = %broadcast_in_dim3A_6, %scan3A_157 = %broadcast_in_dim3A_6, %scan3A_158 = %broadcast_in_dim3A_8, %scan3A_159 = %broadcast_in_dim3A_8, %scan3A_160 = %broadcast_in_dim3A_8, %scan3A_161 = %broadcast_in_dim3A_8, %scan3A_162 = %broadcast_in_dim3A_8, %scan3A_163 = %broadcast_in_dim3A_8, %scan3A_164 = %broadcast_in_dim3A_8, %scan3A_165 = %broadcast_in_dim3A_8, %scan3A_166 = %broadcast_in_dim3A_8, %scan3A_167 = %broadcast_in_dim3A_8, %scan3A_168 = %mul3A_5) -> (vector<16xf32>, vector<16xf32>, vector<16xf32>, vector<16xf32>, vector<16xf32>, vector<16xf32>, vector<16xf32>, vector<16xf32>, vector<16xf32>, vector<16xf32>, vector<16xf32>, vector<16xf32>, vector<16xf32>, vector<16xf32>, vector<16xf32>, vector<16xf32>, vector<16xf32>, vector<16xf32>, vector<16xf32>, vector<16xf32>, vector<16xi32>)  : i32 {
        %add3A_169 = arith.constant 0 : i32
        %add3A_170 = vector.broadcast %add3A_169 : i32 to vector<16xi32>
        %add3A_171 = arith.addi %scan3A_168, %add3A_170 : vector<16xi32>
        %gather3A = tpu.vector_load_idx %arg4[%iota3A, %add3A_171] : memref<16x1024xf32, #tpu.memory_space<vmem>>[vector<16xi32>, vector<16xi32>], vector<16xf32>,
        %add3A_172 = arith.constant 1 : i32
        %add3A_173 = vector.broadcast %add3A_172 : i32 to vector<16xi32>
        %add3A_174 = arith.addi %scan3A_168, %add3A_173 : vector<16xi32>
        %gather3A_175 = tpu.vector_load_idx %arg4[%iota3A, %add3A_174] : memref<16x1024xf32, #tpu.memory_space<vmem>>[vector<16xi32>, vector<16xi32>], vector<16xf32>,
        %add3A_176 = arith.constant 2 : i32
        %add3A_177 = vector.broadcast %add3A_176 : i32 to vector<16xi32>
        %add3A_178 = arith.addi %scan3A_168, %add3A_177 : vector<16xi32>
        %gather3A_179 = tpu.vector_load_idx %arg4[%iota3A, %add3A_178] : memref<16x1024xf32, #tpu.memory_space<vmem>>[vector<16xi32>, vector<16xi32>], vector<16xf32>,
        %add3A_180 = arith.constant 3 : i32
        %add3A_181 = vector.broadcast %add3A_180 : i32 to vector<16xi32>
        %add3A_182 = arith.addi %scan3A_168, %add3A_181 : vector<16xi32>
        %gather3A_183 = tpu.vector_load_idx %arg4[%iota3A, %add3A_182] : memref<16x1024xf32, #tpu.memory_space<vmem>>[vector<16xi32>, vector<16xi32>], vector<16xf32>,
        %add3A_184 = arith.constant 4 : i32
        %add3A_185 = vector.broadcast %add3A_184 : i32 to vector<16xi32>
        %add3A_186 = arith.addi %scan3A_168, %add3A_185 : vector<16xi32>
        %gather3A_187 = tpu.vector_load_idx %arg4[%iota3A, %add3A_186] : memref<16x1024xf32, #tpu.memory_space<vmem>>[vector<16xi32>, vector<16xi32>], vector<16xf32>,
        %add3A_188 = arith.constant 5 : i32
        %add3A_189 = vector.broadcast %add3A_188 : i32 to vector<16xi32>
        %add3A_190 = arith.addi %scan3A_168, %add3A_189 : vector<16xi32>
        %gather3A_191 = tpu.vector_load_idx %arg4[%iota3A, %add3A_190] : memref<16x1024xf32, #tpu.memory_space<vmem>>[vector<16xi32>, vector<16xi32>], vector<16xf32>,
        %add3A_192 = arith.constant 6 : i32
        %add3A_193 = vector.broadcast %add3A_192 : i32 to vector<16xi32>
        %add3A_194 = arith.addi %scan3A_168, %add3A_193 : vector<16xi32>
        %gather3A_195 = tpu.vector_load_idx %arg4[%iota3A, %add3A_194] : memref<16x1024xf32, #tpu.memory_space<vmem>>[vector<16xi32>, vector<16xi32>], vector<16xf32>,
        %add3A_196 = arith.constant 7 : i32
        %add3A_197 = vector.broadcast %add3A_196 : i32 to vector<16xi32>
        %add3A_198 = arith.addi %scan3A_168, %add3A_197 : vector<16xi32>
        %gather3A_199 = tpu.vector_load_idx %arg4[%iota3A, %add3A_198] : memref<16x1024xf32, #tpu.memory_space<vmem>>[vector<16xi32>, vector<16xi32>], vector<16xf32>,
        %add3A_200 = arith.constant 8 : i32
        %add3A_201 = vector.broadcast %add3A_200 : i32 to vector<16xi32>
        %add3A_202 = arith.addi %scan3A_168, %add3A_201 : vector<16xi32>
        %gather3A_203 = tpu.vector_load_idx %arg4[%iota3A, %add3A_202] : memref<16x1024xf32, #tpu.memory_space<vmem>>[vector<16xi32>, vector<16xi32>], vector<16xf32>,
        %add3A_204 = arith.constant 9 : i32
        %add3A_205 = vector.broadcast %add3A_204 : i32 to vector<16xi32>
        %add3A_206 = arith.addi %scan3A_168, %add3A_205 : vector<16xi32>
        %gather3A_207 = tpu.vector_load_idx %arg4[%iota3A, %add3A_206] : memref<16x1024xf32, #tpu.memory_space<vmem>>[vector<16xi32>, vector<16xi32>], vector<16xf32>,
        %add3A_208 = arith.constant 10 : i32
        %add3A_209 = vector.broadcast %add3A_208 : i32 to vector<16xi32>
        %add3A_210 = arith.addi %scan3A_168, %add3A_209 : vector<16xi32>
        %gather3A_211 = tpu.vector_load_idx %arg4[%iota3A, %add3A_210] : memref<16x1024xf32, #tpu.memory_space<vmem>>[vector<16xi32>, vector<16xi32>], vector<16xf32>,
        %add3A_212 = arith.constant 11 : i32
        %add3A_213 = vector.broadcast %add3A_212 : i32 to vector<16xi32>
        %add3A_214 = arith.addi %scan3A_168, %add3A_213 : vector<16xi32>
        %gather3A_215 = tpu.vector_load_idx %arg4[%iota3A, %add3A_214] : memref<16x1024xf32, #tpu.memory_space<vmem>>[vector<16xi32>, vector<16xi32>], vector<16xf32>,
        %add3A_216 = arith.constant 12 : i32
        %add3A_217 = vector.broadcast %add3A_216 : i32 to vector<16xi32>
        %add3A_218 = arith.addi %scan3A_168, %add3A_217 : vector<16xi32>
        %gather3A_219 = tpu.vector_load_idx %arg4[%iota3A, %add3A_218] : memref<16x1024xf32, #tpu.memory_space<vmem>>[vector<16xi32>, vector<16xi32>], vector<16xf32>,
        %add3A_220 = arith.constant 13 : i32
        %add3A_221 = vector.broadcast %add3A_220 : i32 to vector<16xi32>
        %add3A_222 = arith.addi %scan3A_168, %add3A_221 : vector<16xi32>
        %gather3A_223 = tpu.vector_load_idx %arg4[%iota3A, %add3A_222] : memref<16x1024xf32, #tpu.memory_space<vmem>>[vector<16xi32>, vector<16xi32>], vector<16xf32>,
        %add3A_224 = arith.constant 14 : i32
        %add3A_225 = vector.broadcast %add3A_224 : i32 to vector<16xi32>
        %add3A_226 = arith.addi %scan3A_168, %add3A_225 : vector<16xi32>
        %gather3A_227 = tpu.vector_load_idx %arg4[%iota3A, %add3A_226] : memref<16x1024xf32, #tpu.memory_space<vmem>>[vector<16xi32>, vector<16xi32>], vector<16xf32>,
        %add3A_228 = arith.constant 15 : i32
        %add3A_229 = vector.broadcast %add3A_228 : i32 to vector<16xi32>
        %add3A_230 = arith.addi %scan3A_168, %add3A_229 : vector<16xi32>
        %gather3A_231 = tpu.vector_load_idx %arg4[%iota3A, %add3A_230] : memref<16x1024xf32, #tpu.memory_space<vmem>>[vector<16xi32>, vector<16xi32>], vector<16xf32>,
        %max3A = arith.maximumf %gather3A, %gather3A_175 : vector<16xf32>
        %min3A = arith.minimumf %gather3A, %gather3A_175 : vector<16xf32>
        %max3A_232 = arith.maximumf %gather3A_179, %gather3A_183 : vector<16xf32>
        %min3A_233 = arith.minimumf %gather3A_179, %gather3A_183 : vector<16xf32>
        %max3A_234 = arith.maximumf %max3A, %max3A_232 : vector<16xf32>
        %min3A_235 = arith.minimumf %max3A, %max3A_232 : vector<16xf32>
        %max3A_236 = arith.maximumf %min3A, %min3A_233 : vector<16xf32>
        %min3A_237 = arith.minimumf %min3A, %min3A_233 : vector<16xf32>
        %max3A_238 = arith.maximumf %max3A_236, %min3A_235 : vector<16xf32>
        %min3A_239 = arith.minimumf %max3A_236, %min3A_235 : vector<16xf32>
        %max3A_240 = arith.maximumf %gather3A_187, %gather3A_191 : vector<16xf32>
        %min3A_241 = arith.minimumf %gather3A_187, %gather3A_191 : vector<16xf32>
        %max3A_242 = arith.maximumf %gather3A_195, %gather3A_199 : vector<16xf32>
        %min3A_243 = arith.minimumf %gather3A_195, %gather3A_199 : vector<16xf32>
        %max3A_244 = arith.maximumf %max3A_240, %max3A_242 : vector<16xf32>
        %min3A_245 = arith.minimumf %max3A_240, %max3A_242 : vector<16xf32>
        %max3A_246 = arith.maximumf %min3A_241, %min3A_243 : vector<16xf32>
        %min3A_247 = arith.minimumf %min3A_241, %min3A_243 : vector<16xf32>
        %max3A_248 = arith.maximumf %max3A_246, %min3A_245 : vector<16xf32>
        %min3A_249 = arith.minimumf %max3A_246, %min3A_245 : vector<16xf32>
        %max3A_250 = arith.maximumf %max3A_234, %max3A_244 : vector<16xf32>
        %min3A_251 = arith.minimumf %max3A_234, %max3A_244 : vector<16xf32>
        %max3A_252 = arith.maximumf %min3A_239, %min3A_249 : vector<16xf32>
        %min3A_253 = arith.minimumf %min3A_239, %min3A_249 : vector<16xf32>
        %max3A_254 = arith.maximumf %max3A_252, %min3A_251 : vector<16xf32>
        %min3A_255 = arith.minimumf %max3A_252, %min3A_251 : vector<16xf32>
        %max3A_256 = arith.maximumf %max3A_238, %max3A_248 : vector<16xf32>
        %min3A_257 = arith.minimumf %max3A_238, %max3A_248 : vector<16xf32>
        %max3A_258 = arith.maximumf %min3A_237, %min3A_247 : vector<16xf32>
        %min3A_259 = arith.minimumf %min3A_237, %min3A_247 : vector<16xf32>
        %max3A_260 = arith.maximumf %max3A_258, %min3A_257 : vector<16xf32>
        %min3A_261 = arith.minimumf %max3A_258, %min3A_257 : vector<16xf32>
        %max3A_262 = arith.maximumf %max3A_256, %max3A_254 : vector<16xf32>
        %min3A_263 = arith.minimumf %max3A_256, %max3A_254 : vector<16xf32>
        %max3A_264 = arith.maximumf %max3A_260, %min3A_255 : vector<16xf32>
        %min3A_265 = arith.minimumf %max3A_260, %min3A_255 : vector<16xf32>
        %max3A_266 = arith.maximumf %min3A_261, %min3A_253 : vector<16xf32>
        %min3A_267 = arith.minimumf %min3A_261, %min3A_253 : vector<16xf32>
        %max3A_268 = arith.maximumf %gather3A_203, %gather3A_207 : vector<16xf32>
        %min3A_269 = arith.minimumf %gather3A_203, %gather3A_207 : vector<16xf32>
        %max3A_270 = arith.maximumf %gather3A_211, %gather3A_215 : vector<16xf32>
        %min3A_271 = arith.minimumf %gather3A_211, %gather3A_215 : vector<16xf32>
        %max3A_272 = arith.maximumf %max3A_268, %max3A_270 : vector<16xf32>
        %min3A_273 = arith.minimumf %max3A_268, %max3A_270 : vector<16xf32>
        %max3A_274 = arith.maximumf %min3A_269, %min3A_271 : vector<16xf32>
        %min3A_275 = arith.minimumf %min3A_269, %min3A_271 : vector<16xf32>
        %max3A_276 = arith.maximumf %max3A_274, %min3A_273 : vector<16xf32>
        %min3A_277 = arith.minimumf %max3A_274, %min3A_273 : vector<16xf32>
        %max3A_278 = arith.maximumf %gather3A_219, %gather3A_223 : vector<16xf32>
        %min3A_279 = arith.minimumf %gather3A_219, %gather3A_223 : vector<16xf32>
        %max3A_280 = arith.maximumf %gather3A_227, %gather3A_231 : vector<16xf32>
        %min3A_281 = arith.minimumf %gather3A_227, %gather3A_231 : vector<16xf32>
        %max3A_282 = arith.maximumf %max3A_278, %max3A_280 : vector<16xf32>
        %min3A_283 = arith.minimumf %max3A_278, %max3A_280 : vector<16xf32>
        %max3A_284 = arith.maximumf %min3A_279, %min3A_281 : vector<16xf32>
        %min3A_285 = arith.minimumf %min3A_279, %min3A_281 : vector<16xf32>
        %max3A_286 = arith.maximumf %max3A_284, %min3A_283 : vector<16xf32>
        %min3A_287 = arith.minimumf %max3A_284, %min3A_283 : vector<16xf32>
        %max3A_288 = arith.maximumf %max3A_272, %max3A_282 : vector<16xf32>
        %min3A_289 = arith.minimumf %max3A_272, %max3A_282 : vector<16xf32>
        %max3A_290 = arith.maximumf %min3A_277, %min3A_287 : vector<16xf32>
        %min3A_291 = arith.minimumf %min3A_277, %min3A_287 : vector<16xf32>
        %max3A_292 = arith.maximumf %max3A_290, %min3A_289 : vector<16xf32>
        %min3A_293 = arith.minimumf %max3A_290, %min3A_289 : vector<16xf32>
        %max3A_294 = arith.maximumf %max3A_276, %max3A_286 : vector<16xf32>
        %min3A_295 = arith.minimumf %max3A_276, %max3A_286 : vector<16xf32>
        %max3A_296 = arith.maximumf %min3A_275, %min3A_285 : vector<16xf32>
        %min3A_297 = arith.minimumf %min3A_275, %min3A_285 : vector<16xf32>
        %max3A_298 = arith.maximumf %max3A_296, %min3A_295 : vector<16xf32>
        %min3A_299 = arith.minimumf %max3A_296, %min3A_295 : vector<16xf32>
        %max3A_300 = arith.maximumf %max3A_294, %max3A_292 : vector<16xf32>
        %min3A_301 = arith.minimumf %max3A_294, %max3A_292 : vector<16xf32>
        %max3A_302 = arith.maximumf %max3A_298, %min3A_293 : vector<16xf32>
        %min3A_303 = arith.minimumf %max3A_298, %min3A_293 : vector<16xf32>
        %max3A_304 = arith.maximumf %min3A_299, %min3A_291 : vector<16xf32>
        %min3A_305 = arith.minimumf %min3A_299, %min3A_291 : vector<16xf32>
        %max3A_306 = arith.maximumf %max3A_250, %max3A_288 : vector<16xf32>
        %min3A_307 = arith.minimumf %max3A_250, %max3A_288 : vector<16xf32>
        %max3A_308 = arith.maximumf %min3A_265, %min3A_303 : vector<16xf32>
        %min3A_309 = arith.minimumf %min3A_265, %min3A_303 : vector<16xf32>
        %max3A_310 = arith.maximumf %max3A_308, %min3A_307 : vector<16xf32>
        %min3A_311 = arith.minimumf %max3A_308, %min3A_307 : vector<16xf32>
        %max3A_312 = arith.maximumf %min3A_263, %min3A_301 : vector<16xf32>
        %min3A_313 = arith.minimumf %min3A_263, %min3A_301 : vector<16xf32>
        %max3A_314 = arith.maximumf %min3A_267, %min3A_305 : vector<16xf32>
        %min3A_315 = arith.minimumf %min3A_267, %min3A_305 : vector<16xf32>
        %max3A_316 = arith.maximumf %max3A_314, %min3A_313 : vector<16xf32>
        %min3A_317 = arith.minimumf %max3A_314, %min3A_313 : vector<16xf32>
        %max3A_318 = arith.maximumf %max3A_312, %max3A_310 : vector<16xf32>
        %min3A_319 = arith.minimumf %max3A_312, %max3A_310 : vector<16xf32>
        %max3A_320 = arith.maximumf %max3A_316, %min3A_311 : vector<16xf32>
        %min3A_321 = arith.minimumf %max3A_316, %min3A_311 : vector<16xf32>
        %max3A_322 = arith.maximumf %min3A_317, %min3A_309 : vector<16xf32>
        %min3A_323 = arith.minimumf %min3A_317, %min3A_309 : vector<16xf32>
        %max3A_324 = arith.maximumf %max3A_262, %max3A_300 : vector<16xf32>
        %min3A_325 = arith.minimumf %max3A_262, %max3A_300 : vector<16xf32>
        %max3A_326 = arith.maximumf %max3A_266, %max3A_304 : vector<16xf32>
        %min3A_327 = arith.minimumf %max3A_266, %max3A_304 : vector<16xf32>
        %max3A_328 = arith.maximumf %max3A_326, %min3A_325 : vector<16xf32>
        %min3A_329 = arith.minimumf %max3A_326, %min3A_325 : vector<16xf32>
        %max3A_330 = arith.maximumf %max3A_264, %max3A_302 : vector<16xf32>
        %min3A_331 = arith.minimumf %max3A_264, %max3A_302 : vector<16xf32>
        %max3A_332 = arith.maximumf %min3A_259, %min3A_297 : vector<16xf32>
        %min3A_333 = arith.minimumf %min3A_259, %min3A_297 : vector<16xf32>
        %max3A_334 = arith.maximumf %max3A_332, %min3A_331 : vector<16xf32>
        %min3A_335 = arith.minimumf %max3A_332, %min3A_331 : vector<16xf32>
        %max3A_336 = arith.maximumf %max3A_330, %max3A_328 : vector<16xf32>
        %min3A_337 = arith.minimumf %max3A_330, %max3A_328 : vector<16xf32>
        %max3A_338 = arith.maximumf %max3A_334, %min3A_329 : vector<16xf32>
        %min3A_339 = arith.minimumf %max3A_334, %min3A_329 : vector<16xf32>
        %max3A_340 = arith.maximumf %min3A_335, %min3A_327 : vector<16xf32>
        %min3A_341 = arith.minimumf %min3A_335, %min3A_327 : vector<16xf32>
        %max3A_342 = arith.maximumf %max3A_324, %max3A_318 : vector<16xf32>
        %min3A_343 = arith.minimumf %max3A_324, %max3A_318 : vector<16xf32>
        %max3A_344 = arith.maximumf %max3A_336, %min3A_319 : vector<16xf32>
        %min3A_345 = arith.minimumf %max3A_336, %min3A_319 : vector<16xf32>
        %max3A_346 = arith.maximumf %min3A_337, %max3A_320 : vector<16xf32>
        %min3A_347 = arith.minimumf %min3A_337, %max3A_320 : vector<16xf32>
        %max3A_348 = arith.maximumf %max3A_338, %min3A_321 : vector<16xf32>
        %min3A_349 = arith.minimumf %max3A_338, %min3A_321 : vector<16xf32>
        %max3A_350 = arith.maximumf %min3A_339, %max3A_322 : vector<16xf32>
        %min3A_351 = arith.minimumf %min3A_339, %max3A_322 : vector<16xf32>
        %max3A_352 = arith.maximumf %max3A_340, %min3A_323 : vector<16xf32>
        %min3A_353 = arith.minimumf %max3A_340, %min3A_323 : vector<16xf32>
        %max3A_354 = arith.maximumf %min3A_341, %min3A_315 : vector<16xf32>
        %min3A_355 = arith.minimumf %min3A_341, %min3A_315 : vector<16xf32>
        %max3A_356 = arith.maximumf %scan3A_154, %max3A_350 : vector<16xf32>
        %max3A_357 = arith.maximumf %scan3A_155, %min3A_349 : vector<16xf32>
        %max3A_358 = arith.maximumf %scan3A_156, %max3A_348 : vector<16xf32>
        %max3A_359 = arith.maximumf %scan3A_157, %min3A_347 : vector<16xf32>
        %max3A_360 = arith.maximumf %scan3A_148, %max3A_358 : vector<16xf32>
        %min3A_361 = arith.minimumf %scan3A_148, %max3A_358 : vector<16xf32>
        %max3A_362 = arith.maximumf %scan3A_149, %max3A_359 : vector<16xf32>
        %min3A_363 = arith.minimumf %scan3A_149, %max3A_359 : vector<16xf32>
        %max3A_364 = arith.maximumf %scan3A_150, %max3A_346 : vector<16xf32>
        %min3A_365 = arith.minimumf %scan3A_150, %max3A_346 : vector<16xf32>
        %max3A_366 = arith.maximumf %scan3A_151, %min3A_345 : vector<16xf32>
        %min3A_367 = arith.minimumf %scan3A_151, %min3A_345 : vector<16xf32>
        %max3A_368 = arith.maximumf %scan3A_152, %max3A_344 : vector<16xf32>
        %min3A_369 = arith.minimumf %scan3A_152, %max3A_344 : vector<16xf32>
        %max3A_370 = arith.maximumf %scan3A_153, %min3A_343 : vector<16xf32>
        %min3A_371 = arith.minimumf %scan3A_153, %min3A_343 : vector<16xf32>
        %max3A_372 = arith.maximumf %max3A_356, %max3A_342 : vector<16xf32>
        %min3A_373 = arith.minimumf %max3A_356, %max3A_342 : vector<16xf32>
        %max3A_374 = arith.maximumf %max3A_357, %max3A_306 : vector<16xf32>
        %min3A_375 = arith.minimumf %max3A_357, %max3A_306 : vector<16xf32>
        %max3A_376 = arith.maximumf %max3A_360, %max3A_368 : vector<16xf32>
        %min3A_377 = arith.minimumf %max3A_360, %max3A_368 : vector<16xf32>
        %max3A_378 = arith.maximumf %max3A_362, %max3A_370 : vector<16xf32>
        %min3A_379 = arith.minimumf %max3A_362, %max3A_370 : vector<16xf32>
        %max3A_380 = arith.maximumf %max3A_364, %max3A_372 : vector<16xf32>
        %min3A_381 = arith.minimumf %max3A_364, %max3A_372 : vector<16xf32>
        %max3A_382 = arith.maximumf %max3A_366, %max3A_374 : vector<16xf32>
        %min3A_383 = arith.minimumf %max3A_366, %max3A_374 : vector<16xf32>
        %max3A_384 = arith.maximumf %min3A_361, %min3A_369 : vector<16xf32>
        %min3A_385 = arith.minimumf %min3A_361, %min3A_369 : vector<16xf32>
        %max3A_386 = arith.maximumf %min3A_363, %min3A_371 : vector<16xf32>
        %min3A_387 = arith.minimumf %min3A_363, %min3A_371 : vector<16xf32>
        %max3A_388 = arith.maximumf %min3A_365, %min3A_373 : vector<16xf32>
        %min3A_389 = arith.minimumf %min3A_365, %min3A_373 : vector<16xf32>
        %max3A_390 = arith.maximumf %min3A_367, %min3A_375 : vector<16xf32>
        %min3A_391 = arith.minimumf %min3A_367, %min3A_375 : vector<16xf32>
        %max3A_392 = arith.maximumf %max3A_376, %max3A_380 : vector<16xf32>
        %min3A_393 = arith.minimumf %max3A_376, %max3A_380 : vector<16xf32>
        %max3A_394 = arith.maximumf %max3A_378, %max3A_382 : vector<16xf32>
        %min3A_395 = arith.minimumf %max3A_378, %max3A_382 : vector<16xf32>
        %max3A_396 = arith.maximumf %min3A_377, %min3A_381 : vector<16xf32>
        %min3A_397 = arith.minimumf %min3A_377, %min3A_381 : vector<16xf32>
        %max3A_398 = arith.maximumf %min3A_379, %min3A_383 : vector<16xf32>
        %min3A_399 = arith.minimumf %min3A_379, %min3A_383 : vector<16xf32>
        %max3A_400 = arith.maximumf %max3A_384, %max3A_388 : vector<16xf32>
        %min3A_401 = arith.minimumf %max3A_384, %max3A_388 : vector<16xf32>
        %max3A_402 = arith.maximumf %max3A_386, %max3A_390 : vector<16xf32>
        %min3A_403 = arith.minimumf %max3A_386, %max3A_390 : vector<16xf32>
        %max3A_404 = arith.maximumf %max3A_392, %max3A_394 : vector<16xf32>
        %min3A_405 = arith.minimumf %max3A_392, %max3A_394 : vector<16xf32>
        %max3A_406 = arith.maximumf %min3A_393, %min3A_395 : vector<16xf32>
        %min3A_407 = arith.minimumf %min3A_393, %min3A_395 : vector<16xf32>
        %max3A_408 = arith.maximumf %max3A_396, %max3A_398 : vector<16xf32>
        %min3A_409 = arith.minimumf %max3A_396, %max3A_398 : vector<16xf32>
        %max3A_410 = arith.maximumf %min3A_397, %min3A_399 : vector<16xf32>
        %min3A_411 = arith.minimumf %min3A_397, %min3A_399 : vector<16xf32>
        %max3A_412 = arith.maximumf %max3A_400, %max3A_402 : vector<16xf32>
        %min3A_413 = arith.minimumf %max3A_400, %max3A_402 : vector<16xf32>
        %min3A_414 = arith.minimumf %scan3A_164, %min3A_347 : vector<16xf32>
        %min3A_415 = arith.minimumf %scan3A_165, %max3A_348 : vector<16xf32>
        %min3A_416 = arith.minimumf %scan3A_166, %min3A_349 : vector<16xf32>
        %min3A_417 = arith.minimumf %scan3A_167, %max3A_350 : vector<16xf32>
        %min3A_418 = arith.minimumf %scan3A_158, %min3A_416 : vector<16xf32>
        %max3A_419 = arith.maximumf %scan3A_158, %min3A_416 : vector<16xf32>
        %min3A_420 = arith.minimumf %scan3A_159, %min3A_417 : vector<16xf32>
        %max3A_421 = arith.maximumf %scan3A_159, %min3A_417 : vector<16xf32>
        %min3A_422 = arith.minimumf %scan3A_160, %min3A_351 : vector<16xf32>
        %max3A_423 = arith.maximumf %scan3A_160, %min3A_351 : vector<16xf32>
        %min3A_424 = arith.minimumf %scan3A_161, %max3A_352 : vector<16xf32>
        %max3A_425 = arith.maximumf %scan3A_161, %max3A_352 : vector<16xf32>
        %min3A_426 = arith.minimumf %scan3A_162, %min3A_353 : vector<16xf32>
        %max3A_427 = arith.maximumf %scan3A_162, %min3A_353 : vector<16xf32>
        %min3A_428 = arith.minimumf %scan3A_163, %max3A_354 : vector<16xf32>
        %max3A_429 = arith.maximumf %scan3A_163, %max3A_354 : vector<16xf32>
        %min3A_430 = arith.minimumf %min3A_414, %min3A_355 : vector<16xf32>
        %max3A_431 = arith.maximumf %min3A_414, %min3A_355 : vector<16xf32>
        %min3A_432 = arith.minimumf %min3A_415, %min3A_333 : vector<16xf32>
        %max3A_433 = arith.maximumf %min3A_415, %min3A_333 : vector<16xf32>
        %min3A_434 = arith.minimumf %min3A_418, %min3A_426 : vector<16xf32>
        %max3A_435 = arith.maximumf %min3A_418, %min3A_426 : vector<16xf32>
        %min3A_436 = arith.minimumf %min3A_420, %min3A_428 : vector<16xf32>
        %max3A_437 = arith.maximumf %min3A_420, %min3A_428 : vector<16xf32>
        %min3A_438 = arith.minimumf %min3A_422, %min3A_430 : vector<16xf32>
        %max3A_439 = arith.maximumf %min3A_422, %min3A_430 : vector<16xf32>
        %min3A_440 = arith.minimumf %min3A_424, %min3A_432 : vector<16xf32>
        %max3A_441 = arith.maximumf %min3A_424, %min3A_432 : vector<16xf32>
        %min3A_442 = arith.minimumf %max3A_419, %max3A_427 : vector<16xf32>
        %max3A_443 = arith.maximumf %max3A_419, %max3A_427 : vector<16xf32>
        %min3A_444 = arith.minimumf %max3A_421, %max3A_429 : vector<16xf32>
        %max3A_445 = arith.maximumf %max3A_421, %max3A_429 : vector<16xf32>
        %min3A_446 = arith.minimumf %max3A_423, %max3A_431 : vector<16xf32>
        %max3A_447 = arith.maximumf %max3A_423, %max3A_431 : vector<16xf32>
        %min3A_448 = arith.minimumf %max3A_425, %max3A_433 : vector<16xf32>
        %max3A_449 = arith.maximumf %max3A_425, %max3A_433 : vector<16xf32>
        %min3A_450 = arith.minimumf %min3A_434, %min3A_438 : vector<16xf32>
        %max3A_451 = arith.maximumf %min3A_434, %min3A_438 : vector<16xf32>
        %min3A_452 = arith.minimumf %min3A_436, %min3A_440 : vector<16xf32>
        %max3A_453 = arith.maximumf %min3A_436, %min3A_440 : vector<16xf32>
        %min3A_454 = arith.minimumf %max3A_435, %max3A_439 : vector<16xf32>
        %max3A_455 = arith.maximumf %max3A_435, %max3A_439 : vector<16xf32>
        %min3A_456 = arith.minimumf %max3A_437, %max3A_441 : vector<16xf32>
        %max3A_457 = arith.maximumf %max3A_437, %max3A_441 : vector<16xf32>
        %min3A_458 = arith.minimumf %min3A_442, %min3A_446 : vector<16xf32>
        %max3A_459 = arith.maximumf %min3A_442, %min3A_446 : vector<16xf32>
        %min3A_460 = arith.minimumf %min3A_444, %min3A_448 : vector<16xf32>
        %max3A_461 = arith.maximumf %min3A_444, %min3A_448 : vector<16xf32>
        %min3A_462 = arith.minimumf %min3A_450, %min3A_452 : vector<16xf32>
        %max3A_463 = arith.maximumf %min3A_450, %min3A_452 : vector<16xf32>
        %min3A_464 = arith.minimumf %max3A_451, %max3A_453 : vector<16xf32>
        %max3A_465 = arith.maximumf %max3A_451, %max3A_453 : vector<16xf32>
        %min3A_466 = arith.minimumf %min3A_454, %min3A_456 : vector<16xf32>
        %max3A_467 = arith.maximumf %min3A_454, %min3A_456 : vector<16xf32>
        %min3A_468 = arith.minimumf %max3A_455, %max3A_457 : vector<16xf32>
        %max3A_469 = arith.maximumf %max3A_455, %max3A_457 : vector<16xf32>
        %min3A_470 = arith.minimumf %min3A_458, %min3A_460 : vector<16xf32>
        %max3A_471 = arith.maximumf %min3A_458, %min3A_460 : vector<16xf32>
        %add3A_472 = arith.constant 16 : i32
        %add3A_473 = vector.broadcast %add3A_472 : i32 to vector<16xi32>
        %add3A_474 = arith.addi %scan3A_168, %add3A_473 : vector<16xi32>
        scf.yield %max3A_404, %min3A_405, %max3A_406, %min3A_407, %max3A_408, %min3A_409, %max3A_410, %min3A_411, %max3A_412, %min3A_413, %min3A_462, %max3A_463, %min3A_464, %max3A_465, %min3A_466, %max3A_467, %min3A_468, %max3A_469, %min3A_470, %max3A_471, %add3A_474 : vector<16xf32>, vector<16xf32>, vector<16xf32>, vector<16xf32>, vector<16xf32>, vector<16xf32>, vector<16xf32>, vector<16xf32>, vector<16xf32>, vector<16xf32>, vector<16xf32>, vector<16xf32>, vector<16xf32>, vector<16xf32>, vector<16xf32>, vector<16xf32>, vector<16xf32>, vector<16xf32>, vector<16xf32>, vector<16xf32>, vector<16xi32>
      }
      %scan3A_44 = arith.constant 47 : i32
      %add3A_45 = arith.constant 752 : i32
      %add3A_46 = vector.broadcast %add3A_45 : i32 to vector<16xi32>
      %add3A_47 = arith.addi %mul3A_5, %add3A_46 : vector<16xi32>
      %scan3A_48 = arith.constant 47 : i32
      %scan3A_49 = arith.constant 17 : i32
      %scan3A_50 = arith.addi %scan3A_48, %scan3A_49 : i32
      %scan3A_51 = arith.constant 1 : i32
      %scan3A_52:21 = scf.for %scan3A_147 = %scan3A_48 to %scan3A_50 step %scan3A_51 iter_args(%scan3A_148 = %scan3A_43#0, %scan3A_149 = %scan3A_43#1, %scan3A_150 = %scan3A_43#2, %scan3A_151 = %scan3A_43#3, %scan3A_152 = %scan3A_43#4, %scan3A_153 = %scan3A_43#5, %scan3A_154 = %scan3A_43#6, %scan3A_155 = %scan3A_43#7, %scan3A_156 = %scan3A_43#8, %scan3A_157 = %scan3A_43#9, %scan3A_158 = %scan3A_43#10, %scan3A_159 = %scan3A_43#11, %scan3A_160 = %scan3A_43#12, %scan3A_161 = %scan3A_43#13, %scan3A_162 = %scan3A_43#14, %scan3A_163 = %scan3A_43#15, %scan3A_164 = %scan3A_43#16, %scan3A_165 = %scan3A_43#17, %scan3A_166 = %scan3A_43#18, %scan3A_167 = %scan3A_43#19, %scan3A_168 = %add3A_47) -> (vector<16xf32>, vector<16xf32>, vector<16xf32>, vector<16xf32>, vector<16xf32>, vector<16xf32>, vector<16xf32>, vector<16xf32>, vector<16xf32>, vector<16xf32>, vector<16xf32>, vector<16xf32>, vector<16xf32>, vector<16xf32>, vector<16xf32>, vector<16xf32>, vector<16xf32>, vector<16xf32>, vector<16xf32>, vector<16xf32>, vector<16xi32>)  : i32 {
        %add3A_169 = arith.constant 0 : i32
        %add3A_170 = vector.broadcast %add3A_169 : i32 to vector<16xi32>
        %add3A_171 = arith.addi %scan3A_168, %add3A_170 : vector<16xi32>
        %and3A = arith.constant 1023 : i32
        %and3A_172 = vector.broadcast %and3A : i32 to vector<16xi32>
        %and3A_173 = arith.andi %add3A_171, %and3A_172 : vector<16xi32>
        %gather3A = tpu.vector_load_idx %arg4[%iota3A, %and3A_173] : memref<16x1024xf32, #tpu.memory_space<vmem>>[vector<16xi32>, vector<16xi32>], vector<16xf32>,
        %add3A_174 = arith.constant 1 : i32
        %add3A_175 = vector.broadcast %add3A_174 : i32 to vector<16xi32>
        %add3A_176 = arith.addi %scan3A_168, %add3A_175 : vector<16xi32>
        %and3A_177 = arith.constant 1023 : i32
        %and3A_178 = vector.broadcast %and3A_177 : i32 to vector<16xi32>
        %and3A_179 = arith.andi %add3A_176, %and3A_178 : vector<16xi32>
        %gather3A_180 = tpu.vector_load_idx %arg4[%iota3A, %and3A_179] : memref<16x1024xf32, #tpu.memory_space<vmem>>[vector<16xi32>, vector<16xi32>], vector<16xf32>,
        %add3A_181 = arith.constant 2 : i32
        %add3A_182 = vector.broadcast %add3A_181 : i32 to vector<16xi32>
        %add3A_183 = arith.addi %scan3A_168, %add3A_182 : vector<16xi32>
        %and3A_184 = arith.constant 1023 : i32
        %and3A_185 = vector.broadcast %and3A_184 : i32 to vector<16xi32>
        %and3A_186 = arith.andi %add3A_183, %and3A_185 : vector<16xi32>
        %gather3A_187 = tpu.vector_load_idx %arg4[%iota3A, %and3A_186] : memref<16x1024xf32, #tpu.memory_space<vmem>>[vector<16xi32>, vector<16xi32>], vector<16xf32>,
        %add3A_188 = arith.constant 3 : i32
        %add3A_189 = vector.broadcast %add3A_188 : i32 to vector<16xi32>
        %add3A_190 = arith.addi %scan3A_168, %add3A_189 : vector<16xi32>
        %and3A_191 = arith.constant 1023 : i32
        %and3A_192 = vector.broadcast %and3A_191 : i32 to vector<16xi32>
        %and3A_193 = arith.andi %add3A_190, %and3A_192 : vector<16xi32>
        %gather3A_194 = tpu.vector_load_idx %arg4[%iota3A, %and3A_193] : memref<16x1024xf32, #tpu.memory_space<vmem>>[vector<16xi32>, vector<16xi32>], vector<16xf32>,
        %add3A_195 = arith.constant 4 : i32
        %add3A_196 = vector.broadcast %add3A_195 : i32 to vector<16xi32>
        %add3A_197 = arith.addi %scan3A_168, %add3A_196 : vector<16xi32>
        %and3A_198 = arith.constant 1023 : i32
        %and3A_199 = vector.broadcast %and3A_198 : i32 to vector<16xi32>
        %and3A_200 = arith.andi %add3A_197, %and3A_199 : vector<16xi32>
        %gather3A_201 = tpu.vector_load_idx %arg4[%iota3A, %and3A_200] : memref<16x1024xf32, #tpu.memory_space<vmem>>[vector<16xi32>, vector<16xi32>], vector<16xf32>,
        %add3A_202 = arith.constant 5 : i32
        %add3A_203 = vector.broadcast %add3A_202 : i32 to vector<16xi32>
        %add3A_204 = arith.addi %scan3A_168, %add3A_203 : vector<16xi32>
        %and3A_205 = arith.constant 1023 : i32
        %and3A_206 = vector.broadcast %and3A_205 : i32 to vector<16xi32>
        %and3A_207 = arith.andi %add3A_204, %and3A_206 : vector<16xi32>
        %gather3A_208 = tpu.vector_load_idx %arg4[%iota3A, %and3A_207] : memref<16x1024xf32, #tpu.memory_space<vmem>>[vector<16xi32>, vector<16xi32>], vector<16xf32>,
        %add3A_209 = arith.constant 6 : i32
        %add3A_210 = vector.broadcast %add3A_209 : i32 to vector<16xi32>
        %add3A_211 = arith.addi %scan3A_168, %add3A_210 : vector<16xi32>
        %and3A_212 = arith.constant 1023 : i32
        %and3A_213 = vector.broadcast %and3A_212 : i32 to vector<16xi32>
        %and3A_214 = arith.andi %add3A_211, %and3A_213 : vector<16xi32>
        %gather3A_215 = tpu.vector_load_idx %arg4[%iota3A, %and3A_214] : memref<16x1024xf32, #tpu.memory_space<vmem>>[vector<16xi32>, vector<16xi32>], vector<16xf32>,
        %add3A_216 = arith.constant 7 : i32
        %add3A_217 = vector.broadcast %add3A_216 : i32 to vector<16xi32>
        %add3A_218 = arith.addi %scan3A_168, %add3A_217 : vector<16xi32>
        %and3A_219 = arith.constant 1023 : i32
        %and3A_220 = vector.broadcast %and3A_219 : i32 to vector<16xi32>
        %and3A_221 = arith.andi %add3A_218, %and3A_220 : vector<16xi32>
        %gather3A_222 = tpu.vector_load_idx %arg4[%iota3A, %and3A_221] : memref<16x1024xf32, #tpu.memory_space<vmem>>[vector<16xi32>, vector<16xi32>], vector<16xf32>,
        %add3A_223 = arith.constant 8 : i32
        %add3A_224 = vector.broadcast %add3A_223 : i32 to vector<16xi32>
        %add3A_225 = arith.addi %scan3A_168, %add3A_224 : vector<16xi32>
        %and3A_226 = arith.constant 1023 : i32
        %and3A_227 = vector.broadcast %and3A_226 : i32 to vector<16xi32>
        %and3A_228 = arith.andi %add3A_225, %and3A_227 : vector<16xi32>
        %gather3A_229 = tpu.vector_load_idx %arg4[%iota3A, %and3A_228] : memref<16x1024xf32, #tpu.memory_space<vmem>>[vector<16xi32>, vector<16xi32>], vector<16xf32>,
        %add3A_230 = arith.constant 9 : i32
        %add3A_231 = vector.broadcast %add3A_230 : i32 to vector<16xi32>
        %add3A_232 = arith.addi %scan3A_168, %add3A_231 : vector<16xi32>
        %and3A_233 = arith.constant 1023 : i32
        %and3A_234 = vector.broadcast %and3A_233 : i32 to vector<16xi32>
        %and3A_235 = arith.andi %add3A_232, %and3A_234 : vector<16xi32>
        %gather3A_236 = tpu.vector_load_idx %arg4[%iota3A, %and3A_235] : memref<16x1024xf32, #tpu.memory_space<vmem>>[vector<16xi32>, vector<16xi32>], vector<16xf32>,
        %add3A_237 = arith.constant 10 : i32
        %add3A_238 = vector.broadcast %add3A_237 : i32 to vector<16xi32>
        %add3A_239 = arith.addi %scan3A_168, %add3A_238 : vector<16xi32>
        %and3A_240 = arith.constant 1023 : i32
        %and3A_241 = vector.broadcast %and3A_240 : i32 to vector<16xi32>
        %and3A_242 = arith.andi %add3A_239, %and3A_241 : vector<16xi32>
        %gather3A_243 = tpu.vector_load_idx %arg4[%iota3A, %and3A_242] : memref<16x1024xf32, #tpu.memory_space<vmem>>[vector<16xi32>, vector<16xi32>], vector<16xf32>,
        %add3A_244 = arith.constant 11 : i32
        %add3A_245 = vector.broadcast %add3A_244 : i32 to vector<16xi32>
        %add3A_246 = arith.addi %scan3A_168, %add3A_245 : vector<16xi32>
        %and3A_247 = arith.constant 1023 : i32
        %and3A_248 = vector.broadcast %and3A_247 : i32 to vector<16xi32>
        %and3A_249 = arith.andi %add3A_246, %and3A_248 : vector<16xi32>
        %gather3A_250 = tpu.vector_load_idx %arg4[%iota3A, %and3A_249] : memref<16x1024xf32, #tpu.memory_space<vmem>>[vector<16xi32>, vector<16xi32>], vector<16xf32>,
        %add3A_251 = arith.constant 12 : i32
        %add3A_252 = vector.broadcast %add3A_251 : i32 to vector<16xi32>
        %add3A_253 = arith.addi %scan3A_168, %add3A_252 : vector<16xi32>
        %and3A_254 = arith.constant 1023 : i32
        %and3A_255 = vector.broadcast %and3A_254 : i32 to vector<16xi32>
        %and3A_256 = arith.andi %add3A_253, %and3A_255 : vector<16xi32>
        %gather3A_257 = tpu.vector_load_idx %arg4[%iota3A, %and3A_256] : memref<16x1024xf32, #tpu.memory_space<vmem>>[vector<16xi32>, vector<16xi32>], vector<16xf32>,
        %add3A_258 = arith.constant 13 : i32
        %add3A_259 = vector.broadcast %add3A_258 : i32 to vector<16xi32>
        %add3A_260 = arith.addi %scan3A_168, %add3A_259 : vector<16xi32>
        %and3A_261 = arith.constant 1023 : i32
        %and3A_262 = vector.broadcast %and3A_261 : i32 to vector<16xi32>
        %and3A_263 = arith.andi %add3A_260, %and3A_262 : vector<16xi32>
        %gather3A_264 = tpu.vector_load_idx %arg4[%iota3A, %and3A_263] : memref<16x1024xf32, #tpu.memory_space<vmem>>[vector<16xi32>, vector<16xi32>], vector<16xf32>,
        %add3A_265 = arith.constant 14 : i32
        %add3A_266 = vector.broadcast %add3A_265 : i32 to vector<16xi32>
        %add3A_267 = arith.addi %scan3A_168, %add3A_266 : vector<16xi32>
        %and3A_268 = arith.constant 1023 : i32
        %and3A_269 = vector.broadcast %and3A_268 : i32 to vector<16xi32>
        %and3A_270 = arith.andi %add3A_267, %and3A_269 : vector<16xi32>
        %gather3A_271 = tpu.vector_load_idx %arg4[%iota3A, %and3A_270] : memref<16x1024xf32, #tpu.memory_space<vmem>>[vector<16xi32>, vector<16xi32>], vector<16xf32>,
        %add3A_272 = arith.constant 15 : i32
        %add3A_273 = vector.broadcast %add3A_272 : i32 to vector<16xi32>
        %add3A_274 = arith.addi %scan3A_168, %add3A_273 : vector<16xi32>
        %and3A_275 = arith.constant 1023 : i32
        %and3A_276 = vector.broadcast %and3A_275 : i32 to vector<16xi32>
        %and3A_277 = arith.andi %add3A_274, %and3A_276 : vector<16xi32>
        %gather3A_278 = tpu.vector_load_idx %arg4[%iota3A, %and3A_277] : memref<16x1024xf32, #tpu.memory_space<vmem>>[vector<16xi32>, vector<16xi32>], vector<16xf32>,
        %max3A = arith.maximumf %gather3A, %gather3A_180 : vector<16xf32>
        %min3A = arith.minimumf %gather3A, %gather3A_180 : vector<16xf32>
        %max3A_279 = arith.maximumf %gather3A_187, %gather3A_194 : vector<16xf32>
        %min3A_280 = arith.minimumf %gather3A_187, %gather3A_194 : vector<16xf32>
        %max3A_281 = arith.maximumf %max3A, %max3A_279 : vector<16xf32>
        %min3A_282 = arith.minimumf %max3A, %max3A_279 : vector<16xf32>
        %max3A_283 = arith.maximumf %min3A, %min3A_280 : vector<16xf32>
        %min3A_284 = arith.minimumf %min3A, %min3A_280 : vector<16xf32>
        %max3A_285 = arith.maximumf %max3A_283, %min3A_282 : vector<16xf32>
        %min3A_286 = arith.minimumf %max3A_283, %min3A_282 : vector<16xf32>
        %max3A_287 = arith.maximumf %gather3A_201, %gather3A_208 : vector<16xf32>
        %min3A_288 = arith.minimumf %gather3A_201, %gather3A_208 : vector<16xf32>
        %max3A_289 = arith.maximumf %gather3A_215, %gather3A_222 : vector<16xf32>
        %min3A_290 = arith.minimumf %gather3A_215, %gather3A_222 : vector<16xf32>
        %max3A_291 = arith.maximumf %max3A_287, %max3A_289 : vector<16xf32>
        %min3A_292 = arith.minimumf %max3A_287, %max3A_289 : vector<16xf32>
        %max3A_293 = arith.maximumf %min3A_288, %min3A_290 : vector<16xf32>
        %min3A_294 = arith.minimumf %min3A_288, %min3A_290 : vector<16xf32>
        %max3A_295 = arith.maximumf %max3A_293, %min3A_292 : vector<16xf32>
        %min3A_296 = arith.minimumf %max3A_293, %min3A_292 : vector<16xf32>
        %max3A_297 = arith.maximumf %max3A_281, %max3A_291 : vector<16xf32>
        %min3A_298 = arith.minimumf %max3A_281, %max3A_291 : vector<16xf32>
        %max3A_299 = arith.maximumf %min3A_286, %min3A_296 : vector<16xf32>
        %min3A_300 = arith.minimumf %min3A_286, %min3A_296 : vector<16xf32>
        %max3A_301 = arith.maximumf %max3A_299, %min3A_298 : vector<16xf32>
        %min3A_302 = arith.minimumf %max3A_299, %min3A_298 : vector<16xf32>
        %max3A_303 = arith.maximumf %max3A_285, %max3A_295 : vector<16xf32>
        %min3A_304 = arith.minimumf %max3A_285, %max3A_295 : vector<16xf32>
        %max3A_305 = arith.maximumf %min3A_284, %min3A_294 : vector<16xf32>
        %min3A_306 = arith.minimumf %min3A_284, %min3A_294 : vector<16xf32>
        %max3A_307 = arith.maximumf %max3A_305, %min3A_304 : vector<16xf32>
        %min3A_308 = arith.minimumf %max3A_305, %min3A_304 : vector<16xf32>
        %max3A_309 = arith.maximumf %max3A_303, %max3A_301 : vector<16xf32>
        %min3A_310 = arith.minimumf %max3A_303, %max3A_301 : vector<16xf32>
        %max3A_311 = arith.maximumf %max3A_307, %min3A_302 : vector<16xf32>
        %min3A_312 = arith.minimumf %max3A_307, %min3A_302 : vector<16xf32>
        %max3A_313 = arith.maximumf %min3A_308, %min3A_300 : vector<16xf32>
        %min3A_314 = arith.minimumf %min3A_308, %min3A_300 : vector<16xf32>
        %max3A_315 = arith.maximumf %gather3A_229, %gather3A_236 : vector<16xf32>
        %min3A_316 = arith.minimumf %gather3A_229, %gather3A_236 : vector<16xf32>
        %max3A_317 = arith.maximumf %gather3A_243, %gather3A_250 : vector<16xf32>
        %min3A_318 = arith.minimumf %gather3A_243, %gather3A_250 : vector<16xf32>
        %max3A_319 = arith.maximumf %max3A_315, %max3A_317 : vector<16xf32>
        %min3A_320 = arith.minimumf %max3A_315, %max3A_317 : vector<16xf32>
        %max3A_321 = arith.maximumf %min3A_316, %min3A_318 : vector<16xf32>
        %min3A_322 = arith.minimumf %min3A_316, %min3A_318 : vector<16xf32>
        %max3A_323 = arith.maximumf %max3A_321, %min3A_320 : vector<16xf32>
        %min3A_324 = arith.minimumf %max3A_321, %min3A_320 : vector<16xf32>
        %max3A_325 = arith.maximumf %gather3A_257, %gather3A_264 : vector<16xf32>
        %min3A_326 = arith.minimumf %gather3A_257, %gather3A_264 : vector<16xf32>
        %max3A_327 = arith.maximumf %gather3A_271, %gather3A_278 : vector<16xf32>
        %min3A_328 = arith.minimumf %gather3A_271, %gather3A_278 : vector<16xf32>
        %max3A_329 = arith.maximumf %max3A_325, %max3A_327 : vector<16xf32>
        %min3A_330 = arith.minimumf %max3A_325, %max3A_327 : vector<16xf32>
        %max3A_331 = arith.maximumf %min3A_326, %min3A_328 : vector<16xf32>
        %min3A_332 = arith.minimumf %min3A_326, %min3A_328 : vector<16xf32>
        %max3A_333 = arith.maximumf %max3A_331, %min3A_330 : vector<16xf32>
        %min3A_334 = arith.minimumf %max3A_331, %min3A_330 : vector<16xf32>
        %max3A_335 = arith.maximumf %max3A_319, %max3A_329 : vector<16xf32>
        %min3A_336 = arith.minimumf %max3A_319, %max3A_329 : vector<16xf32>
        %max3A_337 = arith.maximumf %min3A_324, %min3A_334 : vector<16xf32>
        %min3A_338 = arith.minimumf %min3A_324, %min3A_334 : vector<16xf32>
        %max3A_339 = arith.maximumf %max3A_337, %min3A_336 : vector<16xf32>
        %min3A_340 = arith.minimumf %max3A_337, %min3A_336 : vector<16xf32>
        %max3A_341 = arith.maximumf %max3A_323, %max3A_333 : vector<16xf32>
        %min3A_342 = arith.minimumf %max3A_323, %max3A_333 : vector<16xf32>
        %max3A_343 = arith.maximumf %min3A_322, %min3A_332 : vector<16xf32>
        %min3A_344 = arith.minimumf %min3A_322, %min3A_332 : vector<16xf32>
        %max3A_345 = arith.maximumf %max3A_343, %min3A_342 : vector<16xf32>
        %min3A_346 = arith.minimumf %max3A_343, %min3A_342 : vector<16xf32>
        %max3A_347 = arith.maximumf %max3A_341, %max3A_339 : vector<16xf32>
        %min3A_348 = arith.minimumf %max3A_341, %max3A_339 : vector<16xf32>
        %max3A_349 = arith.maximumf %max3A_345, %min3A_340 : vector<16xf32>
        %min3A_350 = arith.minimumf %max3A_345, %min3A_340 : vector<16xf32>
        %max3A_351 = arith.maximumf %min3A_346, %min3A_338 : vector<16xf32>
        %min3A_352 = arith.minimumf %min3A_346, %min3A_338 : vector<16xf32>
        %max3A_353 = arith.maximumf %max3A_297, %max3A_335 : vector<16xf32>
        %min3A_354 = arith.minimumf %max3A_297, %max3A_335 : vector<16xf32>
        %max3A_355 = arith.maximumf %min3A_312, %min3A_350 : vector<16xf32>
        %min3A_356 = arith.minimumf %min3A_312, %min3A_350 : vector<16xf32>
        %max3A_357 = arith.maximumf %max3A_355, %min3A_354 : vector<16xf32>
        %min3A_358 = arith.minimumf %max3A_355, %min3A_354 : vector<16xf32>
        %max3A_359 = arith.maximumf %min3A_310, %min3A_348 : vector<16xf32>
        %min3A_360 = arith.minimumf %min3A_310, %min3A_348 : vector<16xf32>
        %max3A_361 = arith.maximumf %min3A_314, %min3A_352 : vector<16xf32>
        %min3A_362 = arith.minimumf %min3A_314, %min3A_352 : vector<16xf32>
        %max3A_363 = arith.maximumf %max3A_361, %min3A_360 : vector<16xf32>
        %min3A_364 = arith.minimumf %max3A_361, %min3A_360 : vector<16xf32>
        %max3A_365 = arith.maximumf %max3A_359, %max3A_357 : vector<16xf32>
        %min3A_366 = arith.minimumf %max3A_359, %max3A_357 : vector<16xf32>
        %max3A_367 = arith.maximumf %max3A_363, %min3A_358 : vector<16xf32>
        %min3A_368 = arith.minimumf %max3A_363, %min3A_358 : vector<16xf32>
        %max3A_369 = arith.maximumf %min3A_364, %min3A_356 : vector<16xf32>
        %min3A_370 = arith.minimumf %min3A_364, %min3A_356 : vector<16xf32>
        %max3A_371 = arith.maximumf %max3A_309, %max3A_347 : vector<16xf32>
        %min3A_372 = arith.minimumf %max3A_309, %max3A_347 : vector<16xf32>
        %max3A_373 = arith.maximumf %max3A_313, %max3A_351 : vector<16xf32>
        %min3A_374 = arith.minimumf %max3A_313, %max3A_351 : vector<16xf32>
        %max3A_375 = arith.maximumf %max3A_373, %min3A_372 : vector<16xf32>
        %min3A_376 = arith.minimumf %max3A_373, %min3A_372 : vector<16xf32>
        %max3A_377 = arith.maximumf %max3A_311, %max3A_349 : vector<16xf32>
        %min3A_378 = arith.minimumf %max3A_311, %max3A_349 : vector<16xf32>
        %max3A_379 = arith.maximumf %min3A_306, %min3A_344 : vector<16xf32>
        %min3A_380 = arith.minimumf %min3A_306, %min3A_344 : vector<16xf32>
        %max3A_381 = arith.maximumf %max3A_379, %min3A_378 : vector<16xf32>
        %min3A_382 = arith.minimumf %max3A_379, %min3A_378 : vector<16xf32>
        %max3A_383 = arith.maximumf %max3A_377, %max3A_375 : vector<16xf32>
        %min3A_384 = arith.minimumf %max3A_377, %max3A_375 : vector<16xf32>
        %max3A_385 = arith.maximumf %max3A_381, %min3A_376 : vector<16xf32>
        %min3A_386 = arith.minimumf %max3A_381, %min3A_376 : vector<16xf32>
        %max3A_387 = arith.maximumf %min3A_382, %min3A_374 : vector<16xf32>
        %min3A_388 = arith.minimumf %min3A_382, %min3A_374 : vector<16xf32>
        %max3A_389 = arith.maximumf %max3A_371, %max3A_365 : vector<16xf32>
        %min3A_390 = arith.minimumf %max3A_371, %max3A_365 : vector<16xf32>
        %max3A_391 = arith.maximumf %max3A_383, %min3A_366 : vector<16xf32>
        %min3A_392 = arith.minimumf %max3A_383, %min3A_366 : vector<16xf32>
        %max3A_393 = arith.maximumf %min3A_384, %max3A_367 : vector<16xf32>
        %min3A_394 = arith.minimumf %min3A_384, %max3A_367 : vector<16xf32>
        %max3A_395 = arith.maximumf %max3A_385, %min3A_368 : vector<16xf32>
        %min3A_396 = arith.minimumf %max3A_385, %min3A_368 : vector<16xf32>
        %max3A_397 = arith.maximumf %min3A_386, %max3A_369 : vector<16xf32>
        %min3A_398 = arith.minimumf %min3A_386, %max3A_369 : vector<16xf32>
        %max3A_399 = arith.maximumf %max3A_387, %min3A_370 : vector<16xf32>
        %min3A_400 = arith.minimumf %max3A_387, %min3A_370 : vector<16xf32>
        %max3A_401 = arith.maximumf %min3A_388, %min3A_362 : vector<16xf32>
        %min3A_402 = arith.minimumf %min3A_388, %min3A_362 : vector<16xf32>
        %max3A_403 = arith.maximumf %scan3A_154, %max3A_397 : vector<16xf32>
        %max3A_404 = arith.maximumf %scan3A_155, %min3A_396 : vector<16xf32>
        %max3A_405 = arith.maximumf %scan3A_156, %max3A_395 : vector<16xf32>
        %max3A_406 = arith.maximumf %scan3A_157, %min3A_394 : vector<16xf32>
        %max3A_407 = arith.maximumf %scan3A_148, %max3A_405 : vector<16xf32>
        %min3A_408 = arith.minimumf %scan3A_148, %max3A_405 : vector<16xf32>
        %max3A_409 = arith.maximumf %scan3A_149, %max3A_406 : vector<16xf32>
        %min3A_410 = arith.minimumf %scan3A_149, %max3A_406 : vector<16xf32>
        %max3A_411 = arith.maximumf %scan3A_150, %max3A_393 : vector<16xf32>
        %min3A_412 = arith.minimumf %scan3A_150, %max3A_393 : vector<16xf32>
        %max3A_413 = arith.maximumf %scan3A_151, %min3A_392 : vector<16xf32>
        %min3A_414 = arith.minimumf %scan3A_151, %min3A_392 : vector<16xf32>
        %max3A_415 = arith.maximumf %scan3A_152, %max3A_391 : vector<16xf32>
        %min3A_416 = arith.minimumf %scan3A_152, %max3A_391 : vector<16xf32>
        %max3A_417 = arith.maximumf %scan3A_153, %min3A_390 : vector<16xf32>
        %min3A_418 = arith.minimumf %scan3A_153, %min3A_390 : vector<16xf32>
        %max3A_419 = arith.maximumf %max3A_403, %max3A_389 : vector<16xf32>
        %min3A_420 = arith.minimumf %max3A_403, %max3A_389 : vector<16xf32>
        %max3A_421 = arith.maximumf %max3A_404, %max3A_353 : vector<16xf32>
        %min3A_422 = arith.minimumf %max3A_404, %max3A_353 : vector<16xf32>
        %max3A_423 = arith.maximumf %max3A_407, %max3A_415 : vector<16xf32>
        %min3A_424 = arith.minimumf %max3A_407, %max3A_415 : vector<16xf32>
        %max3A_425 = arith.maximumf %max3A_409, %max3A_417 : vector<16xf32>
        %min3A_426 = arith.minimumf %max3A_409, %max3A_417 : vector<16xf32>
        %max3A_427 = arith.maximumf %max3A_411, %max3A_419 : vector<16xf32>
        %min3A_428 = arith.minimumf %max3A_411, %max3A_419 : vector<16xf32>
        %max3A_429 = arith.maximumf %max3A_413, %max3A_421 : vector<16xf32>
        %min3A_430 = arith.minimumf %max3A_413, %max3A_421 : vector<16xf32>
        %max3A_431 = arith.maximumf %min3A_408, %min3A_416 : vector<16xf32>
        %min3A_432 = arith.minimumf %min3A_408, %min3A_416 : vector<16xf32>
        %max3A_433 = arith.maximumf %min3A_410, %min3A_418 : vector<16xf32>
        %min3A_434 = arith.minimumf %min3A_410, %min3A_418 : vector<16xf32>
        %max3A_435 = arith.maximumf %min3A_412, %min3A_420 : vector<16xf32>
        %min3A_436 = arith.minimumf %min3A_412, %min3A_420 : vector<16xf32>
        %max3A_437 = arith.maximumf %min3A_414, %min3A_422 : vector<16xf32>
        %min3A_438 = arith.minimumf %min3A_414, %min3A_422 : vector<16xf32>
        %max3A_439 = arith.maximumf %max3A_423, %max3A_427 : vector<16xf32>
        %min3A_440 = arith.minimumf %max3A_423, %max3A_427 : vector<16xf32>
        %max3A_441 = arith.maximumf %max3A_425, %max3A_429 : vector<16xf32>
        %min3A_442 = arith.minimumf %max3A_425, %max3A_429 : vector<16xf32>
        %max3A_443 = arith.maximumf %min3A_424, %min3A_428 : vector<16xf32>
        %min3A_444 = arith.minimumf %min3A_424, %min3A_428 : vector<16xf32>
        %max3A_445 = arith.maximumf %min3A_426, %min3A_430 : vector<16xf32>
        %min3A_446 = arith.minimumf %min3A_426, %min3A_430 : vector<16xf32>
        %max3A_447 = arith.maximumf %max3A_431, %max3A_435 : vector<16xf32>
        %min3A_448 = arith.minimumf %max3A_431, %max3A_435 : vector<16xf32>
        %max3A_449 = arith.maximumf %max3A_433, %max3A_437 : vector<16xf32>
        %min3A_450 = arith.minimumf %max3A_433, %max3A_437 : vector<16xf32>
        %max3A_451 = arith.maximumf %max3A_439, %max3A_441 : vector<16xf32>
        %min3A_452 = arith.minimumf %max3A_439, %max3A_441 : vector<16xf32>
        %max3A_453 = arith.maximumf %min3A_440, %min3A_442 : vector<16xf32>
        %min3A_454 = arith.minimumf %min3A_440, %min3A_442 : vector<16xf32>
        %max3A_455 = arith.maximumf %max3A_443, %max3A_445 : vector<16xf32>
        %min3A_456 = arith.minimumf %max3A_443, %max3A_445 : vector<16xf32>
        %max3A_457 = arith.maximumf %min3A_444, %min3A_446 : vector<16xf32>
        %min3A_458 = arith.minimumf %min3A_444, %min3A_446 : vector<16xf32>
        %max3A_459 = arith.maximumf %max3A_447, %max3A_449 : vector<16xf32>
        %min3A_460 = arith.minimumf %max3A_447, %max3A_449 : vector<16xf32>
        %min3A_461 = arith.minimumf %scan3A_164, %min3A_394 : vector<16xf32>
        %min3A_462 = arith.minimumf %scan3A_165, %max3A_395 : vector<16xf32>
        %min3A_463 = arith.minimumf %scan3A_166, %min3A_396 : vector<16xf32>
        %min3A_464 = arith.minimumf %scan3A_167, %max3A_397 : vector<16xf32>
        %min3A_465 = arith.minimumf %scan3A_158, %min3A_463 : vector<16xf32>
        %max3A_466 = arith.maximumf %scan3A_158, %min3A_463 : vector<16xf32>
        %min3A_467 = arith.minimumf %scan3A_159, %min3A_464 : vector<16xf32>
        %max3A_468 = arith.maximumf %scan3A_159, %min3A_464 : vector<16xf32>
        %min3A_469 = arith.minimumf %scan3A_160, %min3A_398 : vector<16xf32>
        %max3A_470 = arith.maximumf %scan3A_160, %min3A_398 : vector<16xf32>
        %min3A_471 = arith.minimumf %scan3A_161, %max3A_399 : vector<16xf32>
        %max3A_472 = arith.maximumf %scan3A_161, %max3A_399 : vector<16xf32>
        %min3A_473 = arith.minimumf %scan3A_162, %min3A_400 : vector<16xf32>
        %max3A_474 = arith.maximumf %scan3A_162, %min3A_400 : vector<16xf32>
        %min3A_475 = arith.minimumf %scan3A_163, %max3A_401 : vector<16xf32>
        %max3A_476 = arith.maximumf %scan3A_163, %max3A_401 : vector<16xf32>
        %min3A_477 = arith.minimumf %min3A_461, %min3A_402 : vector<16xf32>
        %max3A_478 = arith.maximumf %min3A_461, %min3A_402 : vector<16xf32>
        %min3A_479 = arith.minimumf %min3A_462, %min3A_380 : vector<16xf32>
        %max3A_480 = arith.maximumf %min3A_462, %min3A_380 : vector<16xf32>
        %min3A_481 = arith.minimumf %min3A_465, %min3A_473 : vector<16xf32>
        %max3A_482 = arith.maximumf %min3A_465, %min3A_473 : vector<16xf32>
        %min3A_483 = arith.minimumf %min3A_467, %min3A_475 : vector<16xf32>
        %max3A_484 = arith.maximumf %min3A_467, %min3A_475 : vector<16xf32>
        %min3A_485 = arith.minimumf %min3A_469, %min3A_477 : vector<16xf32>
        %max3A_486 = arith.maximumf %min3A_469, %min3A_477 : vector<16xf32>
        %min3A_487 = arith.minimumf %min3A_471, %min3A_479 : vector<16xf32>
        %max3A_488 = arith.maximumf %min3A_471, %min3A_479 : vector<16xf32>
        %min3A_489 = arith.minimumf %max3A_466, %max3A_474 : vector<16xf32>
        %max3A_490 = arith.maximumf %max3A_466, %max3A_474 : vector<16xf32>
        %min3A_491 = arith.minimumf %max3A_468, %max3A_476 : vector<16xf32>
        %max3A_492 = arith.maximumf %max3A_468, %max3A_476 : vector<16xf32>
        %min3A_493 = arith.minimumf %max3A_470, %max3A_478 : vector<16xf32>
        %max3A_494 = arith.maximumf %max3A_470, %max3A_478 : vector<16xf32>
        %min3A_495 = arith.minimumf %max3A_472, %max3A_480 : vector<16xf32>
        %max3A_496 = arith.maximumf %max3A_472, %max3A_480 : vector<16xf32>
        %min3A_497 = arith.minimumf %min3A_481, %min3A_485 : vector<16xf32>
        %max3A_498 = arith.maximumf %min3A_481, %min3A_485 : vector<16xf32>
        %min3A_499 = arith.minimumf %min3A_483, %min3A_487 : vector<16xf32>
        %max3A_500 = arith.maximumf %min3A_483, %min3A_487 : vector<16xf32>
        %min3A_501 = arith.minimumf %max3A_482, %max3A_486 : vector<16xf32>
        %max3A_502 = arith.maximumf %max3A_482, %max3A_486 : vector<16xf32>
        %min3A_503 = arith.minimumf %max3A_484, %max3A_488 : vector<16xf32>
        %max3A_504 = arith.maximumf %max3A_484, %max3A_488 : vector<16xf32>
        %min3A_505 = arith.minimumf %min3A_489, %min3A_493 : vector<16xf32>
        %max3A_506 = arith.maximumf %min3A_489, %min3A_493 : vector<16xf32>
        %min3A_507 = arith.minimumf %min3A_491, %min3A_495 : vector<16xf32>
        %max3A_508 = arith.maximumf %min3A_491, %min3A_495 : vector<16xf32>
        %min3A_509 = arith.minimumf %min3A_497, %min3A_499 : vector<16xf32>
        %max3A_510 = arith.maximumf %min3A_497, %min3A_499 : vector<16xf32>
        %min3A_511 = arith.minimumf %max3A_498, %max3A_500 : vector<16xf32>
        %max3A_512 = arith.maximumf %max3A_498, %max3A_500 : vector<16xf32>
        %min3A_513 = arith.minimumf %min3A_501, %min3A_503 : vector<16xf32>
        %max3A_514 = arith.maximumf %min3A_501, %min3A_503 : vector<16xf32>
        %min3A_515 = arith.minimumf %max3A_502, %max3A_504 : vector<16xf32>
        %max3A_516 = arith.maximumf %max3A_502, %max3A_504 : vector<16xf32>
        %min3A_517 = arith.minimumf %min3A_505, %min3A_507 : vector<16xf32>
        %max3A_518 = arith.maximumf %min3A_505, %min3A_507 : vector<16xf32>
        %add3A_519 = arith.constant 16 : i32
        %add3A_520 = vector.broadcast %add3A_519 : i32 to vector<16xi32>
        %add3A_521 = arith.addi %scan3A_168, %add3A_520 : vector<16xi32>
        scf.yield %max3A_451, %min3A_452, %max3A_453, %min3A_454, %max3A_455, %min3A_456, %max3A_457, %min3A_458, %max3A_459, %min3A_460, %min3A_509, %max3A_510, %min3A_511, %max3A_512, %min3A_513, %max3A_514, %min3A_515, %max3A_516, %min3A_517, %max3A_518, %add3A_521 : vector<16xf32>, vector<16xf32>, vector<16xf32>, vector<16xf32>, vector<16xf32>, vector<16xf32>, vector<16xf32>, vector<16xf32>, vector<16xf32>, vector<16xf32>, vector<16xf32>, vector<16xf32>, vector<16xf32>, vector<16xf32>, vector<16xf32>, vector<16xf32>, vector<16xf32>, vector<16xf32>, vector<16xf32>, vector<16xf32>, vector<16xi32>
      }
      %scan3A_53 = arith.constant 17 : i32
      %add3A_54 = arith.addf %scan3A_52#0, %scan3A_52#1 : vector<16xf32>
      %add3A_55 = arith.addf %add3A_54, %scan3A_52#2 : vector<16xf32>
      %add3A_56 = arith.addf %add3A_55, %scan3A_52#3 : vector<16xf32>
      %add3A_57 = arith.addf %add3A_56, %scan3A_52#4 : vector<16xf32>
      %add3A_58 = arith.addf %add3A_57, %scan3A_52#5 : vector<16xf32>
      %add3A_59 = arith.addf %add3A_58, %scan3A_52#6 : vector<16xf32>
      %add3A_60 = arith.addf %add3A_59, %scan3A_52#7 : vector<16xf32>
      %add3A_61 = arith.addf %add3A_60, %scan3A_52#8 : vector<16xf32>
      %add3A_62 = arith.addf %add3A_61, %scan3A_52#9 : vector<16xf32>
      %add3A_63 = arith.addf %scan3A_52#10, %scan3A_52#11 : vector<16xf32>
      %add3A_64 = arith.addf %add3A_63, %scan3A_52#12 : vector<16xf32>
      %add3A_65 = arith.addf %add3A_64, %scan3A_52#13 : vector<16xf32>
      %add3A_66 = arith.addf %add3A_65, %scan3A_52#14 : vector<16xf32>
      %add3A_67 = arith.addf %add3A_66, %scan3A_52#15 : vector<16xf32>
      %add3A_68 = arith.addf %add3A_67, %scan3A_52#16 : vector<16xf32>
      %add3A_69 = arith.addf %add3A_68, %scan3A_52#17 : vector<16xf32>
      %add3A_70 = arith.addf %add3A_69, %scan3A_52#18 : vector<16xf32>
      %add3A_71 = arith.addf %add3A_70, %scan3A_52#19 : vector<16xf32>
      %div3A = arith.constant 1.000000e+01 : f32
      %div3A_72 = vector.broadcast %div3A : f32 to vector<16xf32>
      %div3A_73 = arith.divf %add3A_62, %div3A_72 : vector<16xf32>
      %div3A_74 = arith.constant 1.000000e+01 : f32
      %div3A_75 = vector.broadcast %div3A_74 : f32 to vector<16xf32>
      %div3A_76 = arith.divf %add3A_71, %div3A_75 : vector<16xf32>
      %add3A_77 = arith.addf %div3A_73, %div3A_76 : vector<16xf32>
      %mul3A_78 = arith.constant 5.000000e-01 : f32
      %mul3A_79 = vector.broadcast %mul3A_78 : f32 to vector<16xf32>
      %mul3A_80 = arith.mulf %add3A_77, %mul3A_79 : vector<16xf32>
      %mul3A_81 = arith.constant 16 : i32
      %mul3A_82 = arith.muli %mul3A_23, %mul3A_81 : i32
      %swap3A = arith.index_cast %mul3A_82 : i32 to index
      %swap3A_83 = tpu.vector_load %arg6[%swap3A] {strides = array<i32>} : memref<768xf32, #tpu.memory_space<vmem>>, vector<16xf32>,
      tpu.vector_store %arg6[%swap3A], %mul3A_80 {strides = array<i32>} : memref<768xf32, #tpu.memory_space<vmem>>, vector<16xf32>,
      %add3A_84 = arith.constant 1 : i32
      %add3A_85 = arith.addi %mul3A_23, %add3A_84 : i32
      %mul3A_86 = arith.constant 16 : i32
      %mul3A_87 = arith.muli %add3A_85, %mul3A_86 : i32
      %add3A_88 = arith.addi %mul3A_2, %mul3A_87 : i32
      %dma_wait3A_89 = arith.constant 0 : i32
      %dma_wait3A_90 = tpu.memref_slice %arg2[%add3A_88, %dma_wait3A_89] : memref<24576x1024xf32, #tpu.memory_space<hbm>> -> memref<16x1024xf32, #tpu.memory_space<hbm>>
      %dma_wait3A_91 = arith.constant 0 : i32
      %dma_wait3A_92 = tpu.memref_slice %arg2[%add3A_88, %dma_wait3A_91] : memref<24576x1024xf32, #tpu.memory_space<hbm>> -> memref<16x1024xf32, #tpu.memory_space<hbm>>
      tpu.wait_dma2 semaphore(%arg8 : memref<!tpu.dma_semaphore, #tpu.memory_space<semaphore_mem>>) src(%dma_wait3A_92 : memref<16x1024xf32, #tpu.memory_space<hbm>>) dst(%arg5 : memref<16x1024xf32, #tpu.memory_space<vmem>>)
      %add3A_93 = arith.constant 1 : i32
      %add3A_94 = arith.addi %scan3A_20, %add3A_93 : i32
      %lt3A = arith.constant 24 : i32
      %lt3A_95 = arith.cmpi slt, %add3A_94, %lt3A : i32
      %convert_element_type3A = arith.extui %lt3A_95 : i1 to i32
      %cond3A = arith.constant 0 : i32
      %cond3A_96 = arith.cmpi ne, %convert_element_type3A, %cond3A : i32
      scf.if %cond3A_96 {
        %add3A_147 = arith.constant 2 : i32
        %add3A_148 = arith.addi %mul3A_23, %add3A_147 : i32
        %mul3A_149 = arith.constant 16 : i32
        %mul3A_150 = arith.muli %add3A_148, %mul3A_149 : i32
        %add3A_151 = arith.addi %mul3A_2, %mul3A_150 : i32
        %dma_start3A_152 = arith.constant 0 : i32
        %dma_start3A_153 = tpu.memref_slice %arg2[%add3A_151, %dma_start3A_152] : memref<24576x1024xf32, #tpu.memory_space<hbm>> -> memref<16x1024xf32, #tpu.memory_space<hbm>>
        %dma_start3A_154 = arith.constant 0 : i32
        %dma_start3A_155 = tpu.memref_slice %arg2[%add3A_151, %dma_start3A_154] : memref<24576x1024xf32, #tpu.memory_space<hbm>> -> memref<16x1024xf32, #tpu.memory_space<hbm>>
        tpu.enqueue_dma source(%dma_start3A_155 : memref<16x1024xf32, #tpu.memory_space<hbm>>) target(%arg4 : memref<16x1024xf32, #tpu.memory_space<vmem>>) target_semaphore(%arg7 : memref<!tpu.dma_semaphore, #tpu.memory_space<semaphore_mem>>)
      } else {
      }
      %add3A_97 = arith.constant 1 : i32
      %add3A_98 = arith.addi %mul3A_23, %add3A_97 : i32
      %scan3A_99 = arith.constant 0 : i32
      %scan3A_100 = arith.constant 47 : i32
      %scan3A_101 = arith.addi %scan3A_99, %scan3A_100 : i32
      %scan3A_102 = arith.constant 1 : i32
      %scan3A_103:21 = scf.for %scan3A_147 = %scan3A_99 to %scan3A_101 step %scan3A_102 iter_args(%scan3A_148 = %broadcast_in_dim3A_6, %scan3A_149 = %broadcast_in_dim3A_6, %scan3A_150 = %broadcast_in_dim3A_6, %scan3A_151 = %broadcast_in_dim3A_6, %scan3A_152 = %broadcast_in_dim3A_6, %scan3A_153 = %broadcast_in_dim3A_6, %scan3A_154 = %broadcast_in_dim3A_6, %scan3A_155 = %broadcast_in_dim3A_6, %scan3A_156 = %broadcast_in_dim3A_6, %scan3A_157 = %broadcast_in_dim3A_6, %scan3A_158 = %broadcast_in_dim3A_8, %scan3A_159 = %broadcast_in_dim3A_8, %scan3A_160 = %broadcast_in_dim3A_8, %scan3A_161 = %broadcast_in_dim3A_8, %scan3A_162 = %broadcast_in_dim3A_8, %scan3A_163 = %broadcast_in_dim3A_8, %scan3A_164 = %broadcast_in_dim3A_8, %scan3A_165 = %broadcast_in_dim3A_8, %scan3A_166 = %broadcast_in_dim3A_8, %scan3A_167 = %broadcast_in_dim3A_8, %scan3A_168 = %mul3A_5) -> (vector<16xf32>, vector<16xf32>, vector<16xf32>, vector<16xf32>, vector<16xf32>, vector<16xf32>, vector<16xf32>, vector<16xf32>, vector<16xf32>, vector<16xf32>, vector<16xf32>, vector<16xf32>, vector<16xf32>, vector<16xf32>, vector<16xf32>, vector<16xf32>, vector<16xf32>, vector<16xf32>, vector<16xf32>, vector<16xf32>, vector<16xi32>)  : i32 {
        %add3A_169 = arith.constant 0 : i32
        %add3A_170 = vector.broadcast %add3A_169 : i32 to vector<16xi32>
        %add3A_171 = arith.addi %scan3A_168, %add3A_170 : vector<16xi32>
        %gather3A = tpu.vector_load_idx %arg5[%iota3A, %add3A_171] : memref<16x1024xf32, #tpu.memory_space<vmem>>[vector<16xi32>, vector<16xi32>], vector<16xf32>,
        %add3A_172 = arith.constant 1 : i32
        %add3A_173 = vector.broadcast %add3A_172 : i32 to vector<16xi32>
        %add3A_174 = arith.addi %scan3A_168, %add3A_173 : vector<16xi32>
        %gather3A_175 = tpu.vector_load_idx %arg5[%iota3A, %add3A_174] : memref<16x1024xf32, #tpu.memory_space<vmem>>[vector<16xi32>, vector<16xi32>], vector<16xf32>,
        %add3A_176 = arith.constant 2 : i32
        %add3A_177 = vector.broadcast %add3A_176 : i32 to vector<16xi32>
        %add3A_178 = arith.addi %scan3A_168, %add3A_177 : vector<16xi32>
        %gather3A_179 = tpu.vector_load_idx %arg5[%iota3A, %add3A_178] : memref<16x1024xf32, #tpu.memory_space<vmem>>[vector<16xi32>, vector<16xi32>], vector<16xf32>,
        %add3A_180 = arith.constant 3 : i32
        %add3A_181 = vector.broadcast %add3A_180 : i32 to vector<16xi32>
        %add3A_182 = arith.addi %scan3A_168, %add3A_181 : vector<16xi32>
        %gather3A_183 = tpu.vector_load_idx %arg5[%iota3A, %add3A_182] : memref<16x1024xf32, #tpu.memory_space<vmem>>[vector<16xi32>, vector<16xi32>], vector<16xf32>,
        %add3A_184 = arith.constant 4 : i32
        %add3A_185 = vector.broadcast %add3A_184 : i32 to vector<16xi32>
        %add3A_186 = arith.addi %scan3A_168, %add3A_185 : vector<16xi32>
        %gather3A_187 = tpu.vector_load_idx %arg5[%iota3A, %add3A_186] : memref<16x1024xf32, #tpu.memory_space<vmem>>[vector<16xi32>, vector<16xi32>], vector<16xf32>,
        %add3A_188 = arith.constant 5 : i32
        %add3A_189 = vector.broadcast %add3A_188 : i32 to vector<16xi32>
        %add3A_190 = arith.addi %scan3A_168, %add3A_189 : vector<16xi32>
        %gather3A_191 = tpu.vector_load_idx %arg5[%iota3A, %add3A_190] : memref<16x1024xf32, #tpu.memory_space<vmem>>[vector<16xi32>, vector<16xi32>], vector<16xf32>,
        %add3A_192 = arith.constant 6 : i32
        %add3A_193 = vector.broadcast %add3A_192 : i32 to vector<16xi32>
        %add3A_194 = arith.addi %scan3A_168, %add3A_193 : vector<16xi32>
        %gather3A_195 = tpu.vector_load_idx %arg5[%iota3A, %add3A_194] : memref<16x1024xf32, #tpu.memory_space<vmem>>[vector<16xi32>, vector<16xi32>], vector<16xf32>,
        %add3A_196 = arith.constant 7 : i32
        %add3A_197 = vector.broadcast %add3A_196 : i32 to vector<16xi32>
        %add3A_198 = arith.addi %scan3A_168, %add3A_197 : vector<16xi32>
        %gather3A_199 = tpu.vector_load_idx %arg5[%iota3A, %add3A_198] : memref<16x1024xf32, #tpu.memory_space<vmem>>[vector<16xi32>, vector<16xi32>], vector<16xf32>,
        %add3A_200 = arith.constant 8 : i32
        %add3A_201 = vector.broadcast %add3A_200 : i32 to vector<16xi32>
        %add3A_202 = arith.addi %scan3A_168, %add3A_201 : vector<16xi32>
        %gather3A_203 = tpu.vector_load_idx %arg5[%iota3A, %add3A_202] : memref<16x1024xf32, #tpu.memory_space<vmem>>[vector<16xi32>, vector<16xi32>], vector<16xf32>,
        %add3A_204 = arith.constant 9 : i32
        %add3A_205 = vector.broadcast %add3A_204 : i32 to vector<16xi32>
        %add3A_206 = arith.addi %scan3A_168, %add3A_205 : vector<16xi32>
        %gather3A_207 = tpu.vector_load_idx %arg5[%iota3A, %add3A_206] : memref<16x1024xf32, #tpu.memory_space<vmem>>[vector<16xi32>, vector<16xi32>], vector<16xf32>,
        %add3A_208 = arith.constant 10 : i32
        %add3A_209 = vector.broadcast %add3A_208 : i32 to vector<16xi32>
        %add3A_210 = arith.addi %scan3A_168, %add3A_209 : vector<16xi32>
        %gather3A_211 = tpu.vector_load_idx %arg5[%iota3A, %add3A_210] : memref<16x1024xf32, #tpu.memory_space<vmem>>[vector<16xi32>, vector<16xi32>], vector<16xf32>,
        %add3A_212 = arith.constant 11 : i32
        %add3A_213 = vector.broadcast %add3A_212 : i32 to vector<16xi32>
        %add3A_214 = arith.addi %scan3A_168, %add3A_213 : vector<16xi32>
        %gather3A_215 = tpu.vector_load_idx %arg5[%iota3A, %add3A_214] : memref<16x1024xf32, #tpu.memory_space<vmem>>[vector<16xi32>, vector<16xi32>], vector<16xf32>,
        %add3A_216 = arith.constant 12 : i32
        %add3A_217 = vector.broadcast %add3A_216 : i32 to vector<16xi32>
        %add3A_218 = arith.addi %scan3A_168, %add3A_217 : vector<16xi32>
        %gather3A_219 = tpu.vector_load_idx %arg5[%iota3A, %add3A_218] : memref<16x1024xf32, #tpu.memory_space<vmem>>[vector<16xi32>, vector<16xi32>], vector<16xf32>,
        %add3A_220 = arith.constant 13 : i32
        %add3A_221 = vector.broadcast %add3A_220 : i32 to vector<16xi32>
        %add3A_222 = arith.addi %scan3A_168, %add3A_221 : vector<16xi32>
        %gather3A_223 = tpu.vector_load_idx %arg5[%iota3A, %add3A_222] : memref<16x1024xf32, #tpu.memory_space<vmem>>[vector<16xi32>, vector<16xi32>], vector<16xf32>,
        %add3A_224 = arith.constant 14 : i32
        %add3A_225 = vector.broadcast %add3A_224 : i32 to vector<16xi32>
        %add3A_226 = arith.addi %scan3A_168, %add3A_225 : vector<16xi32>
        %gather3A_227 = tpu.vector_load_idx %arg5[%iota3A, %add3A_226] : memref<16x1024xf32, #tpu.memory_space<vmem>>[vector<16xi32>, vector<16xi32>], vector<16xf32>,
        %add3A_228 = arith.constant 15 : i32
        %add3A_229 = vector.broadcast %add3A_228 : i32 to vector<16xi32>
        %add3A_230 = arith.addi %scan3A_168, %add3A_229 : vector<16xi32>
        %gather3A_231 = tpu.vector_load_idx %arg5[%iota3A, %add3A_230] : memref<16x1024xf32, #tpu.memory_space<vmem>>[vector<16xi32>, vector<16xi32>], vector<16xf32>,
        %max3A = arith.maximumf %gather3A, %gather3A_175 : vector<16xf32>
        %min3A = arith.minimumf %gather3A, %gather3A_175 : vector<16xf32>
        %max3A_232 = arith.maximumf %gather3A_179, %gather3A_183 : vector<16xf32>
        %min3A_233 = arith.minimumf %gather3A_179, %gather3A_183 : vector<16xf32>
        %max3A_234 = arith.maximumf %max3A, %max3A_232 : vector<16xf32>
        %min3A_235 = arith.minimumf %max3A, %max3A_232 : vector<16xf32>
        %max3A_236 = arith.maximumf %min3A, %min3A_233 : vector<16xf32>
        %min3A_237 = arith.minimumf %min3A, %min3A_233 : vector<16xf32>
        %max3A_238 = arith.maximumf %max3A_236, %min3A_235 : vector<16xf32>
        %min3A_239 = arith.minimumf %max3A_236, %min3A_235 : vector<16xf32>
        %max3A_240 = arith.maximumf %gather3A_187, %gather3A_191 : vector<16xf32>
        %min3A_241 = arith.minimumf %gather3A_187, %gather3A_191 : vector<16xf32>
        %max3A_242 = arith.maximumf %gather3A_195, %gather3A_199 : vector<16xf32>
        %min3A_243 = arith.minimumf %gather3A_195, %gather3A_199 : vector<16xf32>
        %max3A_244 = arith.maximumf %max3A_240, %max3A_242 : vector<16xf32>
        %min3A_245 = arith.minimumf %max3A_240, %max3A_242 : vector<16xf32>
        %max3A_246 = arith.maximumf %min3A_241, %min3A_243 : vector<16xf32>
        %min3A_247 = arith.minimumf %min3A_241, %min3A_243 : vector<16xf32>
        %max3A_248 = arith.maximumf %max3A_246, %min3A_245 : vector<16xf32>
        %min3A_249 = arith.minimumf %max3A_246, %min3A_245 : vector<16xf32>
        %max3A_250 = arith.maximumf %max3A_234, %max3A_244 : vector<16xf32>
        %min3A_251 = arith.minimumf %max3A_234, %max3A_244 : vector<16xf32>
        %max3A_252 = arith.maximumf %min3A_239, %min3A_249 : vector<16xf32>
        %min3A_253 = arith.minimumf %min3A_239, %min3A_249 : vector<16xf32>
        %max3A_254 = arith.maximumf %max3A_252, %min3A_251 : vector<16xf32>
        %min3A_255 = arith.minimumf %max3A_252, %min3A_251 : vector<16xf32>
        %max3A_256 = arith.maximumf %max3A_238, %max3A_248 : vector<16xf32>
        %min3A_257 = arith.minimumf %max3A_238, %max3A_248 : vector<16xf32>
        %max3A_258 = arith.maximumf %min3A_237, %min3A_247 : vector<16xf32>
        %min3A_259 = arith.minimumf %min3A_237, %min3A_247 : vector<16xf32>
        %max3A_260 = arith.maximumf %max3A_258, %min3A_257 : vector<16xf32>
        %min3A_261 = arith.minimumf %max3A_258, %min3A_257 : vector<16xf32>
        %max3A_262 = arith.maximumf %max3A_256, %max3A_254 : vector<16xf32>
        %min3A_263 = arith.minimumf %max3A_256, %max3A_254 : vector<16xf32>
        %max3A_264 = arith.maximumf %max3A_260, %min3A_255 : vector<16xf32>
        %min3A_265 = arith.minimumf %max3A_260, %min3A_255 : vector<16xf32>
        %max3A_266 = arith.maximumf %min3A_261, %min3A_253 : vector<16xf32>
        %min3A_267 = arith.minimumf %min3A_261, %min3A_253 : vector<16xf32>
        %max3A_268 = arith.maximumf %gather3A_203, %gather3A_207 : vector<16xf32>
        %min3A_269 = arith.minimumf %gather3A_203, %gather3A_207 : vector<16xf32>
        %max3A_270 = arith.maximumf %gather3A_211, %gather3A_215 : vector<16xf32>
        %min3A_271 = arith.minimumf %gather3A_211, %gather3A_215 : vector<16xf32>
        %max3A_272 = arith.maximumf %max3A_268, %max3A_270 : vector<16xf32>
        %min3A_273 = arith.minimumf %max3A_268, %max3A_270 : vector<16xf32>
        %max3A_274 = arith.maximumf %min3A_269, %min3A_271 : vector<16xf32>
        %min3A_275 = arith.minimumf %min3A_269, %min3A_271 : vector<16xf32>
        %max3A_276 = arith.maximumf %max3A_274, %min3A_273 : vector<16xf32>
        %min3A_277 = arith.minimumf %max3A_274, %min3A_273 : vector<16xf32>
        %max3A_278 = arith.maximumf %gather3A_219, %gather3A_223 : vector<16xf32>
        %min3A_279 = arith.minimumf %gather3A_219, %gather3A_223 : vector<16xf32>
        %max3A_280 = arith.maximumf %gather3A_227, %gather3A_231 : vector<16xf32>
        %min3A_281 = arith.minimumf %gather3A_227, %gather3A_231 : vector<16xf32>
        %max3A_282 = arith.maximumf %max3A_278, %max3A_280 : vector<16xf32>
        %min3A_283 = arith.minimumf %max3A_278, %max3A_280 : vector<16xf32>
        %max3A_284 = arith.maximumf %min3A_279, %min3A_281 : vector<16xf32>
        %min3A_285 = arith.minimumf %min3A_279, %min3A_281 : vector<16xf32>
        %max3A_286 = arith.maximumf %max3A_284, %min3A_283 : vector<16xf32>
        %min3A_287 = arith.minimumf %max3A_284, %min3A_283 : vector<16xf32>
        %max3A_288 = arith.maximumf %max3A_272, %max3A_282 : vector<16xf32>
        %min3A_289 = arith.minimumf %max3A_272, %max3A_282 : vector<16xf32>
        %max3A_290 = arith.maximumf %min3A_277, %min3A_287 : vector<16xf32>
        %min3A_291 = arith.minimumf %min3A_277, %min3A_287 : vector<16xf32>
        %max3A_292 = arith.maximumf %max3A_290, %min3A_289 : vector<16xf32>
        %min3A_293 = arith.minimumf %max3A_290, %min3A_289 : vector<16xf32>
        %max3A_294 = arith.maximumf %max3A_276, %max3A_286 : vector<16xf32>
        %min3A_295 = arith.minimumf %max3A_276, %max3A_286 : vector<16xf32>
        %max3A_296 = arith.maximumf %min3A_275, %min3A_285 : vector<16xf32>
        %min3A_297 = arith.minimumf %min3A_275, %min3A_285 : vector<16xf32>
        %max3A_298 = arith.maximumf %max3A_296, %min3A_295 : vector<16xf32>
        %min3A_299 = arith.minimumf %max3A_296, %min3A_295 : vector<16xf32>
        %max3A_300 = arith.maximumf %max3A_294, %max3A_292 : vector<16xf32>
        %min3A_301 = arith.minimumf %max3A_294, %max3A_292 : vector<16xf32>
        %max3A_302 = arith.maximumf %max3A_298, %min3A_293 : vector<16xf32>
        %min3A_303 = arith.minimumf %max3A_298, %min3A_293 : vector<16xf32>
        %max3A_304 = arith.maximumf %min3A_299, %min3A_291 : vector<16xf32>
        %min3A_305 = arith.minimumf %min3A_299, %min3A_291 : vector<16xf32>
        %max3A_306 = arith.maximumf %max3A_250, %max3A_288 : vector<16xf32>
        %min3A_307 = arith.minimumf %max3A_250, %max3A_288 : vector<16xf32>
        %max3A_308 = arith.maximumf %min3A_265, %min3A_303 : vector<16xf32>
        %min3A_309 = arith.minimumf %min3A_265, %min3A_303 : vector<16xf32>
        %max3A_310 = arith.maximumf %max3A_308, %min3A_307 : vector<16xf32>
        %min3A_311 = arith.minimumf %max3A_308, %min3A_307 : vector<16xf32>
        %max3A_312 = arith.maximumf %min3A_263, %min3A_301 : vector<16xf32>
        %min3A_313 = arith.minimumf %min3A_263, %min3A_301 : vector<16xf32>
        %max3A_314 = arith.maximumf %min3A_267, %min3A_305 : vector<16xf32>
        %min3A_315 = arith.minimumf %min3A_267, %min3A_305 : vector<16xf32>
        %max3A_316 = arith.maximumf %max3A_314, %min3A_313 : vector<16xf32>
        %min3A_317 = arith.minimumf %max3A_314, %min3A_313 : vector<16xf32>
        %max3A_318 = arith.maximumf %max3A_312, %max3A_310 : vector<16xf32>
        %min3A_319 = arith.minimumf %max3A_312, %max3A_310 : vector<16xf32>
        %max3A_320 = arith.maximumf %max3A_316, %min3A_311 : vector<16xf32>
        %min3A_321 = arith.minimumf %max3A_316, %min3A_311 : vector<16xf32>
        %max3A_322 = arith.maximumf %min3A_317, %min3A_309 : vector<16xf32>
        %min3A_323 = arith.minimumf %min3A_317, %min3A_309 : vector<16xf32>
        %max3A_324 = arith.maximumf %max3A_262, %max3A_300 : vector<16xf32>
        %min3A_325 = arith.minimumf %max3A_262, %max3A_300 : vector<16xf32>
        %max3A_326 = arith.maximumf %max3A_266, %max3A_304 : vector<16xf32>
        %min3A_327 = arith.minimumf %max3A_266, %max3A_304 : vector<16xf32>
        %max3A_328 = arith.maximumf %max3A_326, %min3A_325 : vector<16xf32>
        %min3A_329 = arith.minimumf %max3A_326, %min3A_325 : vector<16xf32>
        %max3A_330 = arith.maximumf %max3A_264, %max3A_302 : vector<16xf32>
        %min3A_331 = arith.minimumf %max3A_264, %max3A_302 : vector<16xf32>
        %max3A_332 = arith.maximumf %min3A_259, %min3A_297 : vector<16xf32>
        %min3A_333 = arith.minimumf %min3A_259, %min3A_297 : vector<16xf32>
        %max3A_334 = arith.maximumf %max3A_332, %min3A_331 : vector<16xf32>
        %min3A_335 = arith.minimumf %max3A_332, %min3A_331 : vector<16xf32>
        %max3A_336 = arith.maximumf %max3A_330, %max3A_328 : vector<16xf32>
        %min3A_337 = arith.minimumf %max3A_330, %max3A_328 : vector<16xf32>
        %max3A_338 = arith.maximumf %max3A_334, %min3A_329 : vector<16xf32>
        %min3A_339 = arith.minimumf %max3A_334, %min3A_329 : vector<16xf32>
        %max3A_340 = arith.maximumf %min3A_335, %min3A_327 : vector<16xf32>
        %min3A_341 = arith.minimumf %min3A_335, %min3A_327 : vector<16xf32>
        %max3A_342 = arith.maximumf %max3A_324, %max3A_318 : vector<16xf32>
        %min3A_343 = arith.minimumf %max3A_324, %max3A_318 : vector<16xf32>
        %max3A_344 = arith.maximumf %max3A_336, %min3A_319 : vector<16xf32>
        %min3A_345 = arith.minimumf %max3A_336, %min3A_319 : vector<16xf32>
        %max3A_346 = arith.maximumf %min3A_337, %max3A_320 : vector<16xf32>
        %min3A_347 = arith.minimumf %min3A_337, %max3A_320 : vector<16xf32>
        %max3A_348 = arith.maximumf %max3A_338, %min3A_321 : vector<16xf32>
        %min3A_349 = arith.minimumf %max3A_338, %min3A_321 : vector<16xf32>
        %max3A_350 = arith.maximumf %min3A_339, %max3A_322 : vector<16xf32>
        %min3A_351 = arith.minimumf %min3A_339, %max3A_322 : vector<16xf32>
        %max3A_352 = arith.maximumf %max3A_340, %min3A_323 : vector<16xf32>
        %min3A_353 = arith.minimumf %max3A_340, %min3A_323 : vector<16xf32>
        %max3A_354 = arith.maximumf %min3A_341, %min3A_315 : vector<16xf32>
        %min3A_355 = arith.minimumf %min3A_341, %min3A_315 : vector<16xf32>
        %max3A_356 = arith.maximumf %scan3A_154, %max3A_350 : vector<16xf32>
        %max3A_357 = arith.maximumf %scan3A_155, %min3A_349 : vector<16xf32>
        %max3A_358 = arith.maximumf %scan3A_156, %max3A_348 : vector<16xf32>
        %max3A_359 = arith.maximumf %scan3A_157, %min3A_347 : vector<16xf32>
        %max3A_360 = arith.maximumf %scan3A_148, %max3A_358 : vector<16xf32>
        %min3A_361 = arith.minimumf %scan3A_148, %max3A_358 : vector<16xf32>
        %max3A_362 = arith.maximumf %scan3A_149, %max3A_359 : vector<16xf32>
        %min3A_363 = arith.minimumf %scan3A_149, %max3A_359 : vector<16xf32>
        %max3A_364 = arith.maximumf %scan3A_150, %max3A_346 : vector<16xf32>
        %min3A_365 = arith.minimumf %scan3A_150, %max3A_346 : vector<16xf32>
        %max3A_366 = arith.maximumf %scan3A_151, %min3A_345 : vector<16xf32>
        %min3A_367 = arith.minimumf %scan3A_151, %min3A_345 : vector<16xf32>
        %max3A_368 = arith.maximumf %scan3A_152, %max3A_344 : vector<16xf32>
        %min3A_369 = arith.minimumf %scan3A_152, %max3A_344 : vector<16xf32>
        %max3A_370 = arith.maximumf %scan3A_153, %min3A_343 : vector<16xf32>
        %min3A_371 = arith.minimumf %scan3A_153, %min3A_343 : vector<16xf32>
        %max3A_372 = arith.maximumf %max3A_356, %max3A_342 : vector<16xf32>
        %min3A_373 = arith.minimumf %max3A_356, %max3A_342 : vector<16xf32>
        %max3A_374 = arith.maximumf %max3A_357, %max3A_306 : vector<16xf32>
        %min3A_375 = arith.minimumf %max3A_357, %max3A_306 : vector<16xf32>
        %max3A_376 = arith.maximumf %max3A_360, %max3A_368 : vector<16xf32>
        %min3A_377 = arith.minimumf %max3A_360, %max3A_368 : vector<16xf32>
        %max3A_378 = arith.maximumf %max3A_362, %max3A_370 : vector<16xf32>
        %min3A_379 = arith.minimumf %max3A_362, %max3A_370 : vector<16xf32>
        %max3A_380 = arith.maximumf %max3A_364, %max3A_372 : vector<16xf32>
        %min3A_381 = arith.minimumf %max3A_364, %max3A_372 : vector<16xf32>
        %max3A_382 = arith.maximumf %max3A_366, %max3A_374 : vector<16xf32>
        %min3A_383 = arith.minimumf %max3A_366, %max3A_374 : vector<16xf32>
        %max3A_384 = arith.maximumf %min3A_361, %min3A_369 : vector<16xf32>
        %min3A_385 = arith.minimumf %min3A_361, %min3A_369 : vector<16xf32>
        %max3A_386 = arith.maximumf %min3A_363, %min3A_371 : vector<16xf32>
        %min3A_387 = arith.minimumf %min3A_363, %min3A_371 : vector<16xf32>
        %max3A_388 = arith.maximumf %min3A_365, %min3A_373 : vector<16xf32>
        %min3A_389 = arith.minimumf %min3A_365, %min3A_373 : vector<16xf32>
        %max3A_390 = arith.maximumf %min3A_367, %min3A_375 : vector<16xf32>
        %min3A_391 = arith.minimumf %min3A_367, %min3A_375 : vector<16xf32>
        %max3A_392 = arith.maximumf %max3A_376, %max3A_380 : vector<16xf32>
        %min3A_393 = arith.minimumf %max3A_376, %max3A_380 : vector<16xf32>
        %max3A_394 = arith.maximumf %max3A_378, %max3A_382 : vector<16xf32>
        %min3A_395 = arith.minimumf %max3A_378, %max3A_382 : vector<16xf32>
        %max3A_396 = arith.maximumf %min3A_377, %min3A_381 : vector<16xf32>
        %min3A_397 = arith.minimumf %min3A_377, %min3A_381 : vector<16xf32>
        %max3A_398 = arith.maximumf %min3A_379, %min3A_383 : vector<16xf32>
        %min3A_399 = arith.minimumf %min3A_379, %min3A_383 : vector<16xf32>
        %max3A_400 = arith.maximumf %max3A_384, %max3A_388 : vector<16xf32>
        %min3A_401 = arith.minimumf %max3A_384, %max3A_388 : vector<16xf32>
        %max3A_402 = arith.maximumf %max3A_386, %max3A_390 : vector<16xf32>
        %min3A_403 = arith.minimumf %max3A_386, %max3A_390 : vector<16xf32>
        %max3A_404 = arith.maximumf %max3A_392, %max3A_394 : vector<16xf32>
        %min3A_405 = arith.minimumf %max3A_392, %max3A_394 : vector<16xf32>
        %max3A_406 = arith.maximumf %min3A_393, %min3A_395 : vector<16xf32>
        %min3A_407 = arith.minimumf %min3A_393, %min3A_395 : vector<16xf32>
        %max3A_408 = arith.maximumf %max3A_396, %max3A_398 : vector<16xf32>
        %min3A_409 = arith.minimumf %max3A_396, %max3A_398 : vector<16xf32>
        %max3A_410 = arith.maximumf %min3A_397, %min3A_399 : vector<16xf32>
        %min3A_411 = arith.minimumf %min3A_397, %min3A_399 : vector<16xf32>
        %max3A_412 = arith.maximumf %max3A_400, %max3A_402 : vector<16xf32>
        %min3A_413 = arith.minimumf %max3A_400, %max3A_402 : vector<16xf32>
        %min3A_414 = arith.minimumf %scan3A_164, %min3A_347 : vector<16xf32>
        %min3A_415 = arith.minimumf %scan3A_165, %max3A_348 : vector<16xf32>
        %min3A_416 = arith.minimumf %scan3A_166, %min3A_349 : vector<16xf32>
        %min3A_417 = arith.minimumf %scan3A_167, %max3A_350 : vector<16xf32>
        %min3A_418 = arith.minimumf %scan3A_158, %min3A_416 : vector<16xf32>
        %max3A_419 = arith.maximumf %scan3A_158, %min3A_416 : vector<16xf32>
        %min3A_420 = arith.minimumf %scan3A_159, %min3A_417 : vector<16xf32>
        %max3A_421 = arith.maximumf %scan3A_159, %min3A_417 : vector<16xf32>
        %min3A_422 = arith.minimumf %scan3A_160, %min3A_351 : vector<16xf32>
        %max3A_423 = arith.maximumf %scan3A_160, %min3A_351 : vector<16xf32>
        %min3A_424 = arith.minimumf %scan3A_161, %max3A_352 : vector<16xf32>
        %max3A_425 = arith.maximumf %scan3A_161, %max3A_352 : vector<16xf32>
        %min3A_426 = arith.minimumf %scan3A_162, %min3A_353 : vector<16xf32>
        %max3A_427 = arith.maximumf %scan3A_162, %min3A_353 : vector<16xf32>
        %min3A_428 = arith.minimumf %scan3A_163, %max3A_354 : vector<16xf32>
        %max3A_429 = arith.maximumf %scan3A_163, %max3A_354 : vector<16xf32>
        %min3A_430 = arith.minimumf %min3A_414, %min3A_355 : vector<16xf32>
        %max3A_431 = arith.maximumf %min3A_414, %min3A_355 : vector<16xf32>
        %min3A_432 = arith.minimumf %min3A_415, %min3A_333 : vector<16xf32>
        %max3A_433 = arith.maximumf %min3A_415, %min3A_333 : vector<16xf32>
        %min3A_434 = arith.minimumf %min3A_418, %min3A_426 : vector<16xf32>
        %max3A_435 = arith.maximumf %min3A_418, %min3A_426 : vector<16xf32>
        %min3A_436 = arith.minimumf %min3A_420, %min3A_428 : vector<16xf32>
        %max3A_437 = arith.maximumf %min3A_420, %min3A_428 : vector<16xf32>
        %min3A_438 = arith.minimumf %min3A_422, %min3A_430 : vector<16xf32>
        %max3A_439 = arith.maximumf %min3A_422, %min3A_430 : vector<16xf32>
        %min3A_440 = arith.minimumf %min3A_424, %min3A_432 : vector<16xf32>
        %max3A_441 = arith.maximumf %min3A_424, %min3A_432 : vector<16xf32>
        %min3A_442 = arith.minimumf %max3A_419, %max3A_427 : vector<16xf32>
        %max3A_443 = arith.maximumf %max3A_419, %max3A_427 : vector<16xf32>
        %min3A_444 = arith.minimumf %max3A_421, %max3A_429 : vector<16xf32>
        %max3A_445 = arith.maximumf %max3A_421, %max3A_429 : vector<16xf32>
        %min3A_446 = arith.minimumf %max3A_423, %max3A_431 : vector<16xf32>
        %max3A_447 = arith.maximumf %max3A_423, %max3A_431 : vector<16xf32>
        %min3A_448 = arith.minimumf %max3A_425, %max3A_433 : vector<16xf32>
        %max3A_449 = arith.maximumf %max3A_425, %max3A_433 : vector<16xf32>
        %min3A_450 = arith.minimumf %min3A_434, %min3A_438 : vector<16xf32>
        %max3A_451 = arith.maximumf %min3A_434, %min3A_438 : vector<16xf32>
        %min3A_452 = arith.minimumf %min3A_436, %min3A_440 : vector<16xf32>
        %max3A_453 = arith.maximumf %min3A_436, %min3A_440 : vector<16xf32>
        %min3A_454 = arith.minimumf %max3A_435, %max3A_439 : vector<16xf32>
        %max3A_455 = arith.maximumf %max3A_435, %max3A_439 : vector<16xf32>
        %min3A_456 = arith.minimumf %max3A_437, %max3A_441 : vector<16xf32>
        %max3A_457 = arith.maximumf %max3A_437, %max3A_441 : vector<16xf32>
        %min3A_458 = arith.minimumf %min3A_442, %min3A_446 : vector<16xf32>
        %max3A_459 = arith.maximumf %min3A_442, %min3A_446 : vector<16xf32>
        %min3A_460 = arith.minimumf %min3A_444, %min3A_448 : vector<16xf32>
        %max3A_461 = arith.maximumf %min3A_444, %min3A_448 : vector<16xf32>
        %min3A_462 = arith.minimumf %min3A_450, %min3A_452 : vector<16xf32>
        %max3A_463 = arith.maximumf %min3A_450, %min3A_452 : vector<16xf32>
        %min3A_464 = arith.minimumf %max3A_451, %max3A_453 : vector<16xf32>
        %max3A_465 = arith.maximumf %max3A_451, %max3A_453 : vector<16xf32>
        %min3A_466 = arith.minimumf %min3A_454, %min3A_456 : vector<16xf32>
        %max3A_467 = arith.maximumf %min3A_454, %min3A_456 : vector<16xf32>
        %min3A_468 = arith.minimumf %max3A_455, %max3A_457 : vector<16xf32>
        %max3A_469 = arith.maximumf %max3A_455, %max3A_457 : vector<16xf32>
        %min3A_470 = arith.minimumf %min3A_458, %min3A_460 : vector<16xf32>
        %max3A_471 = arith.maximumf %min3A_458, %min3A_460 : vector<16xf32>
        %add3A_472 = arith.constant 16 : i32
        %add3A_473 = vector.broadcast %add3A_472 : i32 to vector<16xi32>
        %add3A_474 = arith.addi %scan3A_168, %add3A_473 : vector<16xi32>
        scf.yield %max3A_404, %min3A_405, %max3A_406, %min3A_407, %max3A_408, %min3A_409, %max3A_410, %min3A_411, %max3A_412, %min3A_413, %min3A_462, %max3A_463, %min3A_464, %max3A_465, %min3A_466, %max3A_467, %min3A_468, %max3A_469, %min3A_470, %max3A_471, %add3A_474 : vector<16xf32>, vector<16xf32>, vector<16xf32>, vector<16xf32>, vector<16xf32>, vector<16xf32>, vector<16xf32>, vector<16xf32>, vector<16xf32>, vector<16xf32>, vector<16xf32>, vector<16xf32>, vector<16xf32>, vector<16xf32>, vector<16xf32>, vector<16xf32>, vector<16xf32>, vector<16xf32>, vector<16xf32>, vector<16xf32>, vector<16xi32>
      }
      %scan3A_104 = arith.constant 47 : i32
      %add3A_105 = arith.constant 752 : i32
      %add3A_106 = vector.broadcast %add3A_105 : i32 to vector<16xi32>
      %add3A_107 = arith.addi %mul3A_5, %add3A_106 : vector<16xi32>
      %scan3A_108 = arith.constant 47 : i32
      %scan3A_109 = arith.constant 17 : i32
      %scan3A_110 = arith.addi %scan3A_108, %scan3A_109 : i32
      %scan3A_111 = arith.constant 1 : i32
      %scan3A_112:21 = scf.for %scan3A_147 = %scan3A_108 to %scan3A_110 step %scan3A_111 iter_args(%scan3A_148 = %scan3A_103#0, %scan3A_149 = %scan3A_103#1, %scan3A_150 = %scan3A_103#2, %scan3A_151 = %scan3A_103#3, %scan3A_152 = %scan3A_103#4, %scan3A_153 = %scan3A_103#5, %scan3A_154 = %scan3A_103#6, %scan3A_155 = %scan3A_103#7, %scan3A_156 = %scan3A_103#8, %scan3A_157 = %scan3A_103#9, %scan3A_158 = %scan3A_103#10, %scan3A_159 = %scan3A_103#11, %scan3A_160 = %scan3A_103#12, %scan3A_161 = %scan3A_103#13, %scan3A_162 = %scan3A_103#14, %scan3A_163 = %scan3A_103#15, %scan3A_164 = %scan3A_103#16, %scan3A_165 = %scan3A_103#17, %scan3A_166 = %scan3A_103#18, %scan3A_167 = %scan3A_103#19, %scan3A_168 = %add3A_107) -> (vector<16xf32>, vector<16xf32>, vector<16xf32>, vector<16xf32>, vector<16xf32>, vector<16xf32>, vector<16xf32>, vector<16xf32>, vector<16xf32>, vector<16xf32>, vector<16xf32>, vector<16xf32>, vector<16xf32>, vector<16xf32>, vector<16xf32>, vector<16xf32>, vector<16xf32>, vector<16xf32>, vector<16xf32>, vector<16xf32>, vector<16xi32>)  : i32 {
        %add3A_169 = arith.constant 0 : i32
        %add3A_170 = vector.broadcast %add3A_169 : i32 to vector<16xi32>
        %add3A_171 = arith.addi %scan3A_168, %add3A_170 : vector<16xi32>
        %and3A = arith.constant 1023 : i32
        %and3A_172 = vector.broadcast %and3A : i32 to vector<16xi32>
        %and3A_173 = arith.andi %add3A_171, %and3A_172 : vector<16xi32>
        %gather3A = tpu.vector_load_idx %arg5[%iota3A, %and3A_173] : memref<16x1024xf32, #tpu.memory_space<vmem>>[vector<16xi32>, vector<16xi32>], vector<16xf32>,
        %add3A_174 = arith.constant 1 : i32
        %add3A_175 = vector.broadcast %add3A_174 : i32 to vector<16xi32>
        %add3A_176 = arith.addi %scan3A_168, %add3A_175 : vector<16xi32>
        %and3A_177 = arith.constant 1023 : i32
        %and3A_178 = vector.broadcast %and3A_177 : i32 to vector<16xi32>
        %and3A_179 = arith.andi %add3A_176, %and3A_178 : vector<16xi32>
        %gather3A_180 = tpu.vector_load_idx %arg5[%iota3A, %and3A_179] : memref<16x1024xf32, #tpu.memory_space<vmem>>[vector<16xi32>, vector<16xi32>], vector<16xf32>,
        %add3A_181 = arith.constant 2 : i32
        %add3A_182 = vector.broadcast %add3A_181 : i32 to vector<16xi32>
        %add3A_183 = arith.addi %scan3A_168, %add3A_182 : vector<16xi32>
        %and3A_184 = arith.constant 1023 : i32
        %and3A_185 = vector.broadcast %and3A_184 : i32 to vector<16xi32>
        %and3A_186 = arith.andi %add3A_183, %and3A_185 : vector<16xi32>
        %gather3A_187 = tpu.vector_load_idx %arg5[%iota3A, %and3A_186] : memref<16x1024xf32, #tpu.memory_space<vmem>>[vector<16xi32>, vector<16xi32>], vector<16xf32>,
        %add3A_188 = arith.constant 3 : i32
        %add3A_189 = vector.broadcast %add3A_188 : i32 to vector<16xi32>
        %add3A_190 = arith.addi %scan3A_168, %add3A_189 : vector<16xi32>
        %and3A_191 = arith.constant 1023 : i32
        %and3A_192 = vector.broadcast %and3A_191 : i32 to vector<16xi32>
        %and3A_193 = arith.andi %add3A_190, %and3A_192 : vector<16xi32>
        %gather3A_194 = tpu.vector_load_idx %arg5[%iota3A, %and3A_193] : memref<16x1024xf32, #tpu.memory_space<vmem>>[vector<16xi32>, vector<16xi32>], vector<16xf32>,
        %add3A_195 = arith.constant 4 : i32
        %add3A_196 = vector.broadcast %add3A_195 : i32 to vector<16xi32>
        %add3A_197 = arith.addi %scan3A_168, %add3A_196 : vector<16xi32>
        %and3A_198 = arith.constant 1023 : i32
        %and3A_199 = vector.broadcast %and3A_198 : i32 to vector<16xi32>
        %and3A_200 = arith.andi %add3A_197, %and3A_199 : vector<16xi32>
        %gather3A_201 = tpu.vector_load_idx %arg5[%iota3A, %and3A_200] : memref<16x1024xf32, #tpu.memory_space<vmem>>[vector<16xi32>, vector<16xi32>], vector<16xf32>,
        %add3A_202 = arith.constant 5 : i32
        %add3A_203 = vector.broadcast %add3A_202 : i32 to vector<16xi32>
        %add3A_204 = arith.addi %scan3A_168, %add3A_203 : vector<16xi32>
        %and3A_205 = arith.constant 1023 : i32
        %and3A_206 = vector.broadcast %and3A_205 : i32 to vector<16xi32>
        %and3A_207 = arith.andi %add3A_204, %and3A_206 : vector<16xi32>
        %gather3A_208 = tpu.vector_load_idx %arg5[%iota3A, %and3A_207] : memref<16x1024xf32, #tpu.memory_space<vmem>>[vector<16xi32>, vector<16xi32>], vector<16xf32>,
        %add3A_209 = arith.constant 6 : i32
        %add3A_210 = vector.broadcast %add3A_209 : i32 to vector<16xi32>
        %add3A_211 = arith.addi %scan3A_168, %add3A_210 : vector<16xi32>
        %and3A_212 = arith.constant 1023 : i32
        %and3A_213 = vector.broadcast %and3A_212 : i32 to vector<16xi32>
        %and3A_214 = arith.andi %add3A_211, %and3A_213 : vector<16xi32>
        %gather3A_215 = tpu.vector_load_idx %arg5[%iota3A, %and3A_214] : memref<16x1024xf32, #tpu.memory_space<vmem>>[vector<16xi32>, vector<16xi32>], vector<16xf32>,
        %add3A_216 = arith.constant 7 : i32
        %add3A_217 = vector.broadcast %add3A_216 : i32 to vector<16xi32>
        %add3A_218 = arith.addi %scan3A_168, %add3A_217 : vector<16xi32>
        %and3A_219 = arith.constant 1023 : i32
        %and3A_220 = vector.broadcast %and3A_219 : i32 to vector<16xi32>
        %and3A_221 = arith.andi %add3A_218, %and3A_220 : vector<16xi32>
        %gather3A_222 = tpu.vector_load_idx %arg5[%iota3A, %and3A_221] : memref<16x1024xf32, #tpu.memory_space<vmem>>[vector<16xi32>, vector<16xi32>], vector<16xf32>,
        %add3A_223 = arith.constant 8 : i32
        %add3A_224 = vector.broadcast %add3A_223 : i32 to vector<16xi32>
        %add3A_225 = arith.addi %scan3A_168, %add3A_224 : vector<16xi32>
        %and3A_226 = arith.constant 1023 : i32
        %and3A_227 = vector.broadcast %and3A_226 : i32 to vector<16xi32>
        %and3A_228 = arith.andi %add3A_225, %and3A_227 : vector<16xi32>
        %gather3A_229 = tpu.vector_load_idx %arg5[%iota3A, %and3A_228] : memref<16x1024xf32, #tpu.memory_space<vmem>>[vector<16xi32>, vector<16xi32>], vector<16xf32>,
        %add3A_230 = arith.constant 9 : i32
        %add3A_231 = vector.broadcast %add3A_230 : i32 to vector<16xi32>
        %add3A_232 = arith.addi %scan3A_168, %add3A_231 : vector<16xi32>
        %and3A_233 = arith.constant 1023 : i32
        %and3A_234 = vector.broadcast %and3A_233 : i32 to vector<16xi32>
        %and3A_235 = arith.andi %add3A_232, %and3A_234 : vector<16xi32>
        %gather3A_236 = tpu.vector_load_idx %arg5[%iota3A, %and3A_235] : memref<16x1024xf32, #tpu.memory_space<vmem>>[vector<16xi32>, vector<16xi32>], vector<16xf32>,
        %add3A_237 = arith.constant 10 : i32
        %add3A_238 = vector.broadcast %add3A_237 : i32 to vector<16xi32>
        %add3A_239 = arith.addi %scan3A_168, %add3A_238 : vector<16xi32>
        %and3A_240 = arith.constant 1023 : i32
        %and3A_241 = vector.broadcast %and3A_240 : i32 to vector<16xi32>
        %and3A_242 = arith.andi %add3A_239, %and3A_241 : vector<16xi32>
        %gather3A_243 = tpu.vector_load_idx %arg5[%iota3A, %and3A_242] : memref<16x1024xf32, #tpu.memory_space<vmem>>[vector<16xi32>, vector<16xi32>], vector<16xf32>,
        %add3A_244 = arith.constant 11 : i32
        %add3A_245 = vector.broadcast %add3A_244 : i32 to vector<16xi32>
        %add3A_246 = arith.addi %scan3A_168, %add3A_245 : vector<16xi32>
        %and3A_247 = arith.constant 1023 : i32
        %and3A_248 = vector.broadcast %and3A_247 : i32 to vector<16xi32>
        %and3A_249 = arith.andi %add3A_246, %and3A_248 : vector<16xi32>
        %gather3A_250 = tpu.vector_load_idx %arg5[%iota3A, %and3A_249] : memref<16x1024xf32, #tpu.memory_space<vmem>>[vector<16xi32>, vector<16xi32>], vector<16xf32>,
        %add3A_251 = arith.constant 12 : i32
        %add3A_252 = vector.broadcast %add3A_251 : i32 to vector<16xi32>
        %add3A_253 = arith.addi %scan3A_168, %add3A_252 : vector<16xi32>
        %and3A_254 = arith.constant 1023 : i32
        %and3A_255 = vector.broadcast %and3A_254 : i32 to vector<16xi32>
        %and3A_256 = arith.andi %add3A_253, %and3A_255 : vector<16xi32>
        %gather3A_257 = tpu.vector_load_idx %arg5[%iota3A, %and3A_256] : memref<16x1024xf32, #tpu.memory_space<vmem>>[vector<16xi32>, vector<16xi32>], vector<16xf32>,
        %add3A_258 = arith.constant 13 : i32
        %add3A_259 = vector.broadcast %add3A_258 : i32 to vector<16xi32>
        %add3A_260 = arith.addi %scan3A_168, %add3A_259 : vector<16xi32>
        %and3A_261 = arith.constant 1023 : i32
        %and3A_262 = vector.broadcast %and3A_261 : i32 to vector<16xi32>
        %and3A_263 = arith.andi %add3A_260, %and3A_262 : vector<16xi32>
        %gather3A_264 = tpu.vector_load_idx %arg5[%iota3A, %and3A_263] : memref<16x1024xf32, #tpu.memory_space<vmem>>[vector<16xi32>, vector<16xi32>], vector<16xf32>,
        %add3A_265 = arith.constant 14 : i32
        %add3A_266 = vector.broadcast %add3A_265 : i32 to vector<16xi32>
        %add3A_267 = arith.addi %scan3A_168, %add3A_266 : vector<16xi32>
        %and3A_268 = arith.constant 1023 : i32
        %and3A_269 = vector.broadcast %and3A_268 : i32 to vector<16xi32>
        %and3A_270 = arith.andi %add3A_267, %and3A_269 : vector<16xi32>
        %gather3A_271 = tpu.vector_load_idx %arg5[%iota3A, %and3A_270] : memref<16x1024xf32, #tpu.memory_space<vmem>>[vector<16xi32>, vector<16xi32>], vector<16xf32>,
        %add3A_272 = arith.constant 15 : i32
        %add3A_273 = vector.broadcast %add3A_272 : i32 to vector<16xi32>
        %add3A_274 = arith.addi %scan3A_168, %add3A_273 : vector<16xi32>
        %and3A_275 = arith.constant 1023 : i32
        %and3A_276 = vector.broadcast %and3A_275 : i32 to vector<16xi32>
        %and3A_277 = arith.andi %add3A_274, %and3A_276 : vector<16xi32>
        %gather3A_278 = tpu.vector_load_idx %arg5[%iota3A, %and3A_277] : memref<16x1024xf32, #tpu.memory_space<vmem>>[vector<16xi32>, vector<16xi32>], vector<16xf32>,
        %max3A = arith.maximumf %gather3A, %gather3A_180 : vector<16xf32>
        %min3A = arith.minimumf %gather3A, %gather3A_180 : vector<16xf32>
        %max3A_279 = arith.maximumf %gather3A_187, %gather3A_194 : vector<16xf32>
        %min3A_280 = arith.minimumf %gather3A_187, %gather3A_194 : vector<16xf32>
        %max3A_281 = arith.maximumf %max3A, %max3A_279 : vector<16xf32>
        %min3A_282 = arith.minimumf %max3A, %max3A_279 : vector<16xf32>
        %max3A_283 = arith.maximumf %min3A, %min3A_280 : vector<16xf32>
        %min3A_284 = arith.minimumf %min3A, %min3A_280 : vector<16xf32>
        %max3A_285 = arith.maximumf %max3A_283, %min3A_282 : vector<16xf32>
        %min3A_286 = arith.minimumf %max3A_283, %min3A_282 : vector<16xf32>
        %max3A_287 = arith.maximumf %gather3A_201, %gather3A_208 : vector<16xf32>
        %min3A_288 = arith.minimumf %gather3A_201, %gather3A_208 : vector<16xf32>
        %max3A_289 = arith.maximumf %gather3A_215, %gather3A_222 : vector<16xf32>
        %min3A_290 = arith.minimumf %gather3A_215, %gather3A_222 : vector<16xf32>
        %max3A_291 = arith.maximumf %max3A_287, %max3A_289 : vector<16xf32>
        %min3A_292 = arith.minimumf %max3A_287, %max3A_289 : vector<16xf32>
        %max3A_293 = arith.maximumf %min3A_288, %min3A_290 : vector<16xf32>
        %min3A_294 = arith.minimumf %min3A_288, %min3A_290 : vector<16xf32>
        %max3A_295 = arith.maximumf %max3A_293, %min3A_292 : vector<16xf32>
        %min3A_296 = arith.minimumf %max3A_293, %min3A_292 : vector<16xf32>
        %max3A_297 = arith.maximumf %max3A_281, %max3A_291 : vector<16xf32>
        %min3A_298 = arith.minimumf %max3A_281, %max3A_291 : vector<16xf32>
        %max3A_299 = arith.maximumf %min3A_286, %min3A_296 : vector<16xf32>
        %min3A_300 = arith.minimumf %min3A_286, %min3A_296 : vector<16xf32>
        %max3A_301 = arith.maximumf %max3A_299, %min3A_298 : vector<16xf32>
        %min3A_302 = arith.minimumf %max3A_299, %min3A_298 : vector<16xf32>
        %max3A_303 = arith.maximumf %max3A_285, %max3A_295 : vector<16xf32>
        %min3A_304 = arith.minimumf %max3A_285, %max3A_295 : vector<16xf32>
        %max3A_305 = arith.maximumf %min3A_284, %min3A_294 : vector<16xf32>
        %min3A_306 = arith.minimumf %min3A_284, %min3A_294 : vector<16xf32>
        %max3A_307 = arith.maximumf %max3A_305, %min3A_304 : vector<16xf32>
        %min3A_308 = arith.minimumf %max3A_305, %min3A_304 : vector<16xf32>
        %max3A_309 = arith.maximumf %max3A_303, %max3A_301 : vector<16xf32>
        %min3A_310 = arith.minimumf %max3A_303, %max3A_301 : vector<16xf32>
        %max3A_311 = arith.maximumf %max3A_307, %min3A_302 : vector<16xf32>
        %min3A_312 = arith.minimumf %max3A_307, %min3A_302 : vector<16xf32>
        %max3A_313 = arith.maximumf %min3A_308, %min3A_300 : vector<16xf32>
        %min3A_314 = arith.minimumf %min3A_308, %min3A_300 : vector<16xf32>
        %max3A_315 = arith.maximumf %gather3A_229, %gather3A_236 : vector<16xf32>
        %min3A_316 = arith.minimumf %gather3A_229, %gather3A_236 : vector<16xf32>
        %max3A_317 = arith.maximumf %gather3A_243, %gather3A_250 : vector<16xf32>
        %min3A_318 = arith.minimumf %gather3A_243, %gather3A_250 : vector<16xf32>
        %max3A_319 = arith.maximumf %max3A_315, %max3A_317 : vector<16xf32>
        %min3A_320 = arith.minimumf %max3A_315, %max3A_317 : vector<16xf32>
        %max3A_321 = arith.maximumf %min3A_316, %min3A_318 : vector<16xf32>
        %min3A_322 = arith.minimumf %min3A_316, %min3A_318 : vector<16xf32>
        %max3A_323 = arith.maximumf %max3A_321, %min3A_320 : vector<16xf32>
        %min3A_324 = arith.minimumf %max3A_321, %min3A_320 : vector<16xf32>
        %max3A_325 = arith.maximumf %gather3A_257, %gather3A_264 : vector<16xf32>
        %min3A_326 = arith.minimumf %gather3A_257, %gather3A_264 : vector<16xf32>
        %max3A_327 = arith.maximumf %gather3A_271, %gather3A_278 : vector<16xf32>
        %min3A_328 = arith.minimumf %gather3A_271, %gather3A_278 : vector<16xf32>
        %max3A_329 = arith.maximumf %max3A_325, %max3A_327 : vector<16xf32>
        %min3A_330 = arith.minimumf %max3A_325, %max3A_327 : vector<16xf32>
        %max3A_331 = arith.maximumf %min3A_326, %min3A_328 : vector<16xf32>
        %min3A_332 = arith.minimumf %min3A_326, %min3A_328 : vector<16xf32>
        %max3A_333 = arith.maximumf %max3A_331, %min3A_330 : vector<16xf32>
        %min3A_334 = arith.minimumf %max3A_331, %min3A_330 : vector<16xf32>
        %max3A_335 = arith.maximumf %max3A_319, %max3A_329 : vector<16xf32>
        %min3A_336 = arith.minimumf %max3A_319, %max3A_329 : vector<16xf32>
        %max3A_337 = arith.maximumf %min3A_324, %min3A_334 : vector<16xf32>
        %min3A_338 = arith.minimumf %min3A_324, %min3A_334 : vector<16xf32>
        %max3A_339 = arith.maximumf %max3A_337, %min3A_336 : vector<16xf32>
        %min3A_340 = arith.minimumf %max3A_337, %min3A_336 : vector<16xf32>
        %max3A_341 = arith.maximumf %max3A_323, %max3A_333 : vector<16xf32>
        %min3A_342 = arith.minimumf %max3A_323, %max3A_333 : vector<16xf32>
        %max3A_343 = arith.maximumf %min3A_322, %min3A_332 : vector<16xf32>
        %min3A_344 = arith.minimumf %min3A_322, %min3A_332 : vector<16xf32>
        %max3A_345 = arith.maximumf %max3A_343, %min3A_342 : vector<16xf32>
        %min3A_346 = arith.minimumf %max3A_343, %min3A_342 : vector<16xf32>
        %max3A_347 = arith.maximumf %max3A_341, %max3A_339 : vector<16xf32>
        %min3A_348 = arith.minimumf %max3A_341, %max3A_339 : vector<16xf32>
        %max3A_349 = arith.maximumf %max3A_345, %min3A_340 : vector<16xf32>
        %min3A_350 = arith.minimumf %max3A_345, %min3A_340 : vector<16xf32>
        %max3A_351 = arith.maximumf %min3A_346, %min3A_338 : vector<16xf32>
        %min3A_352 = arith.minimumf %min3A_346, %min3A_338 : vector<16xf32>
        %max3A_353 = arith.maximumf %max3A_297, %max3A_335 : vector<16xf32>
        %min3A_354 = arith.minimumf %max3A_297, %max3A_335 : vector<16xf32>
        %max3A_355 = arith.maximumf %min3A_312, %min3A_350 : vector<16xf32>
        %min3A_356 = arith.minimumf %min3A_312, %min3A_350 : vector<16xf32>
        %max3A_357 = arith.maximumf %max3A_355, %min3A_354 : vector<16xf32>
        %min3A_358 = arith.minimumf %max3A_355, %min3A_354 : vector<16xf32>
        %max3A_359 = arith.maximumf %min3A_310, %min3A_348 : vector<16xf32>
        %min3A_360 = arith.minimumf %min3A_310, %min3A_348 : vector<16xf32>
        %max3A_361 = arith.maximumf %min3A_314, %min3A_352 : vector<16xf32>
        %min3A_362 = arith.minimumf %min3A_314, %min3A_352 : vector<16xf32>
        %max3A_363 = arith.maximumf %max3A_361, %min3A_360 : vector<16xf32>
        %min3A_364 = arith.minimumf %max3A_361, %min3A_360 : vector<16xf32>
        %max3A_365 = arith.maximumf %max3A_359, %max3A_357 : vector<16xf32>
        %min3A_366 = arith.minimumf %max3A_359, %max3A_357 : vector<16xf32>
        %max3A_367 = arith.maximumf %max3A_363, %min3A_358 : vector<16xf32>
        %min3A_368 = arith.minimumf %max3A_363, %min3A_358 : vector<16xf32>
        %max3A_369 = arith.maximumf %min3A_364, %min3A_356 : vector<16xf32>
        %min3A_370 = arith.minimumf %min3A_364, %min3A_356 : vector<16xf32>
        %max3A_371 = arith.maximumf %max3A_309, %max3A_347 : vector<16xf32>
        %min3A_372 = arith.minimumf %max3A_309, %max3A_347 : vector<16xf32>
        %max3A_373 = arith.maximumf %max3A_313, %max3A_351 : vector<16xf32>
        %min3A_374 = arith.minimumf %max3A_313, %max3A_351 : vector<16xf32>
        %max3A_375 = arith.maximumf %max3A_373, %min3A_372 : vector<16xf32>
        %min3A_376 = arith.minimumf %max3A_373, %min3A_372 : vector<16xf32>
        %max3A_377 = arith.maximumf %max3A_311, %max3A_349 : vector<16xf32>
        %min3A_378 = arith.minimumf %max3A_311, %max3A_349 : vector<16xf32>
        %max3A_379 = arith.maximumf %min3A_306, %min3A_344 : vector<16xf32>
        %min3A_380 = arith.minimumf %min3A_306, %min3A_344 : vector<16xf32>
        %max3A_381 = arith.maximumf %max3A_379, %min3A_378 : vector<16xf32>
        %min3A_382 = arith.minimumf %max3A_379, %min3A_378 : vector<16xf32>
        %max3A_383 = arith.maximumf %max3A_377, %max3A_375 : vector<16xf32>
        %min3A_384 = arith.minimumf %max3A_377, %max3A_375 : vector<16xf32>
        %max3A_385 = arith.maximumf %max3A_381, %min3A_376 : vector<16xf32>
        %min3A_386 = arith.minimumf %max3A_381, %min3A_376 : vector<16xf32>
        %max3A_387 = arith.maximumf %min3A_382, %min3A_374 : vector<16xf32>
        %min3A_388 = arith.minimumf %min3A_382, %min3A_374 : vector<16xf32>
        %max3A_389 = arith.maximumf %max3A_371, %max3A_365 : vector<16xf32>
        %min3A_390 = arith.minimumf %max3A_371, %max3A_365 : vector<16xf32>
        %max3A_391 = arith.maximumf %max3A_383, %min3A_366 : vector<16xf32>
        %min3A_392 = arith.minimumf %max3A_383, %min3A_366 : vector<16xf32>
        %max3A_393 = arith.maximumf %min3A_384, %max3A_367 : vector<16xf32>
        %min3A_394 = arith.minimumf %min3A_384, %max3A_367 : vector<16xf32>
        %max3A_395 = arith.maximumf %max3A_385, %min3A_368 : vector<16xf32>
        %min3A_396 = arith.minimumf %max3A_385, %min3A_368 : vector<16xf32>
        %max3A_397 = arith.maximumf %min3A_386, %max3A_369 : vector<16xf32>
        %min3A_398 = arith.minimumf %min3A_386, %max3A_369 : vector<16xf32>
        %max3A_399 = arith.maximumf %max3A_387, %min3A_370 : vector<16xf32>
        %min3A_400 = arith.minimumf %max3A_387, %min3A_370 : vector<16xf32>
        %max3A_401 = arith.maximumf %min3A_388, %min3A_362 : vector<16xf32>
        %min3A_402 = arith.minimumf %min3A_388, %min3A_362 : vector<16xf32>
        %max3A_403 = arith.maximumf %scan3A_154, %max3A_397 : vector<16xf32>
        %max3A_404 = arith.maximumf %scan3A_155, %min3A_396 : vector<16xf32>
        %max3A_405 = arith.maximumf %scan3A_156, %max3A_395 : vector<16xf32>
        %max3A_406 = arith.maximumf %scan3A_157, %min3A_394 : vector<16xf32>
        %max3A_407 = arith.maximumf %scan3A_148, %max3A_405 : vector<16xf32>
        %min3A_408 = arith.minimumf %scan3A_148, %max3A_405 : vector<16xf32>
        %max3A_409 = arith.maximumf %scan3A_149, %max3A_406 : vector<16xf32>
        %min3A_410 = arith.minimumf %scan3A_149, %max3A_406 : vector<16xf32>
        %max3A_411 = arith.maximumf %scan3A_150, %max3A_393 : vector<16xf32>
        %min3A_412 = arith.minimumf %scan3A_150, %max3A_393 : vector<16xf32>
        %max3A_413 = arith.maximumf %scan3A_151, %min3A_392 : vector<16xf32>
        %min3A_414 = arith.minimumf %scan3A_151, %min3A_392 : vector<16xf32>
        %max3A_415 = arith.maximumf %scan3A_152, %max3A_391 : vector<16xf32>
        %min3A_416 = arith.minimumf %scan3A_152, %max3A_391 : vector<16xf32>
        %max3A_417 = arith.maximumf %scan3A_153, %min3A_390 : vector<16xf32>
        %min3A_418 = arith.minimumf %scan3A_153, %min3A_390 : vector<16xf32>
        %max3A_419 = arith.maximumf %max3A_403, %max3A_389 : vector<16xf32>
        %min3A_420 = arith.minimumf %max3A_403, %max3A_389 : vector<16xf32>
        %max3A_421 = arith.maximumf %max3A_404, %max3A_353 : vector<16xf32>
        %min3A_422 = arith.minimumf %max3A_404, %max3A_353 : vector<16xf32>
        %max3A_423 = arith.maximumf %max3A_407, %max3A_415 : vector<16xf32>
        %min3A_424 = arith.minimumf %max3A_407, %max3A_415 : vector<16xf32>
        %max3A_425 = arith.maximumf %max3A_409, %max3A_417 : vector<16xf32>
        %min3A_426 = arith.minimumf %max3A_409, %max3A_417 : vector<16xf32>
        %max3A_427 = arith.maximumf %max3A_411, %max3A_419 : vector<16xf32>
        %min3A_428 = arith.minimumf %max3A_411, %max3A_419 : vector<16xf32>
        %max3A_429 = arith.maximumf %max3A_413, %max3A_421 : vector<16xf32>
        %min3A_430 = arith.minimumf %max3A_413, %max3A_421 : vector<16xf32>
        %max3A_431 = arith.maximumf %min3A_408, %min3A_416 : vector<16xf32>
        %min3A_432 = arith.minimumf %min3A_408, %min3A_416 : vector<16xf32>
        %max3A_433 = arith.maximumf %min3A_410, %min3A_418 : vector<16xf32>
        %min3A_434 = arith.minimumf %min3A_410, %min3A_418 : vector<16xf32>
        %max3A_435 = arith.maximumf %min3A_412, %min3A_420 : vector<16xf32>
        %min3A_436 = arith.minimumf %min3A_412, %min3A_420 : vector<16xf32>
        %max3A_437 = arith.maximumf %min3A_414, %min3A_422 : vector<16xf32>
        %min3A_438 = arith.minimumf %min3A_414, %min3A_422 : vector<16xf32>
        %max3A_439 = arith.maximumf %max3A_423, %max3A_427 : vector<16xf32>
        %min3A_440 = arith.minimumf %max3A_423, %max3A_427 : vector<16xf32>
        %max3A_441 = arith.maximumf %max3A_425, %max3A_429 : vector<16xf32>
        %min3A_442 = arith.minimumf %max3A_425, %max3A_429 : vector<16xf32>
        %max3A_443 = arith.maximumf %min3A_424, %min3A_428 : vector<16xf32>
        %min3A_444 = arith.minimumf %min3A_424, %min3A_428 : vector<16xf32>
        %max3A_445 = arith.maximumf %min3A_426, %min3A_430 : vector<16xf32>
        %min3A_446 = arith.minimumf %min3A_426, %min3A_430 : vector<16xf32>
        %max3A_447 = arith.maximumf %max3A_431, %max3A_435 : vector<16xf32>
        %min3A_448 = arith.minimumf %max3A_431, %max3A_435 : vector<16xf32>
        %max3A_449 = arith.maximumf %max3A_433, %max3A_437 : vector<16xf32>
        %min3A_450 = arith.minimumf %max3A_433, %max3A_437 : vector<16xf32>
        %max3A_451 = arith.maximumf %max3A_439, %max3A_441 : vector<16xf32>
        %min3A_452 = arith.minimumf %max3A_439, %max3A_441 : vector<16xf32>
        %max3A_453 = arith.maximumf %min3A_440, %min3A_442 : vector<16xf32>
        %min3A_454 = arith.minimumf %min3A_440, %min3A_442 : vector<16xf32>
        %max3A_455 = arith.maximumf %max3A_443, %max3A_445 : vector<16xf32>
        %min3A_456 = arith.minimumf %max3A_443, %max3A_445 : vector<16xf32>
        %max3A_457 = arith.maximumf %min3A_444, %min3A_446 : vector<16xf32>
        %min3A_458 = arith.minimumf %min3A_444, %min3A_446 : vector<16xf32>
        %max3A_459 = arith.maximumf %max3A_447, %max3A_449 : vector<16xf32>
        %min3A_460 = arith.minimumf %max3A_447, %max3A_449 : vector<16xf32>
        %min3A_461 = arith.minimumf %scan3A_164, %min3A_394 : vector<16xf32>
        %min3A_462 = arith.minimumf %scan3A_165, %max3A_395 : vector<16xf32>
        %min3A_463 = arith.minimumf %scan3A_166, %min3A_396 : vector<16xf32>
        %min3A_464 = arith.minimumf %scan3A_167, %max3A_397 : vector<16xf32>
        %min3A_465 = arith.minimumf %scan3A_158, %min3A_463 : vector<16xf32>
        %max3A_466 = arith.maximumf %scan3A_158, %min3A_463 : vector<16xf32>
        %min3A_467 = arith.minimumf %scan3A_159, %min3A_464 : vector<16xf32>
        %max3A_468 = arith.maximumf %scan3A_159, %min3A_464 : vector<16xf32>
        %min3A_469 = arith.minimumf %scan3A_160, %min3A_398 : vector<16xf32>
        %max3A_470 = arith.maximumf %scan3A_160, %min3A_398 : vector<16xf32>
        %min3A_471 = arith.minimumf %scan3A_161, %max3A_399 : vector<16xf32>
        %max3A_472 = arith.maximumf %scan3A_161, %max3A_399 : vector<16xf32>
        %min3A_473 = arith.minimumf %scan3A_162, %min3A_400 : vector<16xf32>
        %max3A_474 = arith.maximumf %scan3A_162, %min3A_400 : vector<16xf32>
        %min3A_475 = arith.minimumf %scan3A_163, %max3A_401 : vector<16xf32>
        %max3A_476 = arith.maximumf %scan3A_163, %max3A_401 : vector<16xf32>
        %min3A_477 = arith.minimumf %min3A_461, %min3A_402 : vector<16xf32>
        %max3A_478 = arith.maximumf %min3A_461, %min3A_402 : vector<16xf32>
        %min3A_479 = arith.minimumf %min3A_462, %min3A_380 : vector<16xf32>
        %max3A_480 = arith.maximumf %min3A_462, %min3A_380 : vector<16xf32>
        %min3A_481 = arith.minimumf %min3A_465, %min3A_473 : vector<16xf32>
        %max3A_482 = arith.maximumf %min3A_465, %min3A_473 : vector<16xf32>
        %min3A_483 = arith.minimumf %min3A_467, %min3A_475 : vector<16xf32>
        %max3A_484 = arith.maximumf %min3A_467, %min3A_475 : vector<16xf32>
        %min3A_485 = arith.minimumf %min3A_469, %min3A_477 : vector<16xf32>
        %max3A_486 = arith.maximumf %min3A_469, %min3A_477 : vector<16xf32>
        %min3A_487 = arith.minimumf %min3A_471, %min3A_479 : vector<16xf32>
        %max3A_488 = arith.maximumf %min3A_471, %min3A_479 : vector<16xf32>
        %min3A_489 = arith.minimumf %max3A_466, %max3A_474 : vector<16xf32>
        %max3A_490 = arith.maximumf %max3A_466, %max3A_474 : vector<16xf32>
        %min3A_491 = arith.minimumf %max3A_468, %max3A_476 : vector<16xf32>
        %max3A_492 = arith.maximumf %max3A_468, %max3A_476 : vector<16xf32>
        %min3A_493 = arith.minimumf %max3A_470, %max3A_478 : vector<16xf32>
        %max3A_494 = arith.maximumf %max3A_470, %max3A_478 : vector<16xf32>
        %min3A_495 = arith.minimumf %max3A_472, %max3A_480 : vector<16xf32>
        %max3A_496 = arith.maximumf %max3A_472, %max3A_480 : vector<16xf32>
        %min3A_497 = arith.minimumf %min3A_481, %min3A_485 : vector<16xf32>
        %max3A_498 = arith.maximumf %min3A_481, %min3A_485 : vector<16xf32>
        %min3A_499 = arith.minimumf %min3A_483, %min3A_487 : vector<16xf32>
        %max3A_500 = arith.maximumf %min3A_483, %min3A_487 : vector<16xf32>
        %min3A_501 = arith.minimumf %max3A_482, %max3A_486 : vector<16xf32>
        %max3A_502 = arith.maximumf %max3A_482, %max3A_486 : vector<16xf32>
        %min3A_503 = arith.minimumf %max3A_484, %max3A_488 : vector<16xf32>
        %max3A_504 = arith.maximumf %max3A_484, %max3A_488 : vector<16xf32>
        %min3A_505 = arith.minimumf %min3A_489, %min3A_493 : vector<16xf32>
        %max3A_506 = arith.maximumf %min3A_489, %min3A_493 : vector<16xf32>
        %min3A_507 = arith.minimumf %min3A_491, %min3A_495 : vector<16xf32>
        %max3A_508 = arith.maximumf %min3A_491, %min3A_495 : vector<16xf32>
        %min3A_509 = arith.minimumf %min3A_497, %min3A_499 : vector<16xf32>
        %max3A_510 = arith.maximumf %min3A_497, %min3A_499 : vector<16xf32>
        %min3A_511 = arith.minimumf %max3A_498, %max3A_500 : vector<16xf32>
        %max3A_512 = arith.maximumf %max3A_498, %max3A_500 : vector<16xf32>
        %min3A_513 = arith.minimumf %min3A_501, %min3A_503 : vector<16xf32>
        %max3A_514 = arith.maximumf %min3A_501, %min3A_503 : vector<16xf32>
        %min3A_515 = arith.minimumf %max3A_502, %max3A_504 : vector<16xf32>
        %max3A_516 = arith.maximumf %max3A_502, %max3A_504 : vector<16xf32>
        %min3A_517 = arith.minimumf %min3A_505, %min3A_507 : vector<16xf32>
        %max3A_518 = arith.maximumf %min3A_505, %min3A_507 : vector<16xf32>
        %add3A_519 = arith.constant 16 : i32
        %add3A_520 = vector.broadcast %add3A_519 : i32 to vector<16xi32>
        %add3A_521 = arith.addi %scan3A_168, %add3A_520 : vector<16xi32>
        scf.yield %max3A_451, %min3A_452, %max3A_453, %min3A_454, %max3A_455, %min3A_456, %max3A_457, %min3A_458, %max3A_459, %min3A_460, %min3A_509, %max3A_510, %min3A_511, %max3A_512, %min3A_513, %max3A_514, %min3A_515, %max3A_516, %min3A_517, %max3A_518, %add3A_521 : vector<16xf32>, vector<16xf32>, vector<16xf32>, vector<16xf32>, vector<16xf32>, vector<16xf32>, vector<16xf32>, vector<16xf32>, vector<16xf32>, vector<16xf32>, vector<16xf32>, vector<16xf32>, vector<16xf32>, vector<16xf32>, vector<16xf32>, vector<16xf32>, vector<16xf32>, vector<16xf32>, vector<16xf32>, vector<16xf32>, vector<16xi32>
      }
      %scan3A_113 = arith.constant 17 : i32
      %add3A_114 = arith.addf %scan3A_112#0, %scan3A_112#1 : vector<16xf32>
      %add3A_115 = arith.addf %add3A_114, %scan3A_112#2 : vector<16xf32>
      %add3A_116 = arith.addf %add3A_115, %scan3A_112#3 : vector<16xf32>
      %add3A_117 = arith.addf %add3A_116, %scan3A_112#4 : vector<16xf32>
      %add3A_118 = arith.addf %add3A_117, %scan3A_112#5 : vector<16xf32>
      %add3A_119 = arith.addf %add3A_118, %scan3A_112#6 : vector<16xf32>
      %add3A_120 = arith.addf %add3A_119, %scan3A_112#7 : vector<16xf32>
      %add3A_121 = arith.addf %add3A_120, %scan3A_112#8 : vector<16xf32>
      %add3A_122 = arith.addf %add3A_121, %scan3A_112#9 : vector<16xf32>
      %add3A_123 = arith.addf %scan3A_112#10, %scan3A_112#11 : vector<16xf32>
      %add3A_124 = arith.addf %add3A_123, %scan3A_112#12 : vector<16xf32>
      %add3A_125 = arith.addf %add3A_124, %scan3A_112#13 : vector<16xf32>
      %add3A_126 = arith.addf %add3A_125, %scan3A_112#14 : vector<16xf32>
      %add3A_127 = arith.addf %add3A_126, %scan3A_112#15 : vector<16xf32>
      %add3A_128 = arith.addf %add3A_127, %scan3A_112#16 : vector<16xf32>
      %add3A_129 = arith.addf %add3A_128, %scan3A_112#17 : vector<16xf32>
      %add3A_130 = arith.addf %add3A_129, %scan3A_112#18 : vector<16xf32>
      %add3A_131 = arith.addf %add3A_130, %scan3A_112#19 : vector<16xf32>
      %div3A_132 = arith.constant 1.000000e+01 : f32
      %div3A_133 = vector.broadcast %div3A_132 : f32 to vector<16xf32>
      %div3A_134 = arith.divf %add3A_122, %div3A_133 : vector<16xf32>
      %div3A_135 = arith.constant 1.000000e+01 : f32
      %div3A_136 = vector.broadcast %div3A_135 : f32 to vector<16xf32>
      %div3A_137 = arith.divf %add3A_131, %div3A_136 : vector<16xf32>
      %add3A_138 = arith.addf %div3A_134, %div3A_137 : vector<16xf32>
      %mul3A_139 = arith.constant 5.000000e-01 : f32
      %mul3A_140 = vector.broadcast %mul3A_139 : f32 to vector<16xf32>
      %mul3A_141 = arith.mulf %add3A_138, %mul3A_140 : vector<16xf32>
      %mul3A_142 = arith.constant 16 : i32
      %mul3A_143 = arith.muli %add3A_98, %mul3A_142 : i32
      %swap3A_144 = arith.index_cast %mul3A_143 : i32 to index
      %swap3A_145 = tpu.vector_load %arg6[%swap3A_144] {strides = array<i32>} : memref<768xf32, #tpu.memory_space<vmem>>, vector<16xf32>,
      tpu.vector_store %arg6[%swap3A_144], %mul3A_141 {strides = array<i32>} : memref<768xf32, #tpu.memory_space<vmem>>, vector<16xf32>,
      %scan3A_146 = arith.constant 0 : i32
      scf.yield %scan3A_146 : i32
    }
    %scan3A_19 = arith.constant 24 : i32
    "tpu.region"() ({
      %run_scoped3A = tpu.sem_alloc : memref<!tpu.dma_semaphore, #tpu.memory_space<semaphore_mem>>
      %dma_start3A_20 = tpu.memref_slice %arg3[%mul3A_2] : memref<24576xf32, #tpu.memory_space<hbm>> -> memref<768xf32, #tpu.memory_space<hbm>>
      %dma_start3A_21 = tpu.memref_slice %arg3[%mul3A_2] : memref<24576xf32, #tpu.memory_space<hbm>> -> memref<768xf32, #tpu.memory_space<hbm>>
      tpu.enqueue_dma source(%arg6 : memref<768xf32, #tpu.memory_space<vmem>>) target(%dma_start3A_21 : memref<768xf32, #tpu.memory_space<hbm>>) target_semaphore(%run_scoped3A : memref<!tpu.dma_semaphore, #tpu.memory_space<semaphore_mem>>)
      %dma_wait3A = tpu.memref_slice %arg3[%mul3A_2] : memref<24576xf32, #tpu.memory_space<hbm>> -> memref<768xf32, #tpu.memory_space<hbm>>
      %dma_wait3A_22 = tpu.memref_slice %arg3[%mul3A_2] : memref<24576xf32, #tpu.memory_space<hbm>> -> memref<768xf32, #tpu.memory_space<hbm>>
      tpu.wait_dma2 semaphore(%run_scoped3A : memref<!tpu.dma_semaphore, #tpu.memory_space<semaphore_mem>>) src(%arg6 : memref<768xf32, #tpu.memory_space<vmem>>) dst(%dma_wait3A_22 : memref<768xf32, #tpu.memory_space<hbm>>)
      tpu.yield
    }) : () -> ()
    return
  }
}

</mosaic_0001>

<sc_bundles>
// kernel: kernel.3.cloned.1.call-start
scs
__scs_entry_jumppad:
0x0: {  	(pc) =	sbr.rel $0x88, $3  }
0x1: {  	(tag) =	ssettag $0x0;
	lr =	simm.s32 $0x1  }
0x2: {  	[smem:$0x3FA0] =	sst lr;
	_ =	strace $0xD0000000  }
0x3: {  	_ = 	snop  }
0x4: {  	_ = 	snop  }
0x5: {  	_ = 	snop  }
0x6: {  	_ = 	snop  }
0x7: {  	_ = 	snop  }
__scs_overlays_trampoline_lowered:
0x8: {  	[smem:$0x3FAF] =	sst s0  }
0x9: {  	[smem:$0x3FB0] =	sst s1  }
0xa: {  	[smem:$0x3FB1] =	sst s2  }
0xb: {  	[smem:$0x3FB2] =	sst s3  }
0xc: {  	[smem:$0x3FB3] =	sst s4  }
0xd: {  	[smem:$0x3FB4] =	sst s5  }
0xe: {  	[smem:$0x3FB5] =	sst s6  }
0xf: {  	[smem:$0x3FB6] =	sst s7  }
0x10: {  	[smem:$0x3FB7] =	sst s8  }
0x11: {  	[smem:$0x3FB8] =	sst s9;
	s0 =	simm.s32 @!p0 $0x0  }
0x12: {  	s1 =	sld [smem:$0x3F9E];
	s0 =	simm.s32 @p0 $0x1  }
0x13: {  	[smem:$0x3FB9] =	sst s0;
	s0 =	simm.s32 @!p1 $0x0  }
0x14: {  	s2 =	sld [smem:$0x3F9D];
	s0 =	simm.s32 @p1 $0x1  }
0x15: {  	[smem:$0x3FBA] =	sst s0;
	s0 =	simm.s32 @!p2 $0x0  }
0x16: {  	s3 =	sld [smem:$0x3FDB];
	s0 =	simm.s32 @p2 $0x1  }
0x17: {  	s4 =	simm.s32 $0x1BF5;
	[smem:$0x3FBC] =	sst s0  }
0x18: {  	s0 =	sld [smem:$0x3F9F];
	_ =	swait.ge [sflag:s4], $0x0  }
0x19: {  	s7 =	sld [smem:$0x3FA0]  }
0x1a: {  	s8 =	sadd.s32 $0xFFFFE003, lr  }
0x1b: {  	s9 =	sadd.s32 $0xFFFFFEF7, lr;
	s5 =	simm.s32 $0xFFFFFFFF;
	p2 =	slt.u32 s8, $0xFFFFF086  }
0x1c: {  	p1 =	slt.u32 s9, $0xF7A;
	s5 =	simm.s32 @!p2 $0x0  }
0x1d: {  	s5 =	simm.s32 @p1 $0x1;
	p0 =	seq.s32 s7, s2  }
0x1e: {  	s7 =	smul.u32 @!p0 $0xF7A, s2;
	p2 =	seq.s32 @!p0 s5, $0x0  }
0x1f: {  	s9 =	smul.u32 $0xF7A, s1;
	s8 =	simm.s32 @!p0 $0x1BF5;
	p2 =	por !p2, p0  }
0x20: {  	[sflag:s8] =	ssyncset.s32 @!p0 $0xFFFFF086;
	s6 =	sadd.s32 @!p0 s3, s7;
	s7 =	simm.s32 @!p0 $0x108  }
0x21: {  	s3 =	sadd.s32 s3, s9;
	s6 =	sadd.s32 @!p0 $0x88, s6;
	s7 =	simm.s32 @p2 $0x1082  }
0x22: {  	[simem:s7], [sflag:s8] =	dma.local @!p0 [hbm:s6], $0xF7A  }
0x23: {  	s9 =	sor.u32 $0xD0000000, s2;
	s6 =	simm.s32 $0x108;
	_ =	swait.ge @!p0 [sflag:s8], $0x0  }
0x24: {  	s3 =	sadd.s32 $0x88, s3;
	s6 =	simm.s32 @!p1 $0x1082;
	[sflag:s4] =	ssyncset.s32 $0xFFFFF086  }
0x25: {  	[simem:s6], [sflag:s4] =	dma.local [hbm:s3], $0xF7A  }
0x26: {  	[smem:$0x3FA0] =	sst s1;
	(tag) =	ssettag s2;
	_ =	strace s9  }
0x27: {  	s1 =	sld [smem:$0x3FB0]  }
0x28: {  	s2 =	sld [smem:$0x3FB1]  }
0x29: {  	s4 =	sld [smem:$0x3FB3]  }
0x2a: {  	p0 =	seq.s32 s5, $0x0;
	s5 =	sld [smem:$0x3FB4]  }
0x2b: {  	s6 =	sld [smem:$0x3FB5]  }
0x2c: {  	s7 =	sld [smem:$0x3FB6]  }
0x2d: {  	s3 =	simm.s32 $0x108;
	s8 =	sld [smem:$0x3FB7]  }
0x2e: {  	s3 =	simm.s32 @!p0 $0x1082;
	s9 =	sld [smem:$0x3FB8]  }
0x2f: {  	lr =	sadd.s32 s0, s3;
	s0 =	sld [smem:$0x3FAF]  }
0x30: {  	s3 =	sld [smem:$0x3FB2]  }
0x31: {  	[smem:$0x3FBB] =	sst s10  }
0x32: {  	s10 =	sld [smem:$0x3FB9];
	_ =	sdelay $0x3  }
0x33: {  	p0 =	seq.s32 s10, $0x1;
	s10 =	sld [smem:$0x3FBB];
	_ =	sdelay $0x3  }
0x34: {  	[smem:$0x3FBB] =	sst s10  }
0x35: {  	s10 =	sld [smem:$0x3FBA];
	_ =	sdelay $0x3  }
0x36: {  	p1 =	seq.s32 s10, $0x1;
	s10 =	sld [smem:$0x3FBB];
	_ =	sdelay $0x3  }
0x37: {  	[smem:$0x3FBB] =	sst s10  }
0x38: {  	s10 =	sld [smem:$0x3FBC]  }
0x39: {  	_ = 	snop;
	(pc) =	sbr.ind lr, $3  }
0x3a: {  	_ = 	snop  }
0x3b: {  	_ = 	snop  }
0x3c: {  	p2 =	seq.s32 s10, $0x1;
	s10 =	sld [smem:$0x3FBB]  }
0x3d: {  	_ =	shalt  }
0x3e: {  	_ =	shalt  }
0x3f: {  	_ =	shalt  }
0x40: {  	_ =	shalt  }
0x41: {  	_ =	shalt  }
0x42: {  	_ =	shalt  }
0x43: {  	_ =	shalt  }
0x44: {  	_ =	shalt  }
0x45: {  	_ =	shalt  }
0x46: {  	_ =	shalt  }
0x47: {  	_ =	shalt  }
0x48: {  	_ =	shalt  }
0x49: {  	_ =	shalt  }
0x4a: {  	_ =	shalt  }
0x4b: {  	_ =	shalt  }
0x4c: {  	_ =	shalt  }
0x4d: {  	_ =	shalt  }
0x4e: {  	_ =	shalt  }
0x4f: {  	_ =	shalt  }
0x50: {  	_ =	shalt  }
0x51: {  	_ =	shalt  }
0x52: {  	_ =	shalt  }
0x53: {  	_ =	shalt  }
0x54: {  	_ =	shalt  }
0x55: {  	_ =	shalt  }
0x56: {  	_ =	shalt  }
0x57: {  	_ =	shalt  }
0x58: {  	_ =	shalt  }
0x59: {  	_ =	shalt  }
0x5a: {  	_ =	shalt  }
0x5b: {  	_ =	shalt  }
0x5c: {  	_ =	shalt  }
0x5d: {  	_ =	shalt  }
0x5e: {  	_ =	shalt  }
0x5f: {  	_ =	shalt  }
0x60: {  	_ =	shalt  }
0x61: {  	_ =	shalt  }
0x62: {  	_ =	shalt  }
0x63: {  	_ =	shalt  }
0x64: {  	_ =	shalt  }
0x65: {  	_ =	shalt  }
0x66: {  	_ =	shalt  }
0x67: {  	_ =	shalt  }
0x68: {  	_ =	shalt  }
0x69: {  	_ =	shalt  }
0x6a: {  	_ =	shalt  }
0x6b: {  	_ =	shalt  }
0x6c: {  	_ =	shalt  }
0x6d: {  	_ =	shalt  }
0x6e: {  	_ =	shalt  }
0x6f: {  	_ =	shalt  }
0x70: {  	_ =	shalt  }
0x71: {  	_ =	shalt  }
0x72: {  	_ =	shalt  }
0x73: {  	_ =	shalt  }
0x74: {  	_ =	shalt  }
0x75: {  	_ =	shalt  }
0x76: {  	_ =	shalt  }
0x77: {  	_ =	shalt  }
0x78: {  	_ =	shalt  }
0x79: {  	_ =	shalt  }
0x7a: {  	_ =	shalt  }
0x7b: {  	_ =	shalt  }
0x7c: {  	_ =	shalt  }
0x7d: {  	_ =	shalt  }
0x7e: {  	_ =	shalt  }
0x7f: {  	_ =	shalt  }
0x80: {  	_ =	shalt  }
0x81: {  	_ =	shalt  }
0x82: {  	_ =	shalt  }
0x83: {  	_ =	shalt  }
0x84: {  	_ =	shalt  }
0x85: {  	_ =	shalt  }
0x86: {  	_ =	shalt  }
0x87: {  	_ =	shalt  }
.Lfunc_end0:
.L_simem_size_0:
called_computation.3_lowered:
.L_overlay_start_0:
0x88: {  	s2 =	sld [smem:$0x3FD9]  }
0x89: {  	s3 =	sld [smem:$0x3FFE];
	_ =	sdelay $0x1  }
0x8a: {  	s1 =	srdreg.scid  }
0x8b: {  	s0 =	sand.u32 $0x1, s1  }
0x8c: {  	s16 =	sshll.u32 s0, $0xA;
	s2 =	sadd.s32 s3, s2  }
0x8d: {  	s2 =	sadd.s32 s2, s16  }
0x8e: {  	[smem:$0x3FC7] =	sst s2  }
0x8f: {  	_ = 	snop  }
0x90: {  	(tm) =	ssettm $0x1  }
0x91: {  	s17 =	sld [smem:$0x3FFB];
	_ =	sdelay $0x3  }
0x92: {  	_ =	strace s17  }
0x93: {  	s2 =	sld [smem:$0x3FFC];
	_ =	sdelay $0x3  }
0x94: {  	_ =	strace s2  }
0x95: {  	s2 =	sld [smem:$0x3FFD];
	_ =	sdelay $0x3  }
0x96: {  	_ =	strace s2  }
0x97: {  	_ =	strace $0x8FFFFFFF  }
0x98: {  	s18 =	sld [smem:$0x3FDB];
	_ =	sdelay $0x1  }
0x99: {  	s19 =	simm.s32 $_scs_section_size  }
0x9a: {  	s4 =	simm.s32 $_size__tile_overlayer_lowered;
	s5 =	simm.s32 $_tile_overlayer_lowered  }
0x9b: {  	s22 =	simm.s32 $0x1BFF;
	s21 =	sshll.u32 s5, $0x1;
	s2 =	sadd.s32 s19, s18  }
0x9c: {  	s6 =	simm.s32 $0x0;
	s20 =	sshll.u32 s4, $0x1;
	s4 =	sadd.s32 s21, s2  }
0x9d: {  	[timem:s6], [sflag:s22] =	dma.local [hbm:s4], s20  }
0x9e: {  	_ =	swait.ge [sflag:s22], s20  }
0x9f: {  	s3 =	ssub.s32 $0x0, s20;
	[sflag:s22] =	ssyncset.done $0x0  }
0xa0: {  	[sflag:s22] =	ssyncadd.s32 s3;
	_ =	sdelay $0x1  }
0xa1: {  	s23 =	simm.s32 $0x1B8B  }
0xa2: {  	_ =	swait.ge [sflag:s23], $0x1  }
0xa3: {  	[sflag:s23] =	ssyncset.done $0x0  }
0xa4: {  	s25 =	simm.s32 $0x1B8E;
	s24 =	sld [smem:$0x3FFE];
	[sflag:s23] =	ssyncadd.s32 $0xFFFFFFFF  }
0xa5: {  	s26 =	simm.s32 $execute0_lowered;
	[smem:$0x3FD2] =	sst s25  }
0xa6: {  	s4 =	sshll.u32 s26, $0x1;
	_ =	strace $0x8000004F;
	[dreg:$0x1] =	wrdreg $0xFFFFFFFF  }
0xa7: {  	s28 =	simm.s32 $_size_execute0_lowered;
	s2 =	sadd.s32 s2, s4;
	[dreg:$0x0] =	wrdreg $0x0  }
0xa8: {  	s4 =	sshll.u32 s28, $0x1;
	[dreg:$0x2] =	wrdreg s2  }
0xa9: {  	[dreg:$0x3] =	wrdreg s4  }
0xaa: {  	[dreg:$0x4] =	wrdreg $0xC0  }
0xab: {  	_ =	task [dreg:s6], $0x5FFFF  }
0xac: {  	[dreg:$0x1] =	wrdreg $0xFFFFFFFF  }
0xad: {  	[dreg:$0x0] =	wrdreg $0x60  }
0xae: {  	[dreg:$0x2] =	wrdreg s24  }
0xaf: {  	[dreg:$0x3] =	wrdreg $0x9  }
0xb0: {  	_ =	task.clear_ibuf [dreg:s6], $0x4FFFF;
	_ =	strace $0x9000004F  }
0xb1: {  	s29 =	simm.s32 $0x9;
	_ =	strace $0x80000051  }
0xb2: {  	_ =	swait.ge [sflag:s29], $0x1  }
0xb3: {  	[sflag:s29] =	ssyncadd.s32 $0xFFFFFFFF  }
0xb4: {  	_ =	strace $0x90000051  }
0xb5: {  	_ =	sfence  }
0xb6: {  	s30 =	sld [smem:$0x0];
	_ =	sdelay $0x2  }
0xb7: {  	s31 =	sshll.u32 s1, $0xD;
	s1 =	sshrl.u32 s1, $0x2  }
0xb8: {  	s3 =	sand.u32 $0x4000, s31;
	s1 =	sadd.s32 s1, s30  }
0xb9: {  	s0 =	sor.u32 s3, s0;
	s1 =	sshll.u32 s1, $0x11  }
0xba: {  	s0 =	sor.u32 s1, s0  }
0xbb: {  	s0 =	sadd.s32 $0x8F2B, s0  }
0xbc: {  	[sflag:s0] =	ssyncadd.remote.s32 $0x1  }
0xbd: {  	_ =	sfence.sel $0xFFFF  }
0xbe: {  	[dreg:$0x0] =	wrdreg $0xFFFFFFFF;
	(pc) =	sbr.abs _section_cstart, $3  }
0xbf: {  	[dreg:$0x1] =	wrdreg $0xFFFFFFFF  }
0xc0: {  	_ =	task.clear_ibuf [dreg:s6], $0x2FFFF;
	_ =	strace $0x9FFFFFFF  }
0xc1: {  	(tm) =	ssettm $0x7FFFFFFF  }
tec
execute0_lowered:
.L_overlay_start_1:
0x0: {  	(tag) =	ssettag $0x1  }
0x1: {  	s5 =	rddreg [dreg:$0x0];
	s1 =	simm.s32 $0x0  }
0x2: {  	[smem:$0x7FF] =	sst s1  }
0x3: {  	s0 =	rddreg [dreg:$0x1];
	v0 =	vimm.f32 $1.000000000e+01;
	_ =	strace $0x80000050  }
0x4: {  	(erf) = vrcp.f32 v0  }
0x5: {  	v0 =	vlaneseq.u32  }
0x6: {  	s3 =	srdreg.scid;
	s2 =	stileid.u32;
	v1 =	vmul.u32 $0x400, v0  }
0x7: {  	s10 =	simm.s32 $0x4000;
	s4 =	sand.u32 $0x1, s3;
	s31 =	sshll.u32 s2, $0x1  }
0x8: {  	s11 =	simm.s32 $0x2;
	s12 =	simm.s32 $0x8000;
	s6 =	sor.u32 s4, s31;
	v2 =	vmul.u32 $0x11, v0;
	v3 =	vor.u32 $0x1, v1  }
0x9: {  	s13 =	simm.s32 $0x3;
	s7 =	ssub.s32 $0x2, s4;
	s3 =	smul.u32 $0x300, s6;
	v4 =	vor.u32 $0x2, v1;
	v5 =	vor.u32 $0x3, v1;
	v6 =	vor.u32 $0x4, v1  }
0xa: {  	s14 =	simm.s32 $0x0;
	s6 =	smul.u32 $0x18000, s6;
	s9 =	sshrl.u32 s7, $0x1;
	v7 =	vor.u32 $0x5, v1;
	v8 =	vor.u32 $0x6, v1;
	v9 =	vor.u32 $0x7, v1  }
0xb: {  	s4 =	sadd.s32 $0x301000, s5;
	s9 =	ssub.s32 s7, s9;
	s8 =	sshrl.u32 s3, $0x3;
	v10 =	vor.u32 $0x8, v1;
	v11 =	vor.u32 $0x9, v1;
	v12 =	vor.u32 $0xA, v1  }
0xc: {  	s8 =	sadd.s32 s8, s5;
	s5 =	sadd.s32 s4, s6;
	s6 =	sor.u32 $0x20, s3;
	v13 =	vor.u32 $0xB, v1;
	v14 =	vor.u32 $0xC, v1;
	v15 =	vor.u32 $0xD, v1  }
0xd: {  	v17 =	vor.u32 $0xE, v1;
	v18 =	vor.u32 $0xF, v1;
	v19 =	vadd.s32 $0x2F0, v2;
	s7 =	sadd.s32 $0x1000, s8;
	s8 =	smax.u32 s9, $0x1;
	s9 =	simm.s32 $0x1;
	v16 =	vpop (erf)  }
.LBB2_1:
0xe: {  	[tilespmem:s1], [sflag:$0x1] =	stream.linear.gather [hbm4b:s5+s1], $0x4000, $0x38;
	[tilespmem:$0x8300] =	vst v63  }
0xf: {  	s16 =	simm.s32 $0x0  }
.LBB2_2:
0x10: {  	s17 =	sshll.u32 s16, $0x5  }
0x11: {  	v24 =	vimm.f32 $-Inf;
	v26 =	vimm.f32 $+Inf;
	s15 =	sor.u32 $0x10, s17  }
0x12: {  	v31 =	vimm.f32 $+Inf;
	v28 =	vimm.f32 $+Inf;
	v32 =	vimm.f32 $+Inf;
	s18 =	sadd.s32 s3, s15  }
0x13: {  	_ =	swait.ge [sflag:s9], $0x4000;
	v20 =	vimm.f32 $+Inf;
	v21 =	vimm.f32 $+Inf;
	v22 =	vimm.f32 $+Inf;
	s18 =	sshll.u32 s18, $0x7  }
0x14: {  	v25 =	vimm.f32 $+Inf;
	v30 =	vimm.f32 $+Inf;
	v33 =	vimm.f32 $+Inf;
	[sflag:s9] =	ssyncset.done $0x0;
	s18 =	sand.u32 $0x1FFFF800, s18  }
0x15: {  	v35 =	vimm.f32 $-Inf;
	v37 =	vimm.f32 $-Inf;
	v39 =	vimm.f32 $-Inf;
	[sflag:s9] =	ssyncadd.s32 $0xFFFFC000;
	s18 =	sadd.s32 s4, s18  }
0x16: {  	v23 =	vimm.f32 $-Inf;
	v27 =	vimm.f32 $-Inf;
	v29 =	vimm.f32 $-Inf;
	[tilespmem:s10], [sflag:$0x2] =	stream.linear.gather [hbm4b:s18+s1], $0x4000, $0x38;
	[tilespmem:$0x8300] =	vst v63  }
0x17: {  	v40 =	vmovc v2;
	v34 =	vimm.f32 $-Inf;
	v36 =	vimm.f32 $-Inf;
	v38 =	vimm.f32 $-Inf;
	s18 =	simm.s32 $0x2F  }
.LBB2_3:
0x18: {  	v41 =	vadd.s32 v1, v40  }
0x19: {  	v42 =	vadd.s32 v3, v40  }
0x1a: {  	v43 =	vadd.s32 v4, v40  }
0x1b: {  	v44 =	vadd.s32 v5, v40  }
0x1c: {  	v45 =	vadd.s32 v6, v40  }
0x1d: {  	v46 =	vadd.s32 v7, v40;
	v41 =	vld.idx.msk [tilespmem:v41+s1+$0x0], $0xffff  }
0x1e: {  	v47 =	vadd.s32 v8, v40;
	v42 =	vld.idx.msk [tilespmem:v42+s1+$0x0], $0xffff  }
0x1f: {  	v48 =	vadd.s32 v9, v40;
	v43 =	vld.idx.msk [tilespmem:v43+s1+$0x0], $0xffff  }
0x20: {  	v44 =	vld.idx.msk [tilespmem:v44+s1+$0x0], $0xffff  }
0x21: {  	v45 =	vld.idx.msk [tilespmem:v45+s1+$0x0], $0xffff  }
0x22: {  	v46 =	vld.idx.msk [tilespmem:v46+s1+$0x0], $0xffff  }
0x23: {  	v47 =	vld.idx.msk [tilespmem:v47+s1+$0x0], $0xffff  }
0x24: {  	v48 =	vld.idx.msk [tilespmem:v48+s1+$0x0], $0xffff  }
0x25: {  	v49 =	vadd.s32 v10, v40;
	v50 =	vadd.s32 v11, v40  }
0x26: {  	v51 =	vadd.s32 v12, v40;
	v52 =	vadd.s32 v13, v40;
	v53 =	vadd.s32 v14, v40  }
0x27: {  	v54 =	vadd.s32 v15, v40;
	v55 =	vadd.s32 v17, v40;
	v56 =	vmax.f32 v41, v42  }
0x28: {  	v41 =	vmin.f32 v41, v42;
	v63 =	vmax.f32 v43, v44;
	v43 =	vmin.f32 v43, v44  }
0x29: {  	v44 =	vadd.s32 v18, v40;
	v60 =	vmax.f32 v45, v46;
	v61 =	vmax.f32 v47, v48  }
0x2a: {  	v45 =	vmin.f32 v45, v46;
	v62 =	vmin.f32 v47, v48;
	v40 =	vadd.s32 $0x10, v40  }
0x2b: {  	v57 =	vmin.f32 v56, v63;
	v58 =	vmax.f32 v41, v43;
	v42 =	vmax.f32 v56, v63  }
0x2c: {  	v49 =	vld.idx.msk [tilespmem:v49+s1+$0x0], $0xffff;
	v41 =	vmin.f32 v41, v43;
	v63 =	vmax.f32 v60, v61;
	v60 =	vmin.f32 v60, v61  }
0x2d: {  	v52 =	vld.idx.msk [tilespmem:v52+s1+$0x0], $0xffff;
	v61 =	vmax.f32 v45, v62;
	v45 =	vmin.f32 v45, v62;
	v43 =	vmax.f32 v58, v57  }
0x2e: {  	v48 =	vld.idx.msk [tilespmem:v50+s1+$0x0], $0xffff;
	v56 =	vmin.f32 v58, v57;
	v62 =	vmax.f32 v61, v60;
	v50 =	vmin.f32 v61, v60  }
0x2f: {  	v53 =	vld.idx.msk [tilespmem:v53+s1+$0x0], $0xffff;
	v57 =	vmax.f32 v42, v63;
	v42 =	vmin.f32 v42, v63;
	v63 =	vmax.f32 v56, v50  }
0x30: {  	v46 =	vld.idx.msk [tilespmem:v51+s1+$0x0], $0xffff;
	v50 =	vmin.f32 v56, v50;
	v61 =	vmax.f32 v43, v62;
	v43 =	vmin.f32 v43, v62  }
0x31: {  	v54 =	vld.idx.msk [tilespmem:v54+s1+$0x0], $0xffff;
	v62 =	vmax.f32 v41, v45;
	v41 =	vmin.f32 v41, v45;
	v60 =	vmax.f32 v63, v42  }
0x32: {  	v45 =	vld.idx.msk [tilespmem:v55+s1+$0x0], $0xffff;
	v42 =	vmin.f32 v63, v42;
	v63 =	vmax.f32 v62, v43;
	v43 =	vmin.f32 v62, v43  }
0x33: {  	v51 =	vmax.f32 v61, v60;
	v44 =	vld.idx.msk [tilespmem:v44+s1+$0x0], $0xffff;
	v47 =	vmin.f32 v61, v60;
	v56 =	vmax.f32 v63, v42  }
0x34: {  	v42 =	vmin.f32 v63, v42;
	v55 =	vmax.f32 v43, v50;
	v43 =	vmin.f32 v43, v50  }
0x35: {  	v60 =	vmax.f32 v49, v48;
	v48 =	vmin.f32 v49, v48;
	v61 =	vmax.f32 v46, v52  }
0x36: {  	v46 =	vmin.f32 v46, v52;
	v63 =	vmax.f32 v53, v54;
	v53 =	vmin.f32 v53, v54  }
0x37: {  	v52 =	vmax.f32 v60, v61;
	v49 =	vmin.f32 v60, v61;
	v62 =	vmax.f32 v48, v46  }
0x38: {  	v46 =	vmin.f32 v48, v46;
	v48 =	vmax.f32 v62, v49;
	v59 =	vmax.f32 v45, v44  }
0x39: {  	v44 =	vmin.f32 v45, v44;
	v45 =	vmin.f32 v62, v49;
	v60 =	vmin.f32 v63, v59  }
0x3a: {  	v61 =	vmax.f32 v53, v44;
	v54 =	vmax.f32 v63, v59;
	v44 =	vmin.f32 v53, v44  }
0x3b: {  	v62 =	vmin.f32 v61, v60;
	v49 =	vmax.f32 v61, v60;
	v63 =	vmin.f32 v52, v54  }
0x3c: {  	v52 =	vmax.f32 v52, v54;
	v60 =	vmax.f32 v45, v62;
	v45 =	vmin.f32 v45, v62  }
0x3d: {  	v62 =	vmin.f32 v48, v49;
	v48 =	vmax.f32 v48, v49;
	v61 =	vmax.f32 v60, v63  }
0x3e: {  	v50 =	vmin.f32 v60, v63;
	v63 =	vmax.f32 v46, v44;
	v44 =	vmin.f32 v46, v44  }
0x3f: {  	v59 =	vmax.f32 v63, v62;
	v60 =	vmin.f32 v63, v62;
	v54 =	vmax.f32 v48, v61  }
0x40: {  	v48 =	vmin.f32 v48, v61;
	v61 =	vmin.f32 v57, v52;
	v52 =	vmax.f32 v57, v52  }
0x41: {  	v53 =	vmax.f32 v59, v50;
	v46 =	vmin.f32 v59, v50;
	v50 =	vmax.f32 v60, v45  }
0x42: {  	v45 =	vmin.f32 v60, v45;
	v63 =	vmin.f32 v47, v48;
	v47 =	vmax.f32 v47, v48  }
0x43: {  	v62 =	vmax.f32 v42, v46;
	v42 =	vmin.f32 v42, v46;
	v60 =	vmax.f32 v43, v45  }
0x44: {  	v43 =	vmin.f32 v43, v45;
	v46 =	vmax.f32 v62, v61;
	v49 =	vmin.f32 v62, v61  }
0x45: {  	v61 =	vmax.f32 v60, v63;
	v62 =	vmin.f32 v60, v63;
	v63 =	vmin.f32 v51, v54  }
0x46: {  	v60 =	vmax.f32 v55, v50;
	v51 =	vmax.f32 v51, v54;
	v50 =	vmin.f32 v55, v50  }
0x47: {  	v57 =	vmax.f32 v47, v46;
	v46 =	vmin.f32 v47, v46;
	v47 =	vmax.f32 v61, v49  }
0x48: {  	v45 =	vmin.f32 v61, v49;
	v49 =	vmax.f32 v62, v42;
	v42 =	vmin.f32 v62, v42  }
0x49: {  	v61 =	vmax.f32 v60, v63;
	v48 =	vmin.f32 v60, v63;
	v62 =	vmin.f32 v56, v53  }
0x4a: {  	v63 =	vmax.f32 v41, v44;
	v53 =	vmax.f32 v56, v53;
	v41 =	vmin.f32 v41, v44  }
0x4b: {  	v60 =	vmax.f32 v63, v62;
	v55 =	vmin.f32 v63, v62;
	v56 =	vmax.f32 v53, v61  }
0x4c: {  	v53 =	vmin.f32 v53, v61;
	v61 =	vmax.f32 v60, v48;
	v44 =	vmin.f32 v60, v48  }
0x4d: {  	v62 =	vmax.f32 v55, v50;
	v50 =	vmin.f32 v55, v50;
	v55 =	vmax.f32 v51, v57  }
0x4e: {  	v51 =	vmin.f32 v51, v57;
	v63 =	vmax.f32 v56, v46;
	v46 =	vmin.f32 v56, v46  }
0x4f: {  	v60 =	vmax.f32 v53, v47;
	v47 =	vmin.f32 v53, v47;
	v53 =	vmax.f32 v61, v45  }
0x50: {  	v45 =	vmin.f32 v61, v45;
	v54 =	vmax.f32 v44, v49;
	v44 =	vmin.f32 v44, v49  }
0x51: {  	v49 =	vmax.f32 v62, v42;
	v42 =	vmin.f32 v62, v42;
	v48 =	vmax.f32 v50, v43  }
0x52: {  	v43 =	vmin.f32 v50, v43;
	v24 =	vmax.f32 v24, v47;
	v56 =	vmax.f32 v29, v46  }
0x53: {  	v29 =	vmin.f32 v29, v46;
	v61 =	vmax.f32 v27, v63;
	v27 =	vmin.f32 v27, v63  }
0x54: {  	v62 =	vmax.f32 v23, v51;
	v23 =	vmin.f32 v23, v51;
	v32 =	vmin.f32 v32, v47  }
0x55: {  	v39 =	vmax.f32 v39, v54;
	v37 =	vmax.f32 v37, v45;
	v35 =	vmax.f32 v35, v53  }
0x56: {  	v31 =	vmin.f32 v31, v45;
	v28 =	vmin.f32 v28, v53;
	v26 =	vmin.f32 v26, v54  }
0x57: {  	v51 =	vmin.f32 v22, v49;
	v22 =	vmax.f32 v22, v49;
	v53 =	vmin.f32 v20, v48  }
0x58: {  	v20 =	vmax.f32 v20, v48;
	v47 =	vmin.f32 v32, v43;
	v32 =	vmax.f32 v32, v43  }
0x59: {  	v50 =	vmax.f32 v38, v35;
	v35 =	vmin.f32 v38, v35;
	v38 =	vmax.f32 v36, v24  }
0x5a: {  	v24 =	vmin.f32 v36, v24;
	v36 =	vmax.f32 v34, v60;
	v34 =	vmin.f32 v34, v60  }
0x5b: {  	v63 =	vmax.f32 v39, v55;
	v39 =	vmin.f32 v39, v55;
	v55 =	vmax.f32 v37, v52  }
0x5c: {  	v37 =	vmin.f32 v37, v52;
	v45 =	vmin.f32 v33, v31;
	v31 =	vmax.f32 v33, v31  }
0x5d: {  	v52 =	vmin.f32 v21, v42;
	v21 =	vmax.f32 v21, v42;
	v54 =	vmin.f32 v28, v41  }
0x5e: {  	v28 =	vmax.f32 v28, v41;
	v60 =	vmax.f32 v50, v61;
	v46 =	vmin.f32 v50, v61  }
0x5f: {  	v61 =	vmax.f32 v38, v62;
	v38 =	vmin.f32 v38, v62;
	v62 =	vmax.f32 v36, v63  }
0x60: {  	v36 =	vmin.f32 v36, v63;
	v63 =	vmax.f32 v56, v55;
	v55 =	vmin.f32 v56, v55  }
0x61: {  	v27 =	vmax.f32 v35, v27;
	v23 =	vmax.f32 v24, v23;
	v24 =	vmax.f32 v34, v39  }
0x62: {  	v29 =	vmax.f32 v29, v37;
	v50 =	vmin.f32 v30, v26;
	v26 =	vmax.f32 v30, v26  }
0x63: {  	v30 =	vmin.f32 v25, v44;
	v25 =	vmax.f32 v25, v44;
	v43 =	vmax.f32 v51, v54  }
0x64: {  	v21 =	vmin.f32 v31, v21;
	v22 =	vmin.f32 v22, v28;
	v34 =	vmax.f32 v60, v62  }
0x65: {  	v57 =	vmin.f32 v60, v62;
	v58 =	vmax.f32 v61, v63;
	v59 =	vmin.f32 v61, v63  }
0x66: {  	v60 =	vmax.f32 v46, v36;
	v46 =	vmin.f32 v46, v36;
	v61 =	vmax.f32 v38, v55  }
0x67: {  	v62 =	vmin.f32 v38, v55;
	v24 =	vmax.f32 v27, v24;
	v63 =	vmax.f32 v23, v29  }
0x68: {  	v55 =	vmin.f32 v45, v52;
	v45 =	vmax.f32 v45, v52;
	v56 =	vmin.f32 v50, v53  }
0x69: {  	v33 =	vmax.f32 v50, v53;
	v20 =	vmin.f32 v26, v20;
	v25 =	vmin.f32 v25, v32  }
0x6a: {  	v38 =	vmax.f32 v34, v58;
	v36 =	vmin.f32 v34, v58;
	v34 =	vmax.f32 v57, v59  }
0x6b: {  	v29 =	vmin.f32 v57, v59;
	v27 =	vmax.f32 v60, v61;
	v23 =	vmin.f32 v60, v61  }
0x6c: {  	v39 =	vmax.f32 v46, v62;
	v37 =	vmin.f32 v46, v62;
	v35 =	vmax.f32 v24, v63  }
0x6d: {  	v24 =	vmin.f32 v24, v63;
	v57 =	vmin.f32 v30, v47;
	v30 =	vmax.f32 v30, v47  }
0x6e: {  	v58 =	vmin.f32 v51, v54;
	v44 =	vmin.f32 v33, v43;
	v43 =	vmax.f32 v33, v43  }
0x6f: {  	p0 =	sne.s32 s18, $0x1;
	v62 =	vmin.f32 v21, v25;
	v63 =	vmin.f32 v20, v22;
	v26 =	vmin.f32 v55, v57  }
.Ltmp0:
0x70: {  	v28 =	vmax.f32 v55, v57;
	v31 =	vmin.f32 v56, v58;
	v59 =	vmax.f32 v56, v58;
	(pc) =	sbr.rel @p0 .LBB2_3-.Ltmp0, $4  }
0x71: {  	v60 =	vmin.f32 v45, v30;
	v61 =	vmax.f32 v45, v30;
	v33 =	vmin.f32 v26, v31  }
0x72: {  	v30 =	vmax.f32 v26, v31;
	v25 =	vmin.f32 v28, v59;
	v22 =	vmax.f32 v28, v59  }
0x73: {  	v21 =	vmin.f32 v60, v44;
	v20 =	vmax.f32 v60, v44;
	v32 =	vmin.f32 v61, v43  }
0x74: {  	s18 =	sadd.s32 $0xFFFFFFFF, s18;
	v28 =	vmax.f32 v61, v43;
	v31 =	vmin.f32 v62, v63;
	v26 =	vmax.f32 v62, v63  }
0x75: {  	s18 =	simm.s32 $0x11;
	v40 =	vmov v19  }
.LBB2_5:
0x76: {  	v41 =	vand.u32 $0x3FF, v40  }
0x77: {  	v42 =	vadd.s32 $0x1, v40;
	v43 =	vadd.s32 $0x2, v40;
	v44 =	vadd.s32 $0x3, v40  }
0x78: {  	v45 =	vadd.s32 $0x4, v40;
	v41 =	vor.u32 v1, v41;
	v42 =	vand.u32 $0x3FF, v42  }
0x79: {  	v46 =	vadd.s32 $0x5, v40;
	v43 =	vand.u32 $0x3FF, v43;
	v42 =	vor.u32 v1, v42  }
0x7a: {  	v47 =	vadd.s32 $0x6, v40;
	v44 =	vand.u32 $0x3FF, v44;
	v43 =	vor.u32 v1, v43  }
0x7b: {  	v48 =	vadd.s32 $0x7, v40;
	v45 =	vand.u32 $0x3FF, v45;
	v44 =	vor.u32 v1, v44  }
0x7c: {  	v49 =	vadd.s32 $0x8, v40;
	v46 =	vand.u32 $0x3FF, v46;
	v45 =	vor.u32 v1, v45  }
0x7d: {  	v50 =	vand.u32 $0x7, v40;
	v47 =	vand.u32 $0x3FF, v47;
	v46 =	vor.u32 v1, v46;
	v41 =	vld.idx.msk [tilespmem:v41+s1+$0x0], $0xffff  }
0x7e: {  	v61 =	vadd.s32 $0x9, v40;
	v48 =	vand.u32 $0x3FF, v48;
	v47 =	vor.u32 v1, v47;
	v42 =	vld.idx.msk [tilespmem:v42+s1+$0x0], $0xffff  }
0x7f: {  	v51 =	vadd.s32 $0xA, v40;
	v52 =	vadd.s32 $0xB, v40;
	v48 =	vor.u32 v1, v48;
	v43 =	vld.idx.msk [tilespmem:v43+s1+$0x0], $0xffff  }
0x80: {  	v53 =	vadd.s32 $0xC, v40;
	v54 =	vadd.s32 $0xD, v40;
	v55 =	vadd.s32 $0xE, v40;
	v44 =	vld.idx.msk [tilespmem:v44+s1+$0x0], $0xffff  }
0x81: {  	v56 =	vadd.s32 $0xF, v40;
	v40 =	vadd.s32 $0x10, v40;
	v49 =	vand.u32 $0x3F8, v49;
	v45 =	vld.idx.msk [tilespmem:v45+s1+$0x0], $0xffff  }
0x82: {  	v51 =	vand.u32 $0x3FF, v51;
	v52 =	vand.u32 $0x3FF, v52;
	v53 =	vand.u32 $0x3FF, v53;
	v46 =	vld.idx.msk [tilespmem:v46+s1+$0x0], $0xffff  }
0x83: {  	v54 =	vand.u32 $0x3FF, v54;
	v55 =	vand.u32 $0x3FF, v55;
	v56 =	vand.u32 $0x3FF, v56;
	v47 =	vld.idx.msk [tilespmem:v47+s1+$0x0], $0xffff  }
0x84: {  	v49 =	vor.u32 v49, v50;
	v50 =	vand.u32 $0x3FF, v61;
	v51 =	vor.u32 v1, v51;
	v48 =	vld.idx.msk [tilespmem:v48+s1+$0x0], $0xffff  }
0x85: {  	v52 =	vor.u32 v1, v52;
	v53 =	vor.u32 v1, v53;
	v54 =	vor.u32 v1, v54  }
0x86: {  	v55 =	vor.u32 v1, v55;
	v49 =	vor.u32 v1, v49;
	v50 =	vor.u32 v1, v50  }
0x87: {  	v57 =	vmax.f32 v41, v42;
	v41 =	vmin.f32 v41, v42;
	v62 =	vmax.f32 v43, v44  }
0x88: {  	v43 =	vmin.f32 v43, v44;
	v44 =	vor.u32 v1, v56;
	v60 =	vmax.f32 v45, v46  }
0x89: {  	v61 =	vmax.f32 v47, v48;
	v45 =	vmin.f32 v45, v46;
	v63 =	vmin.f32 v57, v62  }
0x8a: {  	v58 =	vmax.f32 v41, v43;
	v42 =	vmax.f32 v57, v62;
	v41 =	vmin.f32 v41, v43  }
0x8b: {  	v53 =	vld.idx.msk [tilespmem:v53+s1+$0x0], $0xffff;
	v62 =	vmin.f32 v47, v48;
	v43 =	vmax.f32 v58, v63;
	v56 =	vmin.f32 v58, v63  }
0x8c: {  	v54 =	vld.idx.msk [tilespmem:v54+s1+$0x0], $0xffff;
	v63 =	vmax.f32 v60, v61;
	v60 =	vmin.f32 v60, v61;
	v61 =	vmax.f32 v45, v62  }
0x8d: {  	v48 =	vld.idx.msk [tilespmem:v50+s1+$0x0], $0xffff;
	v45 =	vmin.f32 v45, v62;
	v62 =	vmax.f32 v61, v60;
	v50 =	vmin.f32 v61, v60  }
0x8e: {  	v52 =	vld.idx.msk [tilespmem:v52+s1+$0x0], $0xffff;
	v57 =	vmax.f32 v42, v63;
	v42 =	vmin.f32 v42, v63;
	v63 =	vmax.f32 v56, v50  }
0x8f: {  	v49 =	vld.idx.msk [tilespmem:v49+s1+$0x0], $0xffff;
	v50 =	vmin.f32 v56, v50;
	v61 =	vmax.f32 v43, v62;
	v43 =	vmin.f32 v43, v62  }
0x90: {  	v46 =	vld.idx.msk [tilespmem:v51+s1+$0x0], $0xffff;
	v62 =	vmax.f32 v41, v45;
	v41 =	vmin.f32 v41, v45;
	v60 =	vmax.f32 v63, v42  }
0x91: {  	v45 =	vld.idx.msk [tilespmem:v55+s1+$0x0], $0xffff;
	v42 =	vmin.f32 v63, v42;
	v63 =	vmax.f32 v62, v43;
	v43 =	vmin.f32 v62, v43  }
0x92: {  	v44 =	vld.idx.msk [tilespmem:v44+s1+$0x0], $0xffff;
	v62 =	vmax.f32 v53, v54;
	v53 =	vmin.f32 v53, v54;
	v51 =	vmax.f32 v61, v60  }
0x93: {  	v47 =	vmin.f32 v61, v60;
	v56 =	vmax.f32 v63, v42;
	v42 =	vmin.f32 v63, v42  }
0x94: {  	v55 =	vmax.f32 v43, v50;
	v43 =	vmin.f32 v43, v50;
	v59 =	vmax.f32 v49, v48  }
0x95: {  	v48 =	vmin.f32 v49, v48;
	v60 =	vmax.f32 v46, v52;
	v46 =	vmin.f32 v46, v52  }
0x96: {  	v52 =	vmax.f32 v59, v60;
	v49 =	vmin.f32 v59, v60;
	v61 =	vmax.f32 v48, v46  }
0x97: {  	v46 =	vmin.f32 v48, v46;
	v48 =	vmax.f32 v61, v49;
	v63 =	vmax.f32 v45, v44  }
0x98: {  	v44 =	vmin.f32 v45, v44;
	v45 =	vmin.f32 v61, v49;
	v59 =	vmin.f32 v62, v63  }
0x99: {  	v60 =	vmax.f32 v53, v44;
	v54 =	vmax.f32 v62, v63;
	v44 =	vmin.f32 v53, v44  }
0x9a: {  	v61 =	vmin.f32 v60, v59;
	v49 =	vmax.f32 v60, v59;
	v62 =	vmin.f32 v52, v54  }
0x9b: {  	v52 =	vmax.f32 v52, v54;
	v63 =	vmax.f32 v45, v61;
	v45 =	vmin.f32 v45, v61  }
0x9c: {  	v61 =	vmin.f32 v48, v49;
	v48 =	vmax.f32 v48, v49;
	v60 =	vmax.f32 v63, v62  }
0x9d: {  	v50 =	vmin.f32 v63, v62;
	v62 =	vmax.f32 v46, v44;
	v44 =	vmin.f32 v46, v44  }
0x9e: {  	v63 =	vmax.f32 v62, v61;
	v59 =	vmin.f32 v62, v61;
	v54 =	vmax.f32 v48, v60  }
0x9f: {  	v48 =	vmin.f32 v48, v60;
	v60 =	vmin.f32 v57, v52;
	v52 =	vmax.f32 v57, v52  }
0xa0: {  	v53 =	vmax.f32 v63, v50;
	v46 =	vmin.f32 v63, v50;
	v50 =	vmax.f32 v59, v45  }
0xa1: {  	v45 =	vmin.f32 v59, v45;
	v62 =	vmin.f32 v47, v48;
	v47 =	vmax.f32 v47, v48  }
0xa2: {  	v61 =	vmax.f32 v42, v46;
	v42 =	vmin.f32 v42, v46;
	v63 =	vmax.f32 v43, v45  }
0xa3: {  	v43 =	vmin.f32 v43, v45;
	v46 =	vmax.f32 v61, v60;
	v49 =	vmin.f32 v61, v60  }
0xa4: {  	v60 =	vmax.f32 v63, v62;
	v61 =	vmin.f32 v63, v62;
	v62 =	vmin.f32 v51, v54  }
0xa5: {  	v63 =	vmax.f32 v55, v50;
	v51 =	vmax.f32 v51, v54;
	v50 =	vmin.f32 v55, v50  }
0xa6: {  	v57 =	vmax.f32 v47, v46;
	v46 =	vmin.f32 v47, v46;
	v47 =	vmax.f32 v60, v49  }
0xa7: {  	v45 =	vmin.f32 v60, v49;
	v49 =	vmax.f32 v61, v42;
	v42 =	vmin.f32 v61, v42  }
0xa8: {  	v60 =	vmax.f32 v63, v62;
	v48 =	vmin.f32 v63, v62;
	v61 =	vmin.f32 v56, v53  }
0xa9: {  	v62 =	vmax.f32 v41, v44;
	v53 =	vmax.f32 v56, v53;
	v44 =	vmin.f32 v41, v44  }
0xaa: {  	v63 =	vmax.f32 v62, v61;
	v55 =	vmin.f32 v62, v61;
	v56 =	vmax.f32 v53, v60  }
0xab: {  	v53 =	vmin.f32 v53, v60;
	v60 =	vmax.f32 v63, v48;
	v41 =	vmin.f32 v63, v48  }
0xac: {  	v61 =	vmax.f32 v55, v50;
	v50 =	vmin.f32 v55, v50;
	v55 =	vmax.f32 v51, v57  }
0xad: {  	v51 =	vmin.f32 v51, v57;
	v62 =	vmax.f32 v56, v46;
	v46 =	vmin.f32 v56, v46  }
0xae: {  	v63 =	vmax.f32 v53, v47;
	v47 =	vmin.f32 v53, v47;
	v53 =	vmax.f32 v60, v45  }
0xaf: {  	v45 =	vmin.f32 v60, v45;
	v54 =	vmax.f32 v41, v49;
	v49 =	vmin.f32 v41, v49  }
0xb0: {  	v58 =	vmax.f32 v61, v42;
	v48 =	vmin.f32 v61, v42;
	v59 =	vmax.f32 v50, v43  }
0xb1: {  	v43 =	vmin.f32 v50, v43;
	v24 =	vmax.f32 v24, v47;
	v42 =	vmax.f32 v29, v46  }
0xb2: {  	v29 =	vmin.f32 v29, v46;
	v60 =	vmax.f32 v27, v62;
	v27 =	vmin.f32 v27, v62  }
0xb3: {  	v61 =	vmax.f32 v23, v51;
	v23 =	vmin.f32 v23, v51;
	v32 =	vmin.f32 v32, v47  }
0xb4: {  	v39 =	vmax.f32 v39, v54;
	v37 =	vmax.f32 v37, v45;
	v35 =	vmax.f32 v35, v53  }
0xb5: {  	v31 =	vmin.f32 v31, v45;
	v28 =	vmin.f32 v28, v53;
	v26 =	vmin.f32 v26, v54  }
0xb6: {  	v53 =	vmin.f32 v21, v48;
	v21 =	vmax.f32 v21, v48;
	v54 =	vmin.f32 v20, v59  }
0xb7: {  	v20 =	vmax.f32 v20, v59;
	v41 =	vmax.f32 v38, v35;
	v35 =	vmin.f32 v38, v35  }
0xb8: {  	v38 =	vmax.f32 v36, v24;
	v24 =	vmin.f32 v36, v24;
	v36 =	vmax.f32 v34, v63  }
0xb9: {  	v34 =	vmin.f32 v34, v63;
	v62 =	vmax.f32 v39, v55;
	v39 =	vmin.f32 v39, v55  }
0xba: {  	v55 =	vmax.f32 v37, v52;
	v37 =	vmin.f32 v37, v52;
	v45 =	vmin.f32 v33, v31  }
0xbb: {  	v31 =	vmax.f32 v33, v31;
	v52 =	vmin.f32 v22, v58;
	v22 =	vmax.f32 v22, v58  }
0xbc: {  	v63 =	vmax.f32 v41, v60;
	v46 =	vmin.f32 v41, v60;
	v60 =	vmax.f32 v38, v61  }
0xbd: {  	v38 =	vmin.f32 v38, v61;
	v61 =	vmax.f32 v36, v62;
	v36 =	vmin.f32 v36, v62  }
0xbe: {  	v62 =	vmax.f32 v42, v55;
	v55 =	vmin.f32 v42, v55;
	v27 =	vmax.f32 v35, v27  }
0xbf: {  	v23 =	vmax.f32 v24, v23;
	v24 =	vmax.f32 v34, v39;
	v29 =	vmax.f32 v29, v37  }
0xc0: {  	v21 =	vmin.f32 v31, v21;
	v41 =	vmax.f32 v63, v61;
	v63 =	vmin.f32 v63, v61  }
0xc1: {  	v42 =	vmax.f32 v60, v62;
	v56 =	vmin.f32 v60, v62;
	v57 =	vmax.f32 v46, v36  }
0xc2: {  	v46 =	vmin.f32 v46, v36;
	v60 =	vmax.f32 v38, v55;
	v61 =	vmin.f32 v38, v55  }
0xc3: {  	v24 =	vmax.f32 v27, v24;
	v62 =	vmax.f32 v23, v29;
	v55 =	vmin.f32 v32, v43  }
0xc4: {  	v32 =	vmax.f32 v32, v43;
	v38 =	vmax.f32 v41, v42;
	v36 =	vmin.f32 v41, v42  }
0xc5: {  	v34 =	vmax.f32 v63, v56;
	v29 =	vmin.f32 v63, v56;
	v27 =	vmax.f32 v57, v60  }
0xc6: {  	v23 =	vmin.f32 v57, v60;
	v39 =	vmax.f32 v46, v61;
	v37 =	vmin.f32 v46, v61  }
0xc7: {  	v35 =	vmax.f32 v24, v62;
	v24 =	vmin.f32 v24, v62;
	v63 =	vmin.f32 v30, v26  }
0xc8: {  	v26 =	vmax.f32 v30, v26;
	v30 =	vmin.f32 v25, v49;
	v25 =	vmax.f32 v25, v49  }
0xc9: {  	v56 =	vmin.f32 v28, v44;
	v28 =	vmax.f32 v28, v44;
	v57 =	vmin.f32 v45, v53  }
0xca: {  	v45 =	vmax.f32 v45, v53;
	v58 =	vmin.f32 v63, v54;
	v33 =	vmax.f32 v63, v54  }
0xcb: {  	v59 =	vmin.f32 v30, v55;
	v30 =	vmax.f32 v30, v55;
	v60 =	vmin.f32 v52, v56  }
0xcc: {  	v46 =	vmax.f32 v52, v56;
	v20 =	vmin.f32 v26, v20;
	v25 =	vmin.f32 v25, v32  }
0xcd: {  	v22 =	vmin.f32 v22, v28;
	v43 =	vmin.f32 v57, v59;
	v26 =	vmax.f32 v57, v59  }
0xce: {  	p0 =	sne.s32 s18, $0x1;
	v44 =	vmin.f32 v58, v60;
	v28 =	vmax.f32 v58, v60;
	v31 =	vmin.f32 v45, v30  }
.Ltmp1:
0xcf: {  	v45 =	vmax.f32 v45, v30;
	v61 =	vmin.f32 v33, v46;
	v46 =	vmax.f32 v33, v46;
	(pc) =	sbr.rel @p0 .LBB2_5-.Ltmp1, $4  }
0xd0: {  	v62 =	vmin.f32 v21, v25;
	v63 =	vmin.f32 v20, v22;
	v33 =	vmin.f32 v43, v44  }
0xd1: {  	v30 =	vmax.f32 v43, v44;
	v25 =	vmin.f32 v26, v28;
	v22 =	vmax.f32 v26, v28  }
0xd2: {  	v21 =	vmin.f32 v31, v61;
	v20 =	vmax.f32 v31, v61;
	v32 =	vmin.f32 v45, v46  }
0xd3: {  	s18 =	sadd.s32 $0xFFFFFFFF, s18;
	v28 =	vmax.f32 v45, v46;
	v31 =	vmin.f32 v62, v63;
	v26 =	vmax.f32 v62, v63  }
0xd4: {  	v30 =	vadd.f32 v42, v41;
	v33 =	vadd.f32 v44, v43;
	_ =	sdelay $0x1  }
0xd5: {  	v30 =	vadd.f32 v34, v30;
	v25 =	vadd.f32 v25, v33;
	_ =	sdelay $0x1  }
0xd6: {  	v29 =	vadd.f32 v29, v30;
	v22 =	vadd.f32 v22, v25;
	_ =	sdelay $0x1  }
0xd7: {  	v25 =	vadd.f32 v27, v29;
	v21 =	vadd.f32 v21, v22;
	_ =	sdelay $0x1  }
0xd8: {  	v22 =	vadd.f32 v23, v25;
	v20 =	vadd.f32 v20, v21;
	_ =	sdelay $0x1  }
0xd9: {  	v21 =	vadd.f32 v39, v22;
	v20 =	vadd.f32 v32, v20;
	_ =	sdelay $0x1  }
0xda: {  	v21 =	vadd.f32 v37, v21;
	v20 =	vadd.f32 v28, v20;
	_ =	sdelay $0x1  }
0xdb: {  	v21 =	vadd.f32 v35, v21;
	v20 =	vadd.f32 v31, v20;
	_ =	sdelay $0x1  }
0xdc: {  	v21 =	vadd.f32 v24, v21;
	v20 =	vadd.f32 v26, v20;
	_ =	sdelay $0x1  }
0xdd: {  	v21 =	vmul.f32 v21, v16;
	v20 =	vmul.f32 v20, v16;
	_ =	sdelay $0x1  }
0xde: {  	v20 =	vadd.f32 v20, v21;
	_ =	sdelay $0x1  }
0xdf: {  	v20 =	vmul.f32 $5.000000000e-01, v20  }
0xe0: {  	s18 =	sand.u32 $0x3FFFFFE0, s17;
	p0 =	seq.s32 s16, $0x17;
	v40 =	vmul.u32 $0x11, v0;
	v36 =	vimm.f32 $-Inf;
	v38 =	vimm.f32 $-Inf  }
0xe1: {  	s17 =	sadd.s32 @!p0 s17, s6;
	v33 =	vimm.f32 $+Inf;
	v34 =	vimm.f32 $-Inf;
	v30 =	vimm.f32 $+Inf;
	[tilespmem:s18+$0x8000] =	vst v20  }
0xe2: {  	s17 =	sshll.u32 @!p0 s17, $0x7;
	v27 =	vimm.f32 $-Inf;
	v29 =	vimm.f32 $-Inf;
	v25 =	vimm.f32 $+Inf;
	_ =	swait.ge [sflag:s11], $0x4000  }
0xe3: {  	s17 =	sand.u32 @!p0 $0x1FFFF000, s17;
	v23 =	vimm.f32 $-Inf;
	v32 =	vimm.f32 $+Inf;
	v22 =	vimm.f32 $+Inf;
	[sflag:s11] =	ssyncset.done $0x0  }
0xe4: {  	s17 =	sadd.s32 @!p0 s4, s17;
	v39 =	vimm.f32 $-Inf;
	v28 =	vimm.f32 $+Inf;
	v37 =	vimm.f32 $-Inf;
	s18 =	simm.s32 @!p0 $0x0;
	[sflag:s11] =	ssyncadd.s32 $0xFFFFC000  }
0xe5: {  	v31 =	vimm.f32 $+Inf;
	v35 =	vimm.f32 $-Inf;
	v24 =	vimm.f32 $-Inf;
	[tilespmem:s18], [sflag:$0x1] =	stream.linear.gather @!p0 [hbm4b:s17+s18], $0x4000, $0x38;
	[tilespmem:$0x8300] =	vst v63  }
0xe6: {  	s16 =	sadd.s32 $0x1, s16;
	v41 =	vmovc v40;
	v26 =	vimm.f32 $+Inf;
	v21 =	vimm.f32 $+Inf;
	v20 =	vimm.f32 $+Inf;
	s17 =	simm.s32 $0x2F  }
.LBB2_7:
0xe7: {  	v42 =	vadd.s32 v1, v41  }
0xe8: {  	v43 =	vadd.s32 v3, v41  }
0xe9: {  	v44 =	vadd.s32 v4, v41  }
0xea: {  	v45 =	vadd.s32 v5, v41  }
0xeb: {  	v46 =	vadd.s32 v6, v41  }
0xec: {  	v47 =	vadd.s32 v7, v41;
	v42 =	vld.idx.msk [tilespmem:v42+s10+$0x0], $0xffff  }
0xed: {  	v48 =	vadd.s32 v8, v41;
	v43 =	vld.idx.msk [tilespmem:v43+s10+$0x0], $0xffff  }
0xee: {  	v49 =	vadd.s32 v9, v41;
	v44 =	vld.idx.msk [tilespmem:v44+s10+$0x0], $0xffff  }
0xef: {  	v45 =	vld.idx.msk [tilespmem:v45+s10+$0x0], $0xffff  }
0xf0: {  	v46 =	vld.idx.msk [tilespmem:v46+s10+$0x0], $0xffff  }
0xf1: {  	v47 =	vld.idx.msk [tilespmem:v47+s10+$0x0], $0xffff  }
0xf2: {  	v48 =	vld.idx.msk [tilespmem:v48+s10+$0x0], $0xffff  }
0xf3: {  	v49 =	vld.idx.msk [tilespmem:v49+s10+$0x0], $0xffff  }
0xf4: {  	v50 =	vadd.s32 v10, v41;
	v51 =	vadd.s32 v11, v41  }
0xf5: {  	v52 =	vadd.s32 v12, v41;
	v53 =	vadd.s32 v13, v41;
	v54 =	vadd.s32 v14, v41  }
0xf6: {  	v55 =	vadd.s32 v15, v41;
	v56 =	vadd.s32 v17, v41;
	v57 =	vmax.f32 v42, v43  }
0xf7: {  	v42 =	vmin.f32 v42, v43;
	v62 =	vmax.f32 v44, v45;
	v44 =	vmin.f32 v44, v45  }
0xf8: {  	v45 =	vadd.s32 v18, v41;
	v63 =	vmax.f32 v46, v47;
	v60 =	vmax.f32 v48, v49  }
0xf9: {  	v46 =	vmin.f32 v46, v47;
	v61 =	vmin.f32 v48, v49;
	v41 =	vadd.s32 $0x10, v41  }
0xfa: {  	v58 =	vmin.f32 v57, v62;
	v59 =	vmax.f32 v42, v44;
	v43 =	vmax.f32 v57, v62  }
0xfb: {  	v54 =	vld.idx.msk [tilespmem:v54+s10+$0x0], $0xffff;
	v42 =	vmin.f32 v42, v44;
	v62 =	vmax.f32 v63, v60;
	v63 =	vmin.f32 v63, v60  }
0xfc: {  	v55 =	vld.idx.msk [tilespmem:v55+s10+$0x0], $0xffff;
	v60 =	vmax.f32 v46, v61;
	v46 =	vmin.f32 v46, v61;
	v44 =	vmax.f32 v59, v58  }
0xfd: {  	v49 =	vld.idx.msk [tilespmem:v51+s10+$0x0], $0xffff;
	v57 =	vmin.f32 v59, v58;
	v61 =	vmax.f32 v60, v63;
	v51 =	vmin.f32 v60, v63  }
0xfe: {  	v50 =	vld.idx.msk [tilespmem:v50+s10+$0x0], $0xffff;
	v58 =	vmax.f32 v43, v62;
	v43 =	vmin.f32 v43, v62;
	v62 =	vmax.f32 v57, v51  }
0xff: {  	v53 =	vld.idx.msk [tilespmem:v53+s10+$0x0], $0xffff;
	v51 =	vmin.f32 v57, v51;
	v60 =	vmax.f32 v44, v61;
	v44 =	vmin.f32 v44, v61  }
0x100: {  	v47 =	vld.idx.msk [tilespmem:v52+s10+$0x0], $0xffff;
	v61 =	vmax.f32 v42, v46;
	v42 =	vmin.f32 v42, v46;
	v63 =	vmax.f32 v62, v43  }
0x101: {  	v46 =	vld.idx.msk [tilespmem:v56+s10+$0x0], $0xffff;
	v43 =	vmin.f32 v62, v43;
	v62 =	vmax.f32 v61, v44;
	v44 =	vmin.f32 v61, v44  }
0x102: {  	v61 =	vmax.f32 v54, v55;
	v54 =	vmin.f32 v54, v55;
	v52 =	vmax.f32 v60, v63;
	v45 =	vld.idx.msk [tilespmem:v45+s10+$0x0], $0xffff  }
0x103: {  	v48 =	vmin.f32 v60, v63;
	v57 =	vmax.f32 v62, v43;
	v43 =	vmin.f32 v62, v43  }
0x104: {  	v56 =	vmax.f32 v44, v51;
	v44 =	vmin.f32 v44, v51;
	v63 =	vmax.f32 v50, v49  }
0x105: {  	v49 =	vmin.f32 v50, v49;
	v59 =	vmax.f32 v47, v53;
	v47 =	vmin.f32 v47, v53  }
0x106: {  	v53 =	vmax.f32 v63, v59;
	v50 =	vmin.f32 v63, v59;
	v60 =	vmax.f32 v49, v47  }
0x107: {  	v47 =	vmin.f32 v49, v47;
	v49 =	vmax.f32 v60, v50;
	v62 =	vmax.f32 v46, v45  }
0x108: {  	v45 =	vmin.f32 v46, v45;
	v46 =	vmin.f32 v60, v50;
	v63 =	vmin.f32 v61, v62  }
0x109: {  	v60 =	vmax.f32 v54, v45;
	v55 =	vmax.f32 v61, v62;
	v45 =	vmin.f32 v54, v45  }
0x10a: {  	v61 =	vmin.f32 v60, v63;
	v50 =	vmax.f32 v60, v63;
	v62 =	vmin.f32 v53, v55  }
0x10b: {  	v53 =	vmax.f32 v53, v55;
	v63 =	vmax.f32 v46, v61;
	v46 =	vmin.f32 v46, v61  }
0x10c: {  	v61 =	vmin.f32 v49, v50;
	v49 =	vmax.f32 v49, v50;
	v60 =	vmax.f32 v63, v62  }
0x10d: {  	v51 =	vmin.f32 v63, v62;
	v62 =	vmax.f32 v47, v45;
	v45 =	vmin.f32 v47, v45  }
0x10e: {  	v63 =	vmax.f32 v62, v61;
	v59 =	vmin.f32 v62, v61;
	v55 =	vmax.f32 v49, v60  }
0x10f: {  	v49 =	vmin.f32 v49, v60;
	v60 =	vmin.f32 v58, v53;
	v53 =	vmax.f32 v58, v53  }
0x110: {  	v54 =	vmax.f32 v63, v51;
	v47 =	vmin.f32 v63, v51;
	v51 =	vmax.f32 v59, v46  }
0x111: {  	v46 =	vmin.f32 v59, v46;
	v62 =	vmin.f32 v48, v49;
	v48 =	vmax.f32 v48, v49  }
0x112: {  	v61 =	vmax.f32 v43, v47;
	v43 =	vmin.f32 v43, v47;
	v63 =	vmax.f32 v44, v46  }
0x113: {  	v44 =	vmin.f32 v44, v46;
	v47 =	vmax.f32 v61, v60;
	v50 =	vmin.f32 v61, v60  }
0x114: {  	v60 =	vmax.f32 v63, v62;
	v61 =	vmin.f32 v63, v62;
	v62 =	vmin.f32 v52, v55  }
0x115: {  	v63 =	vmax.f32 v56, v51;
	v52 =	vmax.f32 v52, v55;
	v51 =	vmin.f32 v56, v51  }
0x116: {  	v58 =	vmax.f32 v48, v47;
	v47 =	vmin.f32 v48, v47;
	v48 =	vmax.f32 v60, v50  }
0x117: {  	v46 =	vmin.f32 v60, v50;
	v50 =	vmax.f32 v61, v43;
	v43 =	vmin.f32 v61, v43  }
0x118: {  	v60 =	vmax.f32 v63, v62;
	v49 =	vmin.f32 v63, v62;
	v61 =	vmin.f32 v57, v54  }
0x119: {  	v62 =	vmax.f32 v42, v45;
	v54 =	vmax.f32 v57, v54;
	v42 =	vmin.f32 v42, v45  }
0x11a: {  	v63 =	vmax.f32 v62, v61;
	v56 =	vmin.f32 v62, v61;
	v57 =	vmax.f32 v54, v60  }
0x11b: {  	v54 =	vmin.f32 v54, v60;
	v60 =	vmax.f32 v63, v49;
	v45 =	vmin.f32 v63, v49  }
0x11c: {  	v61 =	vmax.f32 v56, v51;
	v51 =	vmin.f32 v56, v51;
	v56 =	vmax.f32 v52, v58  }
0x11d: {  	v52 =	vmin.f32 v52, v58;
	v62 =	vmax.f32 v57, v47;
	v47 =	vmin.f32 v57, v47  }
0x11e: {  	v63 =	vmax.f32 v54, v48;
	v48 =	vmin.f32 v54, v48;
	v54 =	vmax.f32 v60, v46  }
0x11f: {  	v46 =	vmin.f32 v60, v46;
	v55 =	vmax.f32 v45, v50;
	v45 =	vmin.f32 v45, v50  }
0x120: {  	v50 =	vmax.f32 v61, v43;
	v43 =	vmin.f32 v61, v43;
	v49 =	vmax.f32 v51, v44  }
0x121: {  	v44 =	vmin.f32 v51, v44;
	v24 =	vmax.f32 v24, v48;
	v57 =	vmax.f32 v29, v47  }
0x122: {  	v29 =	vmin.f32 v29, v47;
	v60 =	vmax.f32 v27, v62;
	v27 =	vmin.f32 v27, v62  }
0x123: {  	v61 =	vmax.f32 v23, v52;
	v23 =	vmin.f32 v23, v52;
	v32 =	vmin.f32 v32, v48  }
0x124: {  	v39 =	vmax.f32 v39, v55;
	v37 =	vmax.f32 v37, v46;
	v35 =	vmax.f32 v35, v54  }
0x125: {  	v30 =	vmin.f32 v30, v46;
	v28 =	vmin.f32 v28, v54;
	v25 =	vmin.f32 v25, v55  }
0x126: {  	v52 =	vmin.f32 v22, v50;
	v22 =	vmax.f32 v22, v50;
	v54 =	vmin.f32 v20, v49  }
0x127: {  	v20 =	vmax.f32 v20, v49;
	v48 =	vmin.f32 v32, v44;
	v32 =	vmax.f32 v32, v44  }
0x128: {  	v51 =	vmax.f32 v38, v35;
	v35 =	vmin.f32 v38, v35;
	v38 =	vmax.f32 v36, v24  }
0x129: {  	v24 =	vmin.f32 v36, v24;
	v36 =	vmax.f32 v34, v63;
	v34 =	vmin.f32 v34, v63  }
0x12a: {  	v62 =	vmax.f32 v39, v56;
	v39 =	vmin.f32 v39, v56;
	v56 =	vmax.f32 v37, v53  }
0x12b: {  	v37 =	vmin.f32 v37, v53;
	v46 =	vmin.f32 v33, v30;
	v30 =	vmax.f32 v33, v30  }
0x12c: {  	v53 =	vmin.f32 v21, v43;
	v21 =	vmax.f32 v21, v43;
	v55 =	vmin.f32 v28, v42  }
0x12d: {  	v28 =	vmax.f32 v28, v42;
	v63 =	vmax.f32 v51, v60;
	v47 =	vmin.f32 v51, v60  }
0x12e: {  	v60 =	vmax.f32 v38, v61;
	v38 =	vmin.f32 v38, v61;
	v61 =	vmax.f32 v36, v62  }
0x12f: {  	v36 =	vmin.f32 v36, v62;
	v62 =	vmax.f32 v57, v56;
	v56 =	vmin.f32 v57, v56  }
0x130: {  	v27 =	vmax.f32 v35, v27;
	v23 =	vmax.f32 v24, v23;
	v24 =	vmax.f32 v34, v39  }
0x131: {  	v29 =	vmax.f32 v29, v37;
	v59 =	vmin.f32 v52, v55;
	v44 =	vmax.f32 v52, v55  }
0x132: {  	v21 =	vmin.f32 v30, v21;
	v22 =	vmin.f32 v22, v28;
	v34 =	vmax.f32 v63, v61  }
0x133: {  	v35 =	vmin.f32 v63, v61;
	v37 =	vmax.f32 v60, v62;
	v39 =	vmin.f32 v60, v62  }
0x134: {  	v63 =	vmax.f32 v47, v36;
	v47 =	vmin.f32 v47, v36;
	v60 =	vmax.f32 v38, v56  }
0x135: {  	v61 =	vmin.f32 v38, v56;
	v24 =	vmax.f32 v27, v24;
	v62 =	vmax.f32 v23, v29  }
0x136: {  	v56 =	vmin.f32 v46, v53;
	v46 =	vmax.f32 v46, v53;
	v38 =	vmax.f32 v34, v37  }
0x137: {  	v36 =	vmin.f32 v34, v37;
	v34 =	vmax.f32 v35, v39;
	v29 =	vmin.f32 v35, v39  }
0x138: {  	v27 =	vmax.f32 v63, v60;
	v23 =	vmin.f32 v63, v60;
	v39 =	vmax.f32 v47, v61  }
0x139: {  	v37 =	vmin.f32 v47, v61;
	v35 =	vmax.f32 v24, v62;
	v24 =	vmin.f32 v24, v62  }
0x13a: {  	v63 =	vmin.f32 v31, v25;
	v25 =	vmax.f32 v31, v25;
	v31 =	vmin.f32 v26, v45  }
0x13b: {  	v26 =	vmax.f32 v26, v45;
	v57 =	vmin.f32 v63, v54;
	v33 =	vmax.f32 v63, v54  }
0x13c: {  	v58 =	vmin.f32 v31, v48;
	v31 =	vmax.f32 v31, v48;
	v20 =	vmin.f32 v25, v20  }
0x13d: {  	v25 =	vmin.f32 v26, v32;
	v26 =	vmin.f32 v56, v58;
	v28 =	vmax.f32 v56, v58  }
0x13e: {  	p0 =	sne.s32 s17, $0x1;
	v30 =	vmin.f32 v57, v59;
	v60 =	vmax.f32 v57, v59;
	v61 =	vmin.f32 v46, v31  }
.Ltmp2:
0x13f: {  	v62 =	vmax.f32 v46, v31;
	v45 =	vmin.f32 v33, v44;
	v44 =	vmax.f32 v33, v44;
	(pc) =	sbr.rel @p0 .LBB2_7-.Ltmp2, $4  }
0x140: {  	v25 =	vmin.f32 v21, v25;
	v63 =	vmin.f32 v20, v22;
	v33 =	vmin.f32 v26, v30  }
0x141: {  	v31 =	vmax.f32 v26, v30;
	v26 =	vmin.f32 v28, v60;
	v22 =	vmax.f32 v28, v60  }
0x142: {  	v21 =	vmin.f32 v61, v45;
	v20 =	vmax.f32 v61, v45;
	v32 =	vmin.f32 v62, v44  }
0x143: {  	s17 =	sadd.s32 $0xFFFFFFFF, s17;
	v28 =	vmax.f32 v62, v44;
	v30 =	vmin.f32 v25, v63;
	v25 =	vmax.f32 v25, v63  }
0x144: {  	v40 =	vadd.s32 $0x2F0, v40;
	s17 =	simm.s32 $0x11  }
.LBB2_9:
0x145: {  	v41 =	vand.u32 $0x3FF, v40  }
0x146: {  	v42 =	vadd.s32 $0x1, v40;
	v43 =	vadd.s32 $0x2, v40;
	v44 =	vadd.s32 $0x3, v40  }
0x147: {  	v45 =	vadd.s32 $0x4, v40;
	v41 =	vor.u32 v1, v41;
	v42 =	vand.u32 $0x3FF, v42  }
0x148: {  	v46 =	vadd.s32 $0x5, v40;
	v43 =	vand.u32 $0x3FF, v43;
	v42 =	vor.u32 v1, v42  }
0x149: {  	v47 =	vadd.s32 $0x6, v40;
	v44 =	vand.u32 $0x3FF, v44;
	v43 =	vor.u32 v1, v43  }
0x14a: {  	v48 =	vadd.s32 $0x7, v40;
	v45 =	vand.u32 $0x3FF, v45;
	v44 =	vor.u32 v1, v44  }
0x14b: {  	v49 =	vadd.s32 $0x8, v40;
	v46 =	vand.u32 $0x3FF, v46;
	v45 =	vor.u32 v1, v45  }
0x14c: {  	v50 =	vand.u32 $0x7, v40;
	v47 =	vand.u32 $0x3FF, v47;
	v46 =	vor.u32 v1, v46;
	v41 =	vld.idx.msk [tilespmem:v41+s10+$0x0], $0xffff  }
0x14d: {  	v61 =	vadd.s32 $0x9, v40;
	v48 =	vand.u32 $0x3FF, v48;
	v47 =	vor.u32 v1, v47;
	v42 =	vld.idx.msk [tilespmem:v42+s10+$0x0], $0xffff  }
0x14e: {  	v51 =	vadd.s32 $0xA, v40;
	v52 =	vadd.s32 $0xB, v40;
	v48 =	vor.u32 v1, v48;
	v43 =	vld.idx.msk [tilespmem:v43+s10+$0x0], $0xffff  }
0x14f: {  	v53 =	vadd.s32 $0xC, v40;
	v54 =	vadd.s32 $0xD, v40;
	v55 =	vadd.s32 $0xE, v40;
	v44 =	vld.idx.msk [tilespmem:v44+s10+$0x0], $0xffff  }
0x150: {  	v56 =	vadd.s32 $0xF, v40;
	v40 =	vadd.s32 $0x10, v40;
	v49 =	vand.u32 $0x3F8, v49;
	v45 =	vld.idx.msk [tilespmem:v45+s10+$0x0], $0xffff  }
0x151: {  	v51 =	vand.u32 $0x3FF, v51;
	v52 =	vand.u32 $0x3FF, v52;
	v53 =	vand.u32 $0x3FF, v53;
	v46 =	vld.idx.msk [tilespmem:v46+s10+$0x0], $0xffff  }
0x152: {  	v54 =	vand.u32 $0x3FF, v54;
	v55 =	vand.u32 $0x3FF, v55;
	v56 =	vand.u32 $0x3FF, v56;
	v47 =	vld.idx.msk [tilespmem:v47+s10+$0x0], $0xffff  }
0x153: {  	v49 =	vor.u32 v49, v50;
	v50 =	vand.u32 $0x3FF, v61;
	v51 =	vor.u32 v1, v51;
	v48 =	vld.idx.msk [tilespmem:v48+s10+$0x0], $0xffff  }
0x154: {  	v52 =	vor.u32 v1, v52;
	v53 =	vor.u32 v1, v53;
	v54 =	vor.u32 v1, v54  }
0x155: {  	v55 =	vor.u32 v1, v55;
	v49 =	vor.u32 v1, v49;
	v50 =	vor.u32 v1, v50  }
0x156: {  	v57 =	vmax.f32 v41, v42;
	v41 =	vmin.f32 v41, v42;
	v62 =	vmax.f32 v43, v44  }
0x157: {  	v43 =	vmin.f32 v43, v44;
	v44 =	vor.u32 v1, v56;
	v60 =	vmax.f32 v45, v46  }
0x158: {  	v61 =	vmax.f32 v47, v48;
	v45 =	vmin.f32 v45, v46;
	v63 =	vmin.f32 v57, v62  }
0x159: {  	v58 =	vmax.f32 v41, v43;
	v42 =	vmax.f32 v57, v62;
	v41 =	vmin.f32 v41, v43  }
0x15a: {  	v53 =	vld.idx.msk [tilespmem:v53+s10+$0x0], $0xffff;
	v62 =	vmin.f32 v47, v48;
	v43 =	vmax.f32 v58, v63;
	v56 =	vmin.f32 v58, v63  }
0x15b: {  	v54 =	vld.idx.msk [tilespmem:v54+s10+$0x0], $0xffff;
	v63 =	vmax.f32 v60, v61;
	v60 =	vmin.f32 v60, v61;
	v61 =	vmax.f32 v45, v62  }
0x15c: {  	v48 =	vld.idx.msk [tilespmem:v50+s10+$0x0], $0xffff;
	v45 =	vmin.f32 v45, v62;
	v62 =	vmax.f32 v61, v60;
	v50 =	vmin.f32 v61, v60  }
0x15d: {  	v52 =	vld.idx.msk [tilespmem:v52+s10+$0x0], $0xffff;
	v57 =	vmax.f32 v42, v63;
	v42 =	vmin.f32 v42, v63;
	v63 =	vmax.f32 v56, v50  }
0x15e: {  	v49 =	vld.idx.msk [tilespmem:v49+s10+$0x0], $0xffff;
	v50 =	vmin.f32 v56, v50;
	v61 =	vmax.f32 v43, v62;
	v43 =	vmin.f32 v43, v62  }
0x15f: {  	v46 =	vld.idx.msk [tilespmem:v51+s10+$0x0], $0xffff;
	v62 =	vmax.f32 v41, v45;
	v41 =	vmin.f32 v41, v45;
	v60 =	vmax.f32 v63, v42  }
0x160: {  	v45 =	vld.idx.msk [tilespmem:v55+s10+$0x0], $0xffff;
	v42 =	vmin.f32 v63, v42;
	v63 =	vmax.f32 v62, v43;
	v43 =	vmin.f32 v62, v43  }
0x161: {  	v44 =	vld.idx.msk [tilespmem:v44+s10+$0x0], $0xffff;
	v62 =	vmax.f32 v53, v54;
	v53 =	vmin.f32 v53, v54;
	v51 =	vmax.f32 v61, v60  }
0x162: {  	v47 =	vmin.f32 v61, v60;
	v56 =	vmax.f32 v63, v42;
	v42 =	vmin.f32 v63, v42  }
0x163: {  	v55 =	vmax.f32 v43, v50;
	v43 =	vmin.f32 v43, v50;
	v59 =	vmax.f32 v49, v48  }
0x164: {  	v48 =	vmin.f32 v49, v48;
	v60 =	vmax.f32 v46, v52;
	v46 =	vmin.f32 v46, v52  }
0x165: {  	v52 =	vmax.f32 v59, v60;
	v49 =	vmin.f32 v59, v60;
	v61 =	vmax.f32 v48, v46  }
0x166: {  	v46 =	vmin.f32 v48, v46;
	v48 =	vmax.f32 v61, v49;
	v63 =	vmax.f32 v45, v44  }
0x167: {  	v44 =	vmin.f32 v45, v44;
	v45 =	vmin.f32 v61, v49;
	v59 =	vmin.f32 v62, v63  }
0x168: {  	v60 =	vmax.f32 v53, v44;
	v54 =	vmax.f32 v62, v63;
	v44 =	vmin.f32 v53, v44  }
0x169: {  	v61 =	vmin.f32 v60, v59;
	v49 =	vmax.f32 v60, v59;
	v62 =	vmin.f32 v52, v54  }
0x16a: {  	v52 =	vmax.f32 v52, v54;
	v63 =	vmax.f32 v45, v61;
	v45 =	vmin.f32 v45, v61  }
0x16b: {  	v61 =	vmin.f32 v48, v49;
	v48 =	vmax.f32 v48, v49;
	v60 =	vmax.f32 v63, v62  }
0x16c: {  	v50 =	vmin.f32 v63, v62;
	v62 =	vmax.f32 v46, v44;
	v44 =	vmin.f32 v46, v44  }
0x16d: {  	v63 =	vmax.f32 v62, v61;
	v59 =	vmin.f32 v62, v61;
	v54 =	vmax.f32 v48, v60  }
0x16e: {  	v48 =	vmin.f32 v48, v60;
	v60 =	vmin.f32 v57, v52;
	v52 =	vmax.f32 v57, v52  }
0x16f: {  	v53 =	vmax.f32 v63, v50;
	v46 =	vmin.f32 v63, v50;
	v50 =	vmax.f32 v59, v45  }
0x170: {  	v45 =	vmin.f32 v59, v45;
	v62 =	vmin.f32 v47, v48;
	v47 =	vmax.f32 v47, v48  }
0x171: {  	v61 =	vmax.f32 v42, v46;
	v42 =	vmin.f32 v42, v46;
	v63 =	vmax.f32 v43, v45  }
0x172: {  	v43 =	vmin.f32 v43, v45;
	v46 =	vmax.f32 v61, v60;
	v49 =	vmin.f32 v61, v60  }
0x173: {  	v60 =	vmax.f32 v63, v62;
	v61 =	vmin.f32 v63, v62;
	v62 =	vmin.f32 v51, v54  }
0x174: {  	v63 =	vmax.f32 v55, v50;
	v51 =	vmax.f32 v51, v54;
	v50 =	vmin.f32 v55, v50  }
0x175: {  	v57 =	vmax.f32 v47, v46;
	v46 =	vmin.f32 v47, v46;
	v47 =	vmax.f32 v60, v49  }
0x176: {  	v45 =	vmin.f32 v60, v49;
	v49 =	vmax.f32 v61, v42;
	v42 =	vmin.f32 v61, v42  }
0x177: {  	v60 =	vmax.f32 v63, v62;
	v48 =	vmin.f32 v63, v62;
	v61 =	vmin.f32 v56, v53  }
0x178: {  	v62 =	vmax.f32 v41, v44;
	v53 =	vmax.f32 v56, v53;
	v44 =	vmin.f32 v41, v44  }
0x179: {  	v63 =	vmax.f32 v62, v61;
	v55 =	vmin.f32 v62, v61;
	v56 =	vmax.f32 v53, v60  }
0x17a: {  	v53 =	vmin.f32 v53, v60;
	v60 =	vmax.f32 v63, v48;
	v41 =	vmin.f32 v63, v48  }
0x17b: {  	v61 =	vmax.f32 v55, v50;
	v50 =	vmin.f32 v55, v50;
	v55 =	vmax.f32 v51, v57  }
0x17c: {  	v51 =	vmin.f32 v51, v57;
	v62 =	vmax.f32 v56, v46;
	v46 =	vmin.f32 v56, v46  }
0x17d: {  	v63 =	vmax.f32 v53, v47;
	v47 =	vmin.f32 v53, v47;
	v53 =	vmax.f32 v60, v45  }
0x17e: {  	v45 =	vmin.f32 v60, v45;
	v54 =	vmax.f32 v41, v49;
	v49 =	vmin.f32 v41, v49  }
0x17f: {  	v58 =	vmax.f32 v61, v42;
	v48 =	vmin.f32 v61, v42;
	v59 =	vmax.f32 v50, v43  }
0x180: {  	v43 =	vmin.f32 v50, v43;
	v24 =	vmax.f32 v24, v47;
	v42 =	vmax.f32 v29, v46  }
0x181: {  	v29 =	vmin.f32 v29, v46;
	v60 =	vmax.f32 v27, v62;
	v27 =	vmin.f32 v27, v62  }
0x182: {  	v61 =	vmax.f32 v23, v51;
	v23 =	vmin.f32 v23, v51;
	v32 =	vmin.f32 v32, v47  }
0x183: {  	v39 =	vmax.f32 v39, v54;
	v37 =	vmax.f32 v37, v45;
	v35 =	vmax.f32 v35, v53  }
0x184: {  	v30 =	vmin.f32 v30, v45;
	v28 =	vmin.f32 v28, v53;
	v25 =	vmin.f32 v25, v54  }
0x185: {  	v53 =	vmin.f32 v21, v48;
	v21 =	vmax.f32 v21, v48;
	v54 =	vmin.f32 v20, v59  }
0x186: {  	v20 =	vmax.f32 v20, v59;
	v41 =	vmax.f32 v38, v35;
	v35 =	vmin.f32 v38, v35  }
0x187: {  	v38 =	vmax.f32 v36, v24;
	v24 =	vmin.f32 v36, v24;
	v36 =	vmax.f32 v34, v63  }
0x188: {  	v34 =	vmin.f32 v34, v63;
	v62 =	vmax.f32 v39, v55;
	v39 =	vmin.f32 v39, v55  }
0x189: {  	v55 =	vmax.f32 v37, v52;
	v37 =	vmin.f32 v37, v52;
	v45 =	vmin.f32 v33, v30  }
0x18a: {  	v30 =	vmax.f32 v33, v30;
	v52 =	vmin.f32 v22, v58;
	v22 =	vmax.f32 v22, v58  }
0x18b: {  	v63 =	vmax.f32 v41, v60;
	v46 =	vmin.f32 v41, v60;
	v60 =	vmax.f32 v38, v61  }
0x18c: {  	v38 =	vmin.f32 v38, v61;
	v61 =	vmax.f32 v36, v62;
	v36 =	vmin.f32 v36, v62  }
0x18d: {  	v62 =	vmax.f32 v42, v55;
	v55 =	vmin.f32 v42, v55;
	v27 =	vmax.f32 v35, v27  }
0x18e: {  	v23 =	vmax.f32 v24, v23;
	v24 =	vmax.f32 v34, v39;
	v29 =	vmax.f32 v29, v37  }
0x18f: {  	v21 =	vmin.f32 v30, v21;
	v41 =	vmax.f32 v63, v61;
	v63 =	vmin.f32 v63, v61  }
0x190: {  	v42 =	vmax.f32 v60, v62;
	v56 =	vmin.f32 v60, v62;
	v57 =	vmax.f32 v46, v36  }
0x191: {  	v46 =	vmin.f32 v46, v36;
	v60 =	vmax.f32 v38, v55;
	v61 =	vmin.f32 v38, v55  }
0x192: {  	v24 =	vmax.f32 v27, v24;
	v62 =	vmax.f32 v23, v29;
	v55 =	vmin.f32 v32, v43  }
0x193: {  	v32 =	vmax.f32 v32, v43;
	v38 =	vmax.f32 v41, v42;
	v36 =	vmin.f32 v41, v42  }
0x194: {  	v34 =	vmax.f32 v63, v56;
	v29 =	vmin.f32 v63, v56;
	v27 =	vmax.f32 v57, v60  }
0x195: {  	v23 =	vmin.f32 v57, v60;
	v39 =	vmax.f32 v46, v61;
	v37 =	vmin.f32 v46, v61  }
0x196: {  	v35 =	vmax.f32 v24, v62;
	v24 =	vmin.f32 v24, v62;
	v63 =	vmin.f32 v31, v25  }
0x197: {  	v25 =	vmax.f32 v31, v25;
	v31 =	vmin.f32 v26, v49;
	v26 =	vmax.f32 v26, v49  }
0x198: {  	v56 =	vmin.f32 v28, v44;
	v28 =	vmax.f32 v28, v44;
	v57 =	vmin.f32 v45, v53  }
0x199: {  	v45 =	vmax.f32 v45, v53;
	v58 =	vmin.f32 v63, v54;
	v33 =	vmax.f32 v63, v54  }
0x19a: {  	v59 =	vmin.f32 v31, v55;
	v31 =	vmax.f32 v31, v55;
	v60 =	vmin.f32 v52, v56  }
0x19b: {  	v46 =	vmax.f32 v52, v56;
	v20 =	vmin.f32 v25, v20;
	v25 =	vmin.f32 v26, v32  }
0x19c: {  	v22 =	vmin.f32 v22, v28;
	v43 =	vmin.f32 v57, v59;
	v28 =	vmax.f32 v57, v59  }
0x19d: {  	p0 =	sne.s32 s17, $0x1;
	v44 =	vmin.f32 v58, v60;
	v30 =	vmax.f32 v58, v60;
	v61 =	vmin.f32 v45, v31  }
.Ltmp3:
0x19e: {  	v45 =	vmax.f32 v45, v31;
	v62 =	vmin.f32 v33, v46;
	v46 =	vmax.f32 v33, v46;
	(pc) =	sbr.rel @p0 .LBB2_9-.Ltmp3, $4  }
0x19f: {  	v25 =	vmin.f32 v21, v25;
	v63 =	vmin.f32 v20, v22;
	v33 =	vmin.f32 v43, v44  }
0x1a0: {  	v31 =	vmax.f32 v43, v44;
	v26 =	vmin.f32 v28, v30;
	v22 =	vmax.f32 v28, v30  }
0x1a1: {  	v21 =	vmin.f32 v61, v62;
	v20 =	vmax.f32 v61, v62;
	v32 =	vmin.f32 v45, v46  }
0x1a2: {  	s17 =	sadd.s32 $0xFFFFFFFF, s17;
	v28 =	vmax.f32 v45, v46;
	v30 =	vmin.f32 v25, v63;
	v25 =	vmax.f32 v25, v63  }
0x1a3: {  	v31 =	vadd.f32 v42, v41;
	v33 =	vadd.f32 v44, v43;
	_ =	sdelay $0x1  }
0x1a4: {  	v31 =	vadd.f32 v34, v31;
	v26 =	vadd.f32 v26, v33;
	_ =	sdelay $0x1  }
0x1a5: {  	v29 =	vadd.f32 v29, v31;
	v22 =	vadd.f32 v22, v26;
	_ =	sdelay $0x1  }
0x1a6: {  	v61 =	vadd.f32 v27, v29;
	v21 =	vadd.f32 v21, v22;
	_ =	sdelay $0x1  }
0x1a7: {  	v62 =	vadd.f32 v23, v61;
	v20 =	vadd.f32 v20, v21;
	_ =	sdelay $0x1  }
0x1a8: {  	v63 =	vadd.f32 v39, v62;
	v20 =	vadd.f32 v32, v20;
	_ =	sdelay $0x1  }
0x1a9: {  	v21 =	vadd.f32 v37, v63;
	v20 =	vadd.f32 v28, v20;
	_ =	sdelay $0x1  }
0x1aa: {  	v21 =	vadd.f32 v35, v21;
	v20 =	vadd.f32 v30, v20;
	_ =	sdelay $0x1  }
0x1ab: {  	v21 =	vadd.f32 v24, v21;
	v20 =	vadd.f32 v25, v20;
	_ =	sdelay $0x1  }
0x1ac: {  	v21 =	vmul.f32 v21, v16;
	v20 =	vmul.f32 v20, v16  }
0x1ad: {  	p0 =	sne.s32 s16, $0x18  }
.Ltmp4:
0x1ae: {  	v20 =	vadd.f32 v20, v21;
	(pc) =	sbr.rel @p0 .LBB2_2-.Ltmp4, $3  }
0x1af: {  	_ = 	snop  }
0x1b0: {  	v20 =	vmul.f32 $5.000000000e-01, v20;
	_ =	sdelay $0x1  }
0x1b1: {  	[tilespmem:s15+$0x8000] =	vst v20  }
0x1b2: {  	s14 =	sadd.s32 $0x1, s14  }
0x1b3: {  	p0 =	sne.s32 s14, s8  }
.Ltmp5:
0x1b4: {  	_ = 	snop;
	(pc) =	sbr.rel @p0 .LBB2_1-.Ltmp5, $4  }
0x1b5: {  	[hbm4b:s7+s1] =	stream.linear.scatter [tilespmem:s12], [sflag:$0x3], $0x300, $0x38;
	[tilespmem:$0x8300] =	vst v63  }
0x1b6: {  	_ =	swait.ge [sflag:s13], $0x300  }
0x1b7: {  	[sflag:s13] =	ssyncset.done $0x0  }
0x1b8: {  	[sflag:s13] =	ssyncadd.s32 $0xFFFFFD00  }
0x1b9: {  	_ =	sfence.sel $0x180000  }
0x1ba: {  	[bflag:$0x0] =	sbarrier.arrive $0xFFFF  }
0x1bb: {  	p0 =	sne.s32 s2, $0x0;
	_ =	strace $0x90000050  }
0x1bc: {  	s0 =	sadd.s32 @!p0 $0x100000, s0;
	[bflag:$0x2] =	sbarrier.arrive $0xFFFF  }
0x1bd: {  	[sflag:s0] =	ssyncadd.tile.s32 @!p0 $0x1;
	_ =	shalt  }
.Lfunc_end2:
_tile_overlayer_lowered:
.L_overlay_start_2:
0x1be: {  	(tag) =	ssettag $0x2  }
0x1bf: {  	s0 =	rddreg [dreg:$0x0];
	s2 =	stileid.u32  }
0x1c0: {  	s1 =	rddreg [dreg:$0x1];
	p0 =	sne.s32 s2, $0x0  }
0x1c1: {  	s3 =	rddreg [dreg:$0x2];
	[bflag:$0x3] =	sbarrier.arrive $0xFFFF;
	s2 =	simm.s32 @!p0 $0x1C03  }
0x1c2: {  	[timem:s3], [sflag:s2] =	dma.local @!p0 [hbm:s0], s1  }
0x1c3: {  	s0 =	simm.s32 @!p0 $0x3  }
0x1c4: {  	_ =	swait.ge @!p0 [sflag:s0], s1  }
0x1c5: {  	s1 =	ssub.s32 @!p0 $0x0, s1;
	[sflag:s0] =	ssyncset.done @!p0 $0x0  }
0x1c6: {  	[sflag:s0] =	ssyncadd.s32 @!p0 s1  }
0x1c7: {  	[bflag:$0x3] =	sbarrier.arrive $0xFFFF  }
0x1c8: {  	_ =	shalt  }

// kernel: sparse-core-data-format-call.1.cloned.1.call-start
scs
called_computation.1_lowered:
.L_overlay_start_0:
0x0: {  	s1 =	sld [smem:$0x3FD9]  }
0x1: {  	s2 =	sld [smem:$0x3FFE];
	_ =	sdelay $0x1  }
0x2: {  	s3 =	srdreg.scid  }
0x3: {  	s0 =	sand.u32 $0x1, s3  }
0x4: {  	s17 =	sshll.u32 s0, $0xA;
	s1 =	sadd.s32 s2, s1  }
0x5: {  	s1 =	sadd.s32 s1, s17  }
0x6: {  	[smem:$0x3FC7] =	sst s1  }
0x7: {  	_ = 	snop  }
0x8: {  	(tm) =	ssettm $0x1  }
0x9: {  	s18 =	sld [smem:$0x3FFB];
	_ =	sdelay $0x3  }
0xa: {  	_ =	strace s18  }
0xb: {  	s1 =	sld [smem:$0x3FFC];
	_ =	sdelay $0x3  }
0xc: {  	_ =	strace s1  }
0xd: {  	s1 =	sld [smem:$0x3FFD];
	_ =	sdelay $0x3  }
0xe: {  	_ =	strace s1  }
0xf: {  	_ =	strace $0x8FFFFFFF  }
0x10: {  	s19 =	sld [smem:$0x3FDB];
	_ =	sdelay $0x1  }
0x11: {  	s20 =	simm.s32 $_scs_section_size  }
0x12: {  	s4 =	simm.s32 $_size__tile_overlayer_lowered;
	s5 =	simm.s32 $_tile_overlayer_lowered  }
0x13: {  	s23 =	simm.s32 $0x1BFF;
	s22 =	sshll.u32 s5, $0x1;
	s1 =	sadd.s32 s20, s19  }
0x14: {  	s6 =	simm.s32 $0x0;
	s21 =	sshll.u32 s4, $0x1;
	s4 =	sadd.s32 s22, s1  }
0x15: {  	[timem:s6], [sflag:s23] =	dma.local [hbm:s4], s21  }
0x16: {  	_ =	swait.ge [sflag:s23], s21  }
0x17: {  	s2 =	ssub.s32 $0x0, s21;
	[sflag:s23] =	ssyncset.done $0x0  }
0x18: {  	[sflag:s23] =	ssyncadd.s32 s2;
	_ =	sdelay $0x1  }
0x19: {  	s24 =	simm.s32 $0x1B8B  }
0x1a: {  	_ =	swait.ge [sflag:s24], $0x1  }
0x1b: {  	[sflag:s24] =	ssyncset.done $0x0  }
0x1c: {  	s26 =	simm.s32 $0x1B8E;
	s25 =	sld [smem:$0x3FFE];
	[sflag:s24] =	ssyncadd.s32 $0xFFFFFFFF  }
0x1d: {  	s27 =	simm.s32 $execute0_lowered;
	[smem:$0x3FD2] =	sst s26  }
0x1e: {  	s4 =	sshll.u32 s27, $0x1;
	_ =	strace $0x80000049;
	[dreg:$0x1] =	wrdreg $0xFFFFFFFF  }
0x1f: {  	s28 =	simm.s32 $_size_execute0_lowered;
	s1 =	sadd.s32 s1, s4;
	[dreg:$0x0] =	wrdreg $0x0  }
0x20: {  	s4 =	sshll.u32 s28, $0x1;
	[dreg:$0x2] =	wrdreg s1  }
0x21: {  	[dreg:$0x3] =	wrdreg s4  }
0x22: {  	[dreg:$0x4] =	wrdreg $0xC0  }
0x23: {  	_ =	task [dreg:s6], $0x5FFFF  }
0x24: {  	[dreg:$0x1] =	wrdreg $0xFFFFFFFF  }
0x25: {  	[dreg:$0x0] =	wrdreg $0x60  }
0x26: {  	[dreg:$0x2] =	wrdreg s25  }
0x27: {  	[dreg:$0x3] =	wrdreg $0x9  }
0x28: {  	_ =	task.clear_ibuf [dreg:s6], $0x4FFFF;
	_ =	strace $0x90000049  }
0x29: {  	s29 =	simm.s32 $0x9;
	_ =	strace $0x8000004B  }
0x2a: {  	_ =	swait.ge [sflag:s29], $0x1  }
0x2b: {  	[sflag:s29] =	ssyncadd.s32 $0xFFFFFFFF  }
0x2c: {  	_ =	strace $0x9000004B  }
0x2d: {  	_ =	sfence  }
0x2e: {  	s30 =	sld [smem:$0x0];
	_ =	sdelay $0x2  }
0x2f: {  	s31 =	sshll.u32 s3, $0xD;
	s3 =	sshrl.u32 s3, $0x2  }
0x30: {  	s2 =	sand.u32 $0x4000, s31;
	s1 =	sadd.s32 s3, s30  }
0x31: {  	s0 =	sor.u32 s2, s0;
	s1 =	sshll.u32 s1, $0x11  }
0x32: {  	s0 =	sor.u32 s1, s0  }
0x33: {  	s0 =	sadd.s32 $0x8F2B, s0  }
0x34: {  	[sflag:s0] =	ssyncadd.remote.s32 $0x1  }
0x35: {  	_ =	sfence.sel $0xFFFF  }
0x36: {  	[dreg:$0x0] =	wrdreg $0xFFFFFFFF;
	(pc) =	sbr.abs _section_cstart, $3  }
0x37: {  	[dreg:$0x1] =	wrdreg $0xFFFFFFFF  }
0x38: {  	_ =	task.clear_ibuf [dreg:s6], $0x2FFFF;
	_ =	strace $0x9FFFFFFF  }
0x39: {  	(tm) =	ssettm $0x7FFFFFFF  }
tec
execute0_lowered:
.L_overlay_start_1:
0x0: {  	(tag) =	ssettag $0x1  }
0x1: {  	s0 =	stileid.u32;
	s1 =	srdreg.scid  }
0x2: {  	s7 =	rddreg [dreg:$0x0];
	s31 =	simm.s32 $0x2;
	s14 =	simm.s32 $0x0  }
0x3: {  	s13 =	simm.s32 $0x0;
	s12 =	simm.s32 $0x0;
	s2 =	sshll.u32 s0, $0x7  }
0x4: {  	s3 =	sshll.u32 s0, $0x4;
	s1 =	sshll.u32 s1, $0x8;
	s2 =	sand.u32 $0x380, s2  }
0x5: {  	s3 =	sor.u32 s3, s1;
	s1 =	rddreg [dreg:$0x1];
	_ =	strace $0x8000004A  }
0x6: {  	s3 =	sand.u32 $0x180, s3;
	s4 =	ssub.s32 $0x400, s2;
	s11 =	smov.u32 s2  }
0x7: {  	s5 =	sand.u32 $0x380, s4;
	s6 =	ssub.s32 $0x6000, s3;
	s9 =	sshrl.u32 s4, $0xA  }
0x8: {  	p0 =	sne.s32 s5, $0x0;
	s5 =	simm.s32 $0x1;
	s8 =	sand.u32 $0x180, s6  }
0x9: {  	s5 =	simm.s32 @!p0 $0x0;
	p0 =	sne.s32 s8, $0x0;
	s8 =	simm.s32 $0x1  }
.Ltmp0:
0xa: {  	s6 =	sshrl.u32 s6, $0x9;
	s8 =	simm.s32 @!p0 $0x0;
	(pc) =	sbr.rel .LBB1_1-.Ltmp0, $4  }
0xb: {  	s4 =	simm.s32 $0x1;
	s5 =	sadd.s32 s5, s9;
	s6 =	sadd.s32 s8, s6  }
0xc: {  	s10 =	smov.u32 s3;
	[sflag:s4] =	ssyncpa.u1 $0x0;
	s5 =	smul.u32 s5, s6  }
0xd: {  	[sflag:s31] =	ssyncpa.u1 $0x0;
	p0 =	por $0x0, $0x0;
	s9 =	simm.s32 $0x2000  }
0xe: {  	s6 =	sadd.s32 $0x301000, s7;
	s7 =	sadd.s32 $0x1000, s7;
	s8 =	sadd.s32 $0x1, s5  }
.LBB1_4:
0xf: {  	v5 =	vld [tilespmem:s18+$0xFFFFFFD0];
	[tilespmem:s17+$0x2040 ss:$0x81] =	vst.msk $0xffff, v4;
	s20 =	sshll.u32 s14, $0xA;
	s21 =	sshll.u32 s13, $0x3  }
0x10: {  	v58 =	vld [tilespmem:s18+$0xFFFFFFE0];
	[tilespmem:s17+$0x2850 ss:$0x81] =	vst.msk $0xffff, v3;
	s20 =	sand.u32 $0xFFFFE000, s20;
	s21 =	sand.u32 $0xFFFFFC00, s21  }
0x11: {  	s19 =	sshra.s32 s19, $0x2;
	v59 =	vld [tilespmem:s18+$0xFFFFFFF0];
	[tilespmem:s17+$0x3060 ss:$0x81] =	vst.msk $0xffff, v2;
	s20 =	sadd.s32 s21, s20  }
0x12: {  	v60 =	vld [tilespmem:s18+$0x0];
	[tilespmem:s17+$0x0 ss:$0x81] =	vst.msk $0xffff, v0;
	s16 =	sadd.s32 s19, s16;
	s26 =	sshrl.u32 s20, $0xA  }
0x13: {  	v61 =	vld [tilespmem:s18+$0x10];
	[tilespmem:s16+$0x3870 ss:$0x81] =	vst.msk $0xffff, v1;
	s27 =	smulhi.u32 $0x2AAAAB, s26  }
0x14: {  	v62 =	vld [tilespmem:s18+$0x20];
	[tilespmem:s16+$0x810 ss:$0x81] =	vst.msk $0xffff, v5  }
0x15: {  	v63 =	vld [tilespmem:s18+$0xFFFFFFC0];
	s28 =	sshll.u32 s14, $0x7;
	[tilespmem:s16+$0x1020 ss:$0x81] =	vst.msk $0xffff, v58;
	s29 =	sshrl.u32 s27, $0x4  }
0x16: {  	s30 =	sand.u32 $0x78, s13;
	s14 =	sand.u32 $0x380, s28;
	[tilespmem:s16+$0x1830 ss:$0x81] =	vst.msk $0xffff, v59;
	s18 =	smul.u32 $0x6000, s29  }
0x17: {  	s14 =	sor.u32 s30, s14;
	[tilespmem:s16+$0x2040 ss:$0x81] =	vst.msk $0xffff, v60  }
0x18: {  	s31 =	sand.u32 $0x7, s13;
	s14 =	sshrl.u32 s14, $0x3;
	[tilespmem:s16+$0x2850 ss:$0x81] =	vst.msk $0xffff, v61;
	s17 =	ssub.s32 s26, s18  }
0x19: {  	s13 =	sshll.u32 s31, $0x12;
	s14 =	sadd.s32 s7, s14;
	[tilespmem:s16+$0x3060 ss:$0x81] =	vst.msk $0xffff, v62;
	s17 =	sshll.u32 s17, $0x7  }
0x1a: {  	s13 =	sor.u32 $0x400, s13;
	[tilespmem:s16+$0x0 ss:$0x81] =	vst.msk $0xffff, v63;
	s14 =	sadd.s32 s17, s14  }
0x1b: {  	[hbm4b:s14+s13] =	stream.strided.scatter [tilespmem:s15], [sflag:$0x2], $0x4000, s9, s13, $0x20;
	[tilespmem:$0x10100] =	vst v63  }
.LBB1_5:
0x1c: {  	s15 =	sadd.s32 $0x200, s10  }
0x1d: {  	s13 =	sadd.s32 $0x400, s11;
	s17 =	smov.u32 s11;
	p2 =	sgt.s32 s15, $0x5FFF  }
0x1e: {  	s17 =	smov.u32 @p2 s13  }
0x1f: {  	s15 =	smov.u32 @p2 s3;
	p2 =	sgt.s32 s17, $0x3FF  }
0x20: {  	s17 =	smov.u32 @p2 s2;
	p2 =	sne.s32 s12, s8  }
.Ltmp1:
0x21: {  	p1 =	slt.u32 s12, $0x2;
	(pc) =	sbr.rel @!p2 .LBB1_6-.Ltmp1, $4  }
0x22: {  	s16 =	simm.s32 @!p1 $0x2  }
0x23: {  	s14 =	smov.u32 s10;
	p0 =	por !p0, !p0;
	_ =	swait.ge @!p1 [sflag:s16], $0x4000  }
0x24: {  	s13 =	smov.u32 s11;
	[sflag:s16] =	ssyncset.done @!p1 $0x0;
	s10 =	smov.u32 s15  }
0x25: {  	s12 =	sadd.s32 $0x1, s12;
	[sflag:s16] =	ssyncadd.s32 @!p1 $0xFFFFC000;
	s11 =	smov.u32 s17  }
.LBB1_1:
0x26: {  	p1 =	sge.u32 s12, s5  }
0x27: {  	s15 =	sshrl.u32 @!p1 s11, $0x3  }
0x28: {  	s16 =	sshll.u32 @!p1 s10, $0x3;
	s17 =	sshll.u32 @!p1 s11, $0x7;
	s15 =	smul.u32 @!p1 $0x30000, s15  }
0x29: {  	s18 =	sand.u32 @!p1 $0x7F, s10;
	s16 =	sand.u32 @!p1 $0xFFFFFC00, s16;
	s17 =	sand.u32 @!p1 $0x380, s17  }
0x2a: {  	s15 =	sadd.s32 @!p1 s15, s16;
	s16 =	sor.u32 @!p1 s18, s17  }
0x2b: {  	s16 =	sor.u32 @!p1 s15, s16  }
0x2c: {  	s17 =	smulhi.u32 @!p1 $0xAAAAAAAB, s16;
	_ =	sdelay $0x1  }
0x2d: {  	s15 =	smulhi.u32 @!p1 $0xAAAAAAAB, s15;
	s17 =	sshrl.u32 @!p1 s17, $0xE  }
0x2e: {  	s17 =	smul.u32 @!p1 $0x6000, s17  }
0x2f: {  	s31 =	sadd.s32 $0xFFFFFFFF, s12;
	s18 =	sxor.u32 @!p1 $0xFFFFFFFF, s12;
	s15 =	sshrl.u32 @!p1 s15, $0xE  }
0x30: {  	s18 =	sshll.u32 @!p1 s18, $0xE;
	s15 =	sand.u32 @!p1 $0x3FF, s15;
	s16 =	ssub.s32 @!p1 s16, s17  }
0x31: {  	s15 =	smul.u32 @!p1 $0xC00, s15;
	s17 =	sshrl.u32 @!p1 s16, $0x3;
	s16 =	sand.u32 @!p1 $0x7, s16  }
0x32: {  	s18 =	sand.u32 @!p1 $0x4000, s18;
	s17 =	sadd.s32 @!p1 s6, s17;
	s16 =	sshll.u32 @!p1 s16, $0x12  }
0x33: {  	s15 =	sadd.s32 @!p1 s15, s17;
	s16 =	sor.u32 @!p1 $0x400, s16;
	s17 =	simm.s32 @!p1 $0x30000  }
0x34: {  	[tilespmem:s18], [sflag:$0x1] =	stream.strided.gather @!p1 [hbm4b:s15+s16], $0x4000, s17, s16, $0x38;
	[tilespmem:$0x10100] =	vst v63  }
0x35: {  	p1 =	sge.u32 s31, s5  }
.Ltmp2:
0x36: {  	_ = 	snop;
	(pc) =	sbr.rel @p1 .LBB1_5-.Ltmp2, $1  }
0x37: {  	_ =	sdelay $0x3  }
0x38: {  	s15 =	simm.s32 $0x1  }
0x39: {  	_ =	swait.ge [sflag:s4], $0x4000;
	s15 =	simm.s32 @!p0 $0x0  }
0x3a: {  	[sflag:s4] =	ssyncset.done $0x0;
	s16 =	sshll.u32 s15, $0xE  }
0x3b: {  	[sflag:s4] =	ssyncadd.s32 $0xFFFFC000;
	s18 =	sor.u32 $0x40, s16  }
0x3c: {  	s15 =	smul.u32 $0x10200, s15;
	v0 =	vld [tilespmem:s18+$0x30]  }
0x3d: {  	v1 =	vld [tilespmem:s18+$0xFFFFFFD0]  }
0x3e: {  	s15 =	sshrl.u32 s15, $0x2;
	v5 =	vld [tilespmem:s18+$0xFFFFFFE0]  }
0x3f: {  	v6 =	vld [tilespmem:s18+$0xFFFFFFF0];
	s16 =	sor.u32 $0x8000, s15  }
0x40: {  	s31 =	sand.u32 $0x1, s12;
	v4 =	vld [tilespmem:s18+$0x0];
	s17 =	sadd.s32 $0x0, s16  }
0x41: {  	v3 =	vld [tilespmem:s18+$0x10];
	s15 =	smul.u32 $0x10200, s31;
	[tilespmem:s17+$0x3870 ss:$0x81] =	vst.msk $0xffff, v0  }
0x42: {  	v2 =	vld [tilespmem:s18+$0x20];
	[tilespmem:s17+$0x810 ss:$0x81] =	vst.msk $0xffff, v1  }
0x43: {  	s15 =	sshrl.u32 s15, $0x2;
	v0 =	vld [tilespmem:s18+$0xFFFFFFC0];
	[tilespmem:s17+$0x1020 ss:$0x81] =	vst.msk $0xffff, v5;
	s18 =	sadd.s32 $0x80, s18  }
0x44: {  	s19 =	simm.s32 $0x4;
	s20 =	simm.s32 $0x8;
	s15 =	sor.u32 $0x8000, s15;
	[tilespmem:s17+$0x1830 ss:$0x81] =	vst.msk $0xffff, v6;
	v1 =	vld [tilespmem:s18+$0x30]  }
.LBB1_3:
0x45: {  	p1 =	sne.s32 s20, $0x1FC;
	v5 =	vld [tilespmem:s18+$0xFFFFFFD0];
	[tilespmem:s17+$0x2040 ss:$0x81] =	vst.msk $0xffff, v4  }
0x46: {  	v6 =	vld [tilespmem:s18+$0xFFFFFFE0];
	[tilespmem:s17+$0x2850 ss:$0x81] =	vst.msk $0xffff, v3  }
0x47: {  	s21 =	sshra.s32 s19, $0x2;
	s19 =	smov.u32 s20;
	v7 =	vld [tilespmem:s18+$0xFFFFFFF0];
	[tilespmem:s17+$0x3060 ss:$0x81] =	vst.msk $0xffff, v2  }
.Ltmp3:
0x48: {  	v4 =	vld [tilespmem:s18+$0x0];
	[tilespmem:s17+$0x0 ss:$0x81] =	vst.msk $0xffff, v0;
	s17 =	sadd.s32 s21, s16;
	(pc) =	sbr.rel @p1 .LBB1_3-.Ltmp3, $4  }
0x49: {  	v3 =	vld [tilespmem:s18+$0x10];
	[tilespmem:s17+$0x3870 ss:$0x81] =	vst.msk $0xffff, v1  }
0x4a: {  	[tilespmem:s17+$0x810 ss:$0x81] =	vst.msk $0xffff, v5;
	v2 =	vld [tilespmem:s18+$0x20]  }
0x4b: {  	v0 =	vld [tilespmem:s18+$0xFFFFFFC0];
	[tilespmem:s17+$0x1020 ss:$0x81] =	vst.msk $0xffff, v6;
	s18 =	sadd.s32 $0x80, s18  }
0x4c: {  	s20 =	sadd.s32 $0x4, s20;
	v1 =	vld [tilespmem:s18+$0x30];
	[tilespmem:s17+$0x1830 ss:$0x81] =	vst.msk $0xffff, v7  }
.Ltmp4:
0x4d: {  	_ = 	snop;
	(pc) =	sbr.rel .LBB1_4-.Ltmp4, $1  }
0x4e: {  	_ =	sdelay $0x3  }
.LBB1_6:
0x4f: {  	_ =	sfence.sel $0x180000  }
0x50: {  	s2 =	simm.s32 $0x1;
	[bflag:$0x0] =	sbarrier.arrive $0xFFFF  }
0x51: {  	s31 =	simm.s32 $0x2;
	[sflag:s2] =	ssyncpa.u1 $0x1  }
0x52: {  	[sflag:s31] =	ssyncpa.u1 $0x1  }
0x53: {  	p0 =	sne.s32 s0, $0x0;
	_ =	strace $0x9000004A  }
0x54: {  	s0 =	sadd.s32 @!p0 $0x100000, s1;
	[bflag:$0x2] =	sbarrier.arrive $0xFFFF  }
0x55: {  	[sflag:s0] =	ssyncadd.tile.s32 @!p0 $0x1;
	_ =	shalt  }
.Lfunc_end1:
_tile_overlayer_lowered:
.L_overlay_start_2:
0x56: {  	(tag) =	ssettag $0x2  }
0x57: {  	s0 =	rddreg [dreg:$0x0];
	s2 =	stileid.u32  }
0x58: {  	s1 =	rddreg [dreg:$0x1];
	p0 =	sne.s32 s2, $0x0  }
0x59: {  	s3 =	rddreg [dreg:$0x2];
	[bflag:$0x3] =	sbarrier.arrive $0xFFFF;
	s2 =	simm.s32 @!p0 $0x1C01  }
0x5a: {  	[timem:s3], [sflag:s2] =	dma.local @!p0 [hbm:s0], s1  }
0x5b: {  	s0 =	simm.s32 @!p0 $0x1  }
0x5c: {  	_ =	swait.ge @!p0 [sflag:s0], s1  }
0x5d: {  	s1 =	ssub.s32 @!p0 $0x0, s1;
	[sflag:s0] =	ssyncset.done @!p0 $0x0  }
0x5e: {  	[sflag:s0] =	ssyncadd.s32 @!p0 s1  }
0x5f: {  	[bflag:$0x3] =	sbarrier.arrive $0xFFFF  }
0x60: {  	_ =	shalt  }

// kernel: sparse-core-data-format-call.2.cloned.1.call-start
scs
called_computation.2_lowered:
.L_overlay_start_0:
0x0: {  	s1 =	sld [smem:$0x3FD9]  }
0x1: {  	s2 =	sld [smem:$0x3FFE];
	_ =	sdelay $0x1  }
0x2: {  	s3 =	srdreg.scid  }
0x3: {  	s0 =	sand.u32 $0x1, s3  }
0x4: {  	s17 =	sshll.u32 s0, $0xA;
	s1 =	sadd.s32 s2, s1  }
0x5: {  	s1 =	sadd.s32 s1, s17  }
0x6: {  	[smem:$0x3FC7] =	sst s1  }
0x7: {  	_ = 	snop  }
0x8: {  	(tm) =	ssettm $0x1  }
0x9: {  	s18 =	sld [smem:$0x3FFB];
	_ =	sdelay $0x3  }
0xa: {  	_ =	strace s18  }
0xb: {  	s1 =	sld [smem:$0x3FFC];
	_ =	sdelay $0x3  }
0xc: {  	_ =	strace s1  }
0xd: {  	s1 =	sld [smem:$0x3FFD];
	_ =	sdelay $0x3  }
0xe: {  	_ =	strace s1  }
0xf: {  	_ =	strace $0x8FFFFFFF  }
0x10: {  	s19 =	sld [smem:$0x3FDB];
	_ =	sdelay $0x1  }
0x11: {  	s20 =	simm.s32 $_scs_section_size  }
0x12: {  	s4 =	simm.s32 $_size__tile_overlayer_lowered;
	s5 =	simm.s32 $_tile_overlayer_lowered  }
0x13: {  	s23 =	simm.s32 $0x1BFF;
	s22 =	sshll.u32 s5, $0x1;
	s1 =	sadd.s32 s20, s19  }
0x14: {  	s6 =	simm.s32 $0x0;
	s21 =	sshll.u32 s4, $0x1;
	s4 =	sadd.s32 s22, s1  }
0x15: {  	[timem:s6], [sflag:s23] =	dma.local [hbm:s4], s21  }
0x16: {  	_ =	swait.ge [sflag:s23], s21  }
0x17: {  	s2 =	ssub.s32 $0x0, s21;
	[sflag:s23] =	ssyncset.done $0x0  }
0x18: {  	[sflag:s23] =	ssyncadd.s32 s2;
	_ =	sdelay $0x1  }
0x19: {  	s24 =	simm.s32 $0x1B8B  }
0x1a: {  	_ =	swait.ge [sflag:s24], $0x1  }
0x1b: {  	[sflag:s24] =	ssyncset.done $0x0  }
0x1c: {  	s26 =	simm.s32 $0x1B8E;
	s25 =	sld [smem:$0x3FFE];
	[sflag:s24] =	ssyncadd.s32 $0xFFFFFFFF  }
0x1d: {  	s27 =	simm.s32 $execute0_lowered;
	[smem:$0x3FD2] =	sst s26  }
0x1e: {  	s4 =	sshll.u32 s27, $0x1;
	_ =	strace $0x80000046;
	[dreg:$0x1] =	wrdreg $0xFFFFFFFF  }
0x1f: {  	s28 =	simm.s32 $_size_execute0_lowered;
	s1 =	sadd.s32 s1, s4;
	[dreg:$0x0] =	wrdreg $0x0  }
0x20: {  	s4 =	sshll.u32 s28, $0x1;
	[dreg:$0x2] =	wrdreg s1  }
0x21: {  	[dreg:$0x3] =	wrdreg s4  }
0x22: {  	[dreg:$0x4] =	wrdreg $0xC0  }
0x23: {  	_ =	task [dreg:s6], $0x5FFFF  }
0x24: {  	[dreg:$0x1] =	wrdreg $0xFFFFFFFF  }
0x25: {  	[dreg:$0x0] =	wrdreg $0x60  }
0x26: {  	[dreg:$0x2] =	wrdreg s25  }
0x27: {  	[dreg:$0x3] =	wrdreg $0x9  }
0x28: {  	_ =	task.clear_ibuf [dreg:s6], $0x4FFFF;
	_ =	strace $0x90000046  }
0x29: {  	s29 =	simm.s32 $0x9;
	_ =	strace $0x80000048  }
0x2a: {  	_ =	swait.ge [sflag:s29], $0x1  }
0x2b: {  	[sflag:s29] =	ssyncadd.s32 $0xFFFFFFFF  }
0x2c: {  	_ =	strace $0x90000048  }
0x2d: {  	_ =	sfence  }
0x2e: {  	s30 =	sld [smem:$0x0];
	_ =	sdelay $0x2  }
0x2f: {  	s31 =	sshll.u32 s3, $0xD;
	s3 =	sshrl.u32 s3, $0x2  }
0x30: {  	s2 =	sand.u32 $0x4000, s31;
	s1 =	sadd.s32 s3, s30  }
0x31: {  	s0 =	sor.u32 s2, s0;
	s1 =	sshll.u32 s1, $0x11  }
0x32: {  	s0 =	sor.u32 s1, s0  }
0x33: {  	s0 =	sadd.s32 $0x8F2B, s0  }
0x34: {  	[sflag:s0] =	ssyncadd.remote.s32 $0x1  }
0x35: {  	_ =	sfence.sel $0xFFFF  }
0x36: {  	[dreg:$0x0] =	wrdreg $0xFFFFFFFF;
	(pc) =	sbr.abs _section_cstart, $3  }
0x37: {  	[dreg:$0x1] =	wrdreg $0xFFFFFFFF  }
0x38: {  	_ =	task.clear_ibuf [dreg:s6], $0x2FFFF;
	_ =	strace $0x9FFFFFFF  }
0x39: {  	(tm) =	ssettm $0x7FFFFFFF  }
tec
execute0_lowered:
.L_overlay_start_1:
0x0: {  	(tag) =	ssettag $0x1  }
0x1: {  	s1 =	rddreg [dreg:$0x0]  }
0x2: {  	s0 =	rddreg [dreg:$0x1]  }
0x3: {  	_ =	strace $0x80000047;
	s4 =	srdreg.scid;
	s6 =	simm.s32 $0x2  }
0x4: {  	s13 =	simm.s32 $0x0;
	p0 =	por $0x0, $0x0;
	s12 =	simm.s32 $0x0  }
0x5: {  	s15 =	simm.s32 $0x0;
	s14 =	simm.s32 $0x0;
	s8 =	simm.s32 $0x0  }
.Ltmp0:
0x6: {  	s9 =	simm.s32 $0x0;
	s10 =	simm.s32 $0x0;
	(pc) =	sbr.rel .LBB1_1-.Ltmp0, $4  }
0x7: {  	s2 =	sadd.s32 $0x1000, s1;
	s3 =	sadd.s32 $0x301000, s1;
	s5 =	sshll.u32 s4, $0x4  }
0x8: {  	s1 =	stileid.u32;
	s4 =	simm.s32 $0x1;
	s5 =	sand.u32 $0x10, s5  }
0x9: {  	s7 =	simm.s32 $0x0;
	[sflag:s4] =	ssyncpa.u1 $0x0;
	s5 =	sor.u32 s1, s5  }
0xa: {  	[sflag:s6] =	ssyncpa.u1 $0x0;
	s6 =	simm.s32 $0x1800;
	s11 =	smov.u32 s5  }
.LBB1_7:
0xb: {  	s16 =	sadd.s32 $0x80, s8  }
0xc: {  	s12 =	sadd.s32 $0x20, s9;
	s17 =	smov.u32 s9;
	p2 =	sgt.s32 s16, $0x2FF  }
0xd: {  	s17 =	smov.u32 @p2 s12  }
0xe: {  	s18 =	smov.u32 s10;
	s12 =	sadd.s32 $0x4, s10;
	p3 =	sgt.s32 s17, $0x1F  }
0xf: {  	s18 =	smov.u32 @p3 s12  }
0x10: {  	s19 =	smov.u32 s11;
	s12 =	sadd.s32 $0x20, s11;
	p4 =	sgt.s32 s18, $0x7  }
0x11: {  	p1 =	slt.u32 s7, $0x2;
	s19 =	smov.u32 @p4 s12  }
0x12: {  	s7 =	sadd.s32 $0x1, s7;
	s16 =	simm.s32 @p2 $0x0;
	p2 =	sgt.s32 s19, $0x7F  }
0x13: {  	s13 =	smov.u32 s8;
	s19 =	smov.u32 @p2 s5;
	p2 =	sne.s32 s7, $0x32  }
.Ltmp1:
0x14: {  	s15 =	smov.u32 s10;
	s20 =	simm.s32 @!p1 $0x2;
	(pc) =	sbr.rel @!p2 .LBB1_8-.Ltmp1, $4  }
0x15: {  	s14 =	smov.u32 s11;
	p0 =	por !p0, !p0;
	_ =	swait.ge @!p1 [sflag:s20], $0x4000  }
0x16: {  	[sflag:s20] =	ssyncset.done @!p1 $0x0;
	s8 =	smov.u32 s16;
	s17 =	simm.s32 @p3 $0x0  }
0x17: {  	[sflag:s20] =	ssyncadd.s32 @!p1 $0xFFFFC000;
	s18 =	simm.s32 @p4 $0x0;
	s12 =	smov.u32 s9  }
0x18: {  	s9 =	smov.u32 s17;
	s10 =	smov.u32 s18;
	s11 =	smov.u32 s19  }
.LBB1_1:
0x19: {  	p1 =	sgt.u32 s7, $0x2F  }
0x1a: {  	s16 =	sshrl.u32 @!p1 s9, $0x3  }
0x1b: {  	s17 =	sshll.u32 @!p1 s8, $0x3;
	s16 =	smul.u32 @!p1 $0x1800, s16  }
0x1c: {  	s18 =	sshll.u32 @!p1 s9, $0x7;
	s17 =	sand.u32 @!p1 $0xFFFFFC00, s17  }
0x1d: {  	s16 =	sadd.s32 @!p1 s16, s17;
	s17 =	sand.u32 @!p1 $0x380, s18  }
0x1e: {  	s18 =	sand.u32 @!p1 $0x7F, s8;
	s16 =	sor.u32 @!p1 s17, s16  }
0x1f: {  	s17 =	sor.u32 @!p1 s18, s16  }
0x20: {  	s18 =	smulhi.u32 @!p1 $0xAAAAAAAB, s17  }
0x21: {  	s16 =	smulhi.u32 @!p1 $0xAAAAAAAB, s16  }
0x22: {  	s20 =	smul.u32 @!p1 $0x6000, s11;
	s18 =	sshrl.u32 @!p1 s18, $0x9  }
0x23: {  	s19 =	sxor.u32 @!p1 $0xFFFFFFFF, s7;
	s16 =	sshrl.u32 @!p1 s16, $0x9;
	s18 =	smul.u32 @!p1 $0x300, s18  }
0x24: {  	s21 =	smul.u32 @!p1 $0xC00, s10;
	s19 =	sshll.u32 @!p1 s19, $0xE;
	s16 =	sand.u32 @!p1 $0x1F, s16  }
0x25: {  	s16 =	smul.u32 @!p1 $0x60, s16;
	s17 =	ssub.s32 @!p1 s17, s18;
	s18 =	sadd.s32 @!p1 s2, s20  }
0x26: {  	s19 =	sand.u32 @!p1 $0x4000, s19;
	s18 =	sadd.s32 @!p1 s21, s18;
	s20 =	sand.u32 @!p1 $0x7, s17  }
0x27: {  	s17 =	sshrl.u32 @!p1 s17, $0x3;
	s16 =	sadd.s32 @!p1 s16, s18;
	s18 =	sshll.u32 @!p1 s20, $0x12  }
0x28: {  	s16 =	sadd.s32 @!p1 s17, s16;
	s17 =	sor.u32 @!p1 $0x400, s18;
	s18 =	simm.s32 @!p1 $0x1800  }
0x29: {  	[tilespmem:s19], [sflag:$0x1] =	stream.strided.gather @!p1 [hbm4b:s16+s17], $0x4000, s18, s17, $0x38;
	[tilespmem:$0x10000] =	vst v63  }
0x2a: {  	p1 =	seq.s32 s7, $0x0  }
0x2b: {  	p2 =	seq.s32 @!p1 s7, $0x31  }
0x2c: {  	p1 =	por p1, p2  }
.Ltmp2:
0x2d: {  	_ = 	snop;
	(pc) =	sbr.rel @p1 .LBB1_7-.Ltmp2, $1  }
0x2e: {  	_ =	sdelay $0x3  }
0x2f: {  	s16 =	simm.s32 $0x1;
	_ =	swait.ge [sflag:s4], $0x4000;
	s19 =	sshll.u32 s7, $0xE  }
0x30: {  	s16 =	simm.s32 @!p0 $0x0;
	[sflag:s4] =	ssyncset.done $0x0;
	s31 =	sand.u32 $0x4000, s19  }
0x31: {  	s19 =	simm.s32 $0x0;
	s16 =	sshll.u32 s16, $0xE;
	[sflag:s4] =	ssyncadd.s32 $0xFFFFC000  }
0x32: {  	s17 =	sor.u32 $0x8040, s16;
	s18 =	sor.u32 $0x40, s16;
	s16 =	sor.u32 $0x8000, s31  }
.LBB1_3:
0x33: {  	v0 =	vmov s18;
	_ =	sdelay $0x3  }
0x34: {  	s21 =	simm.s32 $0x0  }
0x35: {  	v6 =	vld.idx.msk [tilespmem:v0+s21+$0x30 ss:$0x1], $0xffff  }
0x36: {  	v7 =	vld.idx.msk [tilespmem:v0+s21+$0xFFFFFFC0 ss:$0x1], $0xffff  }
0x37: {  	v5 =	vld.idx.msk [tilespmem:v0+s21+$0xFFFFFFD0 ss:$0x1], $0xffff  }
0x38: {  	v4 =	vld.idx.msk [tilespmem:v0+s21+$0xFFFFFFE0 ss:$0x1], $0xffff  }
0x39: {  	v3 =	vld.idx.msk [tilespmem:v0+s21+$0xFFFFFFF0 ss:$0x1], $0xffff  }
0x3a: {  	v1 =	vld.idx.msk [tilespmem:v0+s21+$0x0 ss:$0x1], $0xffff  }
0x3b: {  	v2 =	vld.idx.msk [tilespmem:v0+s21+$0x10 ss:$0x1], $0xffff;
	[tilespmem:s17+$0x30] =	vst v6  }
0x3c: {  	s20 =	simm.s32 $0x80;
	s22 =	simm.s32 $0x400;
	[tilespmem:s17+$0xFFFFFFC0] =	vst v7;
	v6 =	vld.idx.msk [tilespmem:v0+s21+$0x20 ss:$0x1], $0xffff;
	s21 =	smov.u32 s17  }
.LBB1_4:
0x3d: {  	p1 =	sne.s32 s22, $0x3E00;
	v7 =	vld.idx.msk [tilespmem:v0+s20+$0x30 ss:$0x1], $0xffff;
	[tilespmem:s21+$0xFFFFFFD0] =	vst v5  }
0x3e: {  	v8 =	vld.idx.msk [tilespmem:v0+s20+$0xFFFFFFC0 ss:$0x1], $0xffff;
	[tilespmem:s21+$0xFFFFFFE0] =	vst v4  }
0x3f: {  	v5 =	vld.idx.msk [tilespmem:v0+s20+$0xFFFFFFD0 ss:$0x1], $0xffff;
	[tilespmem:s21+$0xFFFFFFF0] =	vst v3  }
.Ltmp3:
0x40: {  	v4 =	vld.idx.msk [tilespmem:v0+s20+$0xFFFFFFE0 ss:$0x1], $0xffff;
	[tilespmem:s21+$0x0] =	vst v1;
	(pc) =	sbr.rel @p1 .LBB1_4-.Ltmp3, $4  }
0x41: {  	v3 =	vld.idx.msk [tilespmem:v0+s20+$0xFFFFFFF0 ss:$0x1], $0xffff;
	[tilespmem:s21+$0x10] =	vst v2  }
0x42: {  	v1 =	vld.idx.msk [tilespmem:v0+s20+$0x0 ss:$0x1], $0xffff;
	[tilespmem:s21+$0x20] =	vst v6;
	s21 =	sadd.s32 $0x200, s21  }
0x43: {  	v2 =	vld.idx.msk [tilespmem:v0+s20+$0x10 ss:$0x1], $0xffff;
	[tilespmem:s21+$0x30] =	vst v7  }
0x44: {  	[tilespmem:s21+$0xFFFFFFC0] =	vst v8;
	v6 =	vld.idx.msk [tilespmem:v0+s20+$0x20 ss:$0x1], $0xffff;
	s20 =	sshra.s32 s22, $0x2;
	s22 =	sadd.s32 $0x200, s22  }
0x45: {  	_ =	sdelay $0x2  }
0x46: {  	[tilespmem:s21+$0xFFFFFFD0] =	vst v5  }
0x47: {  	v56 =	vld.idx.msk [tilespmem:v0+s20+$0x30 ss:$0x1], $0xffff;
	[tilespmem:s21+$0xFFFFFFE0] =	vst v4  }
0x48: {  	v57 =	vld.idx.msk [tilespmem:v0+s20+$0xFFFFFFC0 ss:$0x1], $0xffff;
	[tilespmem:s21+$0xFFFFFFF0] =	vst v3  }
0x49: {  	v58 =	vld.idx.msk [tilespmem:v0+s20+$0xFFFFFFD0 ss:$0x1], $0xffff;
	[tilespmem:s21+$0x0] =	vst v1  }
0x4a: {  	v59 =	vld.idx.msk [tilespmem:v0+s20+$0xFFFFFFE0 ss:$0x1], $0xffff;
	[tilespmem:s21+$0x10] =	vst v2  }
0x4b: {  	v60 =	vld.idx.msk [tilespmem:v0+s20+$0xFFFFFFF0 ss:$0x1], $0xffff;
	s31 =	sadd.s32 $0x200, s21;
	[tilespmem:s21+$0x20] =	vst v6  }
0x4c: {  	v61 =	vld.idx.msk [tilespmem:v0+s20+$0x0 ss:$0x1], $0xffff;
	[tilespmem:s31+$0x30] =	vst v56  }
0x4d: {  	v62 =	vld.idx.msk [tilespmem:v0+s20+$0x10 ss:$0x1], $0xffff;
	s19 =	sadd.s32 $0x1, s19;
	[tilespmem:s31+$0xFFFFFFC0] =	vst v57  }
0x4e: {  	v63 =	vld.idx.msk [tilespmem:v0+s20+$0x20 ss:$0x1], $0xffff;
	p1 =	sne.s32 s19, $0x4;
	[tilespmem:s31+$0xFFFFFFD0] =	vst v58  }
.Ltmp4:
0x4f: {  	[tilespmem:s31+$0xFFFFFFE0] =	vst v59;
	(pc) =	sbr.rel @p1 .LBB1_3-.Ltmp4, $4  }
0x50: {  	[tilespmem:s31+$0xFFFFFFF0] =	vst v60  }
0x51: {  	[tilespmem:s31+$0x0] =	vst v61  }
0x52: {  	[tilespmem:s31+$0x10] =	vst v62  }
0x53: {  	s17 =	sadd.s32 $0x80, s17;
	s18 =	sadd.s32 $0x1000, s18;
	[tilespmem:s31+$0x20] =	vst v63  }
0x54: {  	s17 =	sshrl.u32 s15, $0x3  }
0x55: {  	s18 =	sshll.u32 s13, $0x3;
	s17 =	smul.u32 $0x1800, s17  }
0x56: {  	s27 =	sshll.u32 s15, $0x7;
	s18 =	sand.u32 $0xFFFFFC00, s18  }
0x57: {  	s15 =	sand.u32 $0x380, s27;
	s17 =	sadd.s32 s17, s18  }
0x58: {  	s28 =	sand.u32 $0x7F, s13;
	s15 =	sor.u32 s15, s17  }
0x59: {  	s13 =	sor.u32 s28, s15;
	s15 =	smulhi.u32 $0xAAAAAAAB, s15  }
0x5a: {  	s29 =	smulhi.u32 $0xAAAAAAAB, s13  }
0x5b: {  	s14 =	smul.u32 $0x6000, s14  }
0x5c: {  	s12 =	smul.u32 $0x300, s12;
	s15 =	sshrl.u32 s15, $0x9;
	s17 =	sshrl.u32 s29, $0x9  }
0x5d: {  	s15 =	sand.u32 $0x7, s15;
	s17 =	smul.u32 $0x300, s17  }
0x5e: {  	s15 =	smul.u32 $0x60, s15  }
.Ltmp5:
0x5f: {  	s14 =	sadd.s32 s3, s14;
	s13 =	ssub.s32 s13, s17;
	(pc) =	sbr.rel .LBB1_7-.Ltmp5, $4  }
0x60: {  	s12 =	sadd.s32 s12, s14;
	s30 =	sand.u32 $0x7, s13  }
0x61: {  	s12 =	sadd.s32 s15, s12;
	s13 =	sshrl.u32 s13, $0x3;
	s14 =	sshll.u32 s30, $0x12  }
0x62: {  	s12 =	sadd.s32 s13, s12;
	s31 =	sor.u32 $0x200, s14  }
0x63: {  	[hbm4b:s12+s31] =	stream.strided.scatter [tilespmem:s16], [sflag:$0x2], $0x4000, s6, s31, $0x38;
	[tilespmem:$0x10000] =	vst v63  }
.LBB1_8:
0x64: {  	_ =	sfence.sel $0x180000  }
0x65: {  	s2 =	simm.s32 $0x1;
	[bflag:$0x0] =	sbarrier.arrive $0xFFFF  }
0x66: {  	s31 =	simm.s32 $0x2;
	[sflag:s2] =	ssyncpa.u1 $0x1  }
0x67: {  	[sflag:s31] =	ssyncpa.u1 $0x1  }
0x68: {  	p0 =	sne.s32 s1, $0x0;
	_ =	strace $0x90000047  }
0x69: {  	s0 =	sadd.s32 @!p0 $0x100000, s0;
	[bflag:$0x2] =	sbarrier.arrive $0xFFFF  }
0x6a: {  	[sflag:s0] =	ssyncadd.tile.s32 @!p0 $0x1;
	_ =	shalt  }
.Lfunc_end1:
_tile_overlayer_lowered:
.L_overlay_start_2:
0x6b: {  	(tag) =	ssettag $0x2  }
0x6c: {  	s0 =	rddreg [dreg:$0x0];
	s2 =	stileid.u32  }
0x6d: {  	s1 =	rddreg [dreg:$0x1];
	p0 =	sne.s32 s2, $0x0  }
0x6e: {  	s3 =	rddreg [dreg:$0x2];
	[bflag:$0x3] =	sbarrier.arrive $0xFFFF;
	s2 =	simm.s32 @!p0 $0x1C01  }
0x6f: {  	[timem:s3], [sflag:s2] =	dma.local @!p0 [hbm:s0], s1  }
0x70: {  	s0 =	simm.s32 @!p0 $0x1  }
0x71: {  	_ =	swait.ge @!p0 [sflag:s0], s1  }
0x72: {  	s1 =	ssub.s32 @!p0 $0x0, s1;
	[sflag:s0] =	ssyncset.done @!p0 $0x0  }
0x73: {  	[sflag:s0] =	ssyncadd.s32 @!p0 s1  }
0x74: {  	[bflag:$0x3] =	sbarrier.arrive $0xFFFF  }
0x75: {  	_ =	shalt  }

// kernel: sparse-core-data-format-call.cloned.1.call-start
scs
called_computation_lowered:
.L_overlay_start_0:
0x0: {  	s1 =	sld [smem:$0x3FD9]  }
0x1: {  	s2 =	sld [smem:$0x3FFE];
	_ =	sdelay $0x1  }
0x2: {  	s3 =	srdreg.scid  }
0x3: {  	s0 =	sand.u32 $0x1, s3  }
0x4: {  	s17 =	sshll.u32 s0, $0xA;
	s1 =	sadd.s32 s2, s1  }
0x5: {  	s1 =	sadd.s32 s1, s17  }
0x6: {  	[smem:$0x3FC7] =	sst s1  }
0x7: {  	_ = 	snop  }
0x8: {  	(tm) =	ssettm $0x1  }
0x9: {  	s18 =	sld [smem:$0x3FFB];
	_ =	sdelay $0x3  }
0xa: {  	_ =	strace s18  }
0xb: {  	s1 =	sld [smem:$0x3FFC];
	_ =	sdelay $0x3  }
0xc: {  	_ =	strace s1  }
0xd: {  	s1 =	sld [smem:$0x3FFD];
	_ =	sdelay $0x3  }
0xe: {  	_ =	strace s1  }
0xf: {  	_ =	strace $0x8FFFFFFF  }
0x10: {  	s19 =	sld [smem:$0x3FDB];
	_ =	sdelay $0x1  }
0x11: {  	s20 =	simm.s32 $_scs_section_size  }
0x12: {  	s4 =	simm.s32 $_size__tile_overlayer_lowered;
	s5 =	simm.s32 $_tile_overlayer_lowered  }
0x13: {  	s23 =	simm.s32 $0x1BFF;
	s22 =	sshll.u32 s5, $0x1;
	s1 =	sadd.s32 s20, s19  }
0x14: {  	s6 =	simm.s32 $0x0;
	s21 =	sshll.u32 s4, $0x1;
	s4 =	sadd.s32 s22, s1  }
0x15: {  	[timem:s6], [sflag:s23] =	dma.local [hbm:s4], s21  }
0x16: {  	_ =	swait.ge [sflag:s23], s21  }
0x17: {  	s2 =	ssub.s32 $0x0, s21;
	[sflag:s23] =	ssyncset.done $0x0  }
0x18: {  	[sflag:s23] =	ssyncadd.s32 s2;
	_ =	sdelay $0x1  }
0x19: {  	s24 =	simm.s32 $0x1B8B  }
0x1a: {  	_ =	swait.ge [sflag:s24], $0x1  }
0x1b: {  	[sflag:s24] =	ssyncset.done $0x0  }
0x1c: {  	s26 =	simm.s32 $0x1B8E;
	s25 =	sld [smem:$0x3FFE];
	[sflag:s24] =	ssyncadd.s32 $0xFFFFFFFF  }
0x1d: {  	s27 =	simm.s32 $execute0_lowered;
	[smem:$0x3FD2] =	sst s26  }
0x1e: {  	s4 =	sshll.u32 s27, $0x1;
	_ =	strace $0x8000004C;
	[dreg:$0x1] =	wrdreg $0xFFFFFFFF  }
0x1f: {  	s28 =	simm.s32 $_size_execute0_lowered;
	s1 =	sadd.s32 s1, s4;
	[dreg:$0x0] =	wrdreg $0x0  }
0x20: {  	s4 =	sshll.u32 s28, $0x1;
	[dreg:$0x2] =	wrdreg s1  }
0x21: {  	[dreg:$0x3] =	wrdreg s4  }
0x22: {  	[dreg:$0x4] =	wrdreg $0xC0  }
0x23: {  	_ =	task [dreg:s6], $0x5FFFF  }
0x24: {  	[dreg:$0x1] =	wrdreg $0xFFFFFFFF  }
0x25: {  	[dreg:$0x0] =	wrdreg $0x60  }
0x26: {  	[dreg:$0x2] =	wrdreg s25  }
0x27: {  	[dreg:$0x3] =	wrdreg $0x9  }
0x28: {  	_ =	task.clear_ibuf [dreg:s6], $0x4FFFF;
	_ =	strace $0x9000004C  }
0x29: {  	s29 =	simm.s32 $0x9;
	_ =	strace $0x8000004E  }
0x2a: {  	_ =	swait.ge [sflag:s29], $0x1  }
0x2b: {  	[sflag:s29] =	ssyncadd.s32 $0xFFFFFFFF  }
0x2c: {  	_ =	strace $0x9000004E  }
0x2d: {  	_ =	sfence  }
0x2e: {  	s30 =	sld [smem:$0x0];
	_ =	sdelay $0x2  }
0x2f: {  	s31 =	sshll.u32 s3, $0xD;
	s3 =	sshrl.u32 s3, $0x2  }
0x30: {  	s2 =	sand.u32 $0x4000, s31;
	s1 =	sadd.s32 s3, s30  }
0x31: {  	s0 =	sor.u32 s2, s0;
	s1 =	sshll.u32 s1, $0x11  }
0x32: {  	s0 =	sor.u32 s1, s0  }
0x33: {  	s0 =	sadd.s32 $0x8F2B, s0  }
0x34: {  	[sflag:s0] =	ssyncadd.remote.s32 $0x1  }
0x35: {  	_ =	sfence.sel $0xFFFF  }
0x36: {  	[dreg:$0x0] =	wrdreg $0xFFFFFFFF;
	(pc) =	sbr.abs _section_cstart, $3  }
0x37: {  	[dreg:$0x1] =	wrdreg $0xFFFFFFFF  }
0x38: {  	_ =	task.clear_ibuf [dreg:s6], $0x2FFFF;
	_ =	strace $0x9FFFFFFF  }
0x39: {  	(tm) =	ssettm $0x7FFFFFFF  }
tec
execute0_lowered:
.L_overlay_start_1:
0x0: {  	(tag) =	ssettag $0x1  }
0x1: {  	s0 =	srdreg.scid  }
0x2: {  	s1 =	sshll.u32 s0, $0x4  }
0x3: {  	s4 =	rddreg [dreg:$0x0];
	s0 =	stileid.u32;
	s1 =	sand.u32 $0x10, s1  }
0x4: {  	s7 =	simm.s32 $0x1;
	s8 =	simm.s32 $0x2;
	s1 =	sor.u32 s0, s1  }
0x5: {  	s9 =	simm.s32 $0x0;
	s12 =	simm.s32 $0x0;
	s2 =	sshll.u32 s1, $0x1  }
0x6: {  	s11 =	simm.s32 $0x0;
	s3 =	sadd.s32 $0x1000, s4;
	s6 =	ssub.s32 $0xC00, s2  }
.Ltmp0:
0x7: {  	s4 =	sadd.s32 $0x301000, s4;
	s5 =	sand.u32 $0x3E, s6;
	(pc) =	sbr.rel .LBB1_1-.Ltmp0, $4  }
0x8: {  	s1 =	rddreg [dreg:$0x1];
	_ =	strace $0x8000004D;
	p0 =	sne.s32 s5, $0x0  }
0x9: {  	s6 =	sshrl.u32 s6, $0x6;
	s5 =	simm.s32 $0x1;
	s7 =	simm.s32 @!p0 $0x0  }
0xa: {  	s10 =	smov.u32 s2;
	[sflag:s5] =	ssyncpa.u1 $0x0;
	s6 =	sadd.s32 s7, s6  }
0xb: {  	[sflag:s8] =	ssyncpa.u1 $0x0;
	s8 =	simm.s32 $0x0;
	s7 =	sadd.s32 $0x1, s6  }
.LBB1_9:
0xc: {  	s14 =	sadd.s32 $0x40, s10  }
0xd: {  	p1 =	sgt.s32 s14, $0xBFF  }
0xe: {  	s14 =	smov.u32 @p1 s2;
	p1 =	sne.s32 s11, s7  }
.Ltmp1:
0xf: {  	p0 =	slt.u32 s11, $0x2;
	(pc) =	sbr.rel @!p1 .LBB1_10-.Ltmp1, $4  }
0x10: {  	s13 =	simm.s32 @!p0 $0x2  }
0x11: {  	s15 =	sadd.s32 $0x1, s11;
	_ =	swait.ge @!p0 [sflag:s13], $0x4000  }
0x12: {  	s12 =	smov.u32 s10;
	s9 =	sadd.s32 $0x4000, s9;
	[sflag:s13] =	ssyncset.done @!p0 $0x0  }
0x13: {  	s11 =	smov.u32 s15;
	s10 =	smov.u32 s14;
	[sflag:s13] =	ssyncadd.s32 @!p0 $0xFFFFC000  }
.LBB1_1:
0x14: {  	p0 =	sge.u32 s11, s6  }
0x15: {  	s13 =	sxor.u32 @!p0 $0xFFFFFFFF, s11  }
0x16: {  	s31 =	sadd.s32 $0xFFFFFFFF, s11;
	s14 =	sshll.u32 @!p0 s10, $0xA;
	s13 =	sshll.u32 @!p0 s13, $0xE  }
0x17: {  	s15 =	simm.s32 @!p0 $0x0;
	s14 =	sadd.s32 @!p0 s3, s14;
	s13 =	sand.u32 @!p0 $0x4000, s13  }
0x18: {  	[tilespmem:s13], [sflag:$0x1] =	stream.linear.gather @!p0 [hbm4b:s14+s15], $0x4000, $0x38;
	[tilespmem:$0x10000] =	vst v63  }
0x19: {  	p0 =	sge.u32 s31, s6  }
.Ltmp2:
0x1a: {  	_ = 	snop;
	(pc) =	sbr.rel @p0 .LBB1_9-.Ltmp2, $1  }
0x1b: {  	_ =	sdelay $0x3  }
0x1c: {  	s13 =	sshll.u32 s9, $0x2  }
0x1d: {  	_ =	swait.ge [sflag:s5], $0x4000;
	s14 =	sshll.u32 s11, $0xE;
	s16 =	simm.s32 $0x0  }
0x1e: {  	p1 =	por $0x1, $0x1;
	s13 =	sand.u32 $0x10000, s13;
	[sflag:s5] =	ssyncset.done $0x0  }
0x1f: {  	s14 =	sand.u32 $0x4000, s14;
	s15 =	sshrl.u32 s13, $0x2;
	[sflag:s5] =	ssyncadd.s32 $0xFFFFC000  }
0x20: {  	s13 =	sor.u32 $0x8000, s14;
	s14 =	sadd.s32 $0x8040, s15;
	s15 =	sadd.s32 $0x40, s15  }
.LBB1_3:
0x21: {  	s16 =	sshll.u32 s16, $0x2  }
0x22: {  	p0 =	por p1, p1;
	s17 =	sshra.s32 s16, $0x2  }
0x23: {  	s18 =	simm.s32 $0x0;
	s16 =	sadd.s32 s17, s14;
	s17 =	sadd.s32 s17, s15  }
.LBB1_4:
0x24: {  	v0 =	vmov s17;
	_ =	sdelay $0x3  }
0x25: {  	s20 =	simm.s32 $0x0  }
0x26: {  	v6 =	vld.idx.msk [tilespmem:v0+s20+$0x30 ss:$0x1], $0xffff  }
0x27: {  	v7 =	vld.idx.msk [tilespmem:v0+s20+$0xFFFFFFC0 ss:$0x1], $0xffff  }
0x28: {  	v5 =	vld.idx.msk [tilespmem:v0+s20+$0xFFFFFFD0 ss:$0x1], $0xffff  }
0x29: {  	v4 =	vld.idx.msk [tilespmem:v0+s20+$0xFFFFFFE0 ss:$0x1], $0xffff  }
0x2a: {  	v3 =	vld.idx.msk [tilespmem:v0+s20+$0xFFFFFFF0 ss:$0x1], $0xffff  }
0x2b: {  	v1 =	vld.idx.msk [tilespmem:v0+s20+$0x0 ss:$0x1], $0xffff  }
0x2c: {  	v2 =	vld.idx.msk [tilespmem:v0+s20+$0x10 ss:$0x1], $0xffff;
	[tilespmem:s16+$0x30] =	vst v6  }
0x2d: {  	s19 =	simm.s32 $0x80;
	s21 =	simm.s32 $0x400;
	[tilespmem:s16+$0xFFFFFFC0] =	vst v7;
	v6 =	vld.idx.msk [tilespmem:v0+s20+$0x20 ss:$0x1], $0xffff;
	s20 =	smov.u32 s16  }
.LBB1_5:
0x2e: {  	p1 =	sne.s32 s21, $0xE00;
	v7 =	vld.idx.msk [tilespmem:v0+s19+$0x30 ss:$0x1], $0xffff;
	[tilespmem:s20+$0xFFFFFFD0] =	vst v5  }
0x2f: {  	v8 =	vld.idx.msk [tilespmem:v0+s19+$0xFFFFFFC0 ss:$0x1], $0xffff;
	[tilespmem:s20+$0xFFFFFFE0] =	vst v4  }
0x30: {  	v5 =	vld.idx.msk [tilespmem:v0+s19+$0xFFFFFFD0 ss:$0x1], $0xffff;
	[tilespmem:s20+$0xFFFFFFF0] =	vst v3  }
.Ltmp3:
0x31: {  	v4 =	vld.idx.msk [tilespmem:v0+s19+$0xFFFFFFE0 ss:$0x1], $0xffff;
	[tilespmem:s20+$0x0] =	vst v1;
	(pc) =	sbr.rel @p1 .LBB1_5-.Ltmp3, $4  }
0x32: {  	v3 =	vld.idx.msk [tilespmem:v0+s19+$0xFFFFFFF0 ss:$0x1], $0xffff;
	[tilespmem:s20+$0x10] =	vst v2  }
0x33: {  	v1 =	vld.idx.msk [tilespmem:v0+s19+$0x0 ss:$0x1], $0xffff;
	[tilespmem:s20+$0x20] =	vst v6;
	s20 =	sadd.s32 $0x400, s20  }
0x34: {  	v2 =	vld.idx.msk [tilespmem:v0+s19+$0x10 ss:$0x1], $0xffff;
	[tilespmem:s20+$0x30] =	vst v7  }
0x35: {  	[tilespmem:s20+$0xFFFFFFC0] =	vst v8;
	v6 =	vld.idx.msk [tilespmem:v0+s19+$0x20 ss:$0x1], $0xffff;
	s19 =	sshra.s32 s21, $0x2;
	s21 =	sadd.s32 $0x200, s21  }
0x36: {  	_ =	sdelay $0x2  }
0x37: {  	[tilespmem:s20+$0xFFFFFFD0] =	vst v5  }
0x38: {  	v56 =	vld.idx.msk [tilespmem:v0+s19+$0x30 ss:$0x1], $0xffff;
	[tilespmem:s20+$0xFFFFFFE0] =	vst v4  }
0x39: {  	v57 =	vld.idx.msk [tilespmem:v0+s19+$0xFFFFFFC0 ss:$0x1], $0xffff;
	[tilespmem:s20+$0xFFFFFFF0] =	vst v3  }
0x3a: {  	v58 =	vld.idx.msk [tilespmem:v0+s19+$0xFFFFFFD0 ss:$0x1], $0xffff;
	[tilespmem:s20+$0x0] =	vst v1  }
0x3b: {  	v59 =	vld.idx.msk [tilespmem:v0+s19+$0xFFFFFFE0 ss:$0x1], $0xffff;
	[tilespmem:s20+$0x10] =	vst v2  }
0x3c: {  	v60 =	vld.idx.msk [tilespmem:v0+s19+$0xFFFFFFF0 ss:$0x1], $0xffff;
	s31 =	sadd.s32 $0x400, s20;
	[tilespmem:s20+$0x20] =	vst v6  }
0x3d: {  	v61 =	vld.idx.msk [tilespmem:v0+s19+$0x0 ss:$0x1], $0xffff;
	[tilespmem:s31+$0x30] =	vst v56  }
0x3e: {  	v62 =	vld.idx.msk [tilespmem:v0+s19+$0x10 ss:$0x1], $0xffff;
	s18 =	sadd.s32 $0x1, s18;
	[tilespmem:s31+$0xFFFFFFC0] =	vst v57  }
0x3f: {  	v63 =	vld.idx.msk [tilespmem:v0+s19+$0x20 ss:$0x1], $0xffff;
	p1 =	sne.s32 s18, $0x8;
	[tilespmem:s31+$0xFFFFFFD0] =	vst v58  }
.Ltmp4:
0x40: {  	[tilespmem:s31+$0xFFFFFFE0] =	vst v59;
	(pc) =	sbr.rel @p1 .LBB1_4-.Ltmp4, $4  }
0x41: {  	[tilespmem:s31+$0xFFFFFFF0] =	vst v60  }
0x42: {  	[tilespmem:s31+$0x0] =	vst v61  }
0x43: {  	[tilespmem:s31+$0x10] =	vst v62  }
0x44: {  	s16 =	sadd.s32 $0x80, s16;
	s17 =	sadd.s32 $0x400, s17;
	[tilespmem:s31+$0x20] =	vst v63  }
.Ltmp5:
0x45: {  	(pc) =	sbr.rel @p0 .LBB1_3-.Ltmp5, $2  }
0x46: {  	_ =	sdelay $0x2  }
0x47: {  	s16 =	simm.s32 $0x2000;
	p1 =	por $0x0, $0x0  }
.Ltmp6:
0x48: {  	(pc) =	sbr.rel .LBB1_9-.Ltmp6, $4  }
0x49: {  	_ = 	snop  }
0x4a: {  	s12 =	sshll.u32 s12, $0xA  }
0x4b: {  	s12 =	sadd.s32 s4, s12  }
0x4c: {  	[hbm4b:s12+s8] =	stream.linear.scatter [tilespmem:s13], [sflag:$0x2], $0x4000, $0x38;
	[tilespmem:$0x10000] =	vst v63  }
.LBB1_10:
0x4d: {  	_ =	sfence.sel $0x180000  }
0x4e: {  	s2 =	simm.s32 $0x1;
	[bflag:$0x0] =	sbarrier.arrive $0xFFFF  }
0x4f: {  	s31 =	simm.s32 $0x2;
	[sflag:s2] =	ssyncpa.u1 $0x1  }
0x50: {  	[sflag:s31] =	ssyncpa.u1 $0x1  }
0x51: {  	p0 =	sne.s32 s0, $0x0;
	_ =	strace $0x9000004D  }
0x52: {  	s0 =	sadd.s32 @!p0 $0x100000, s1;
	[bflag:$0x2] =	sbarrier.arrive $0xFFFF  }
0x53: {  	[sflag:s0] =	ssyncadd.tile.s32 @!p0 $0x1;
	_ =	shalt  }
.Lfunc_end1:
_tile_overlayer_lowered:
.L_overlay_start_2:
0x54: {  	(tag) =	ssettag $0x2  }
0x55: {  	s0 =	rddreg [dreg:$0x0];
	s2 =	stileid.u32  }
0x56: {  	s1 =	rddreg [dreg:$0x1];
	p0 =	sne.s32 s2, $0x0  }
0x57: {  	s3 =	rddreg [dreg:$0x2];
	[bflag:$0x3] =	sbarrier.arrive $0xFFFF;
	s2 =	simm.s32 @!p0 $0x1C01  }
0x58: {  	[timem:s3], [sflag:s2] =	dma.local @!p0 [hbm:s0], s1  }
0x59: {  	s0 =	simm.s32 @!p0 $0x1  }
0x5a: {  	_ =	swait.ge @!p0 [sflag:s0], s1  }
0x5b: {  	s1 =	ssub.s32 @!p0 $0x0, s1;
	[sflag:s0] =	ssyncset.done @!p0 $0x0  }
0x5c: {  	[sflag:s0] =	ssyncadd.s32 @!p0 s1  }
0x5d: {  	[bflag:$0x3] =	sbarrier.arrive $0xFFFF  }
0x5e: {  	_ =	shalt  }

</sc_bundles>
